<compile_context>
chip_gen: v7x
topology: tpu7x:2x2x1
jax: 0.10.2.dev20260603
libtpu: 0.0.44.dev20260713+nightly
codegen_flags: <defaults>
</compile_context>

<pallas_src>
import dataclasses
import functools

import jax
import jax.numpy as jnp
from jax import lax
from jax.experimental import pallas as pl
from jax.experimental.pallas import tpu as pltpu
from jax.experimental.pallas import tpu_sc as plsc

_N = 10000
_E = 320000
_D = 128
_NPAD = 10240

_NC = 2
_NS = 16
_NW = _NC * _NS

_EPW_H = _E // _NW
_HCHUNK = 2000
_NHCH = _EPW_H // _HCHUNK

_CHUNK = 128
_NCH = _E // _CHUNK
_CPW = _NCH // _NW
_XTRA = _NCH - _CPW * _NW
_ISLOTS = 4
_RPS = _NPAD // _NS
_ZROWS = 32

_TCB = 1280
_TCG = _NPAD // _TCB


def _sc_mesh():
    return plsc.VectorSubcoreMesh(core_axis_name="c", subcore_axis_name="s")


def _sc_params():
    cp = pltpu.CompilerParams()
    if "needs_layout_passes" in pltpu.CompilerParams.__dataclass_fields__:
        cp = dataclasses.replace(cp, needs_layout_passes=False)
    return cp


def _hist_sc(col):
    @functools.partial(
        pl.kernel,
        out_type=jax.ShapeDtypeStruct((_NW, _NPAD), jnp.float32),
        mesh=_sc_mesh(),
        compiler_params=_sc_params(),
        scratch_types=[
            pltpu.VMEM((_HCHUNK,), jnp.int32),
            pltpu.VMEM((_HCHUNK,), jnp.int32),
            pltpu.VMEM((_NPAD,), jnp.float32),
            pltpu.SemaphoreType.DMA((2,)),
        ],
    )
    def hist_kernel(col_hbm, out_hbm, idx_v0, idx_v1, hist_v, hsem):
        cid = lax.axis_index("c")
        sid = lax.axis_index("s")
        wid = sid * _NC + cid
        bufs = (idx_v0, idx_v1)

        zrow = jnp.zeros((16,), jnp.float32)
        ones16 = jnp.ones((16,), jnp.float32)

        @pl.loop(0, _NPAD, step=16)
        def _(i):
            hist_v[pl.ds(i, 16)] = zrow

        base = wid * _EPW_H

        def chunk_start(k):
            pltpu.async_copy(
                col_hbm.at[pl.ds(base + k * _HCHUNK, _HCHUNK)],
                bufs[k % 2], hsem.at[k % 2])

        def chunk_wait(k):
            pltpu.make_async_copy(
                col_hbm.at[pl.ds(base + k * _HCHUNK, _HCHUNK)],
                bufs[k % 2], hsem.at[k % 2]).wait()

        chunk_start(0)

        for k in range(_NHCH):
            chunk_wait(k)
            if k + 1 < _NHCH:
                chunk_start(k + 1)
            idx_b = bufs[k % 2]

            @pl.loop(0, _HCHUNK, step=80)
            def _(j, idx_b=idx_b):
                plsc.addupdate_scatter(
                    hist_v, [idx_b[pl.ds(j, 16)]], ones16)
                plsc.addupdate_scatter(
                    hist_v, [idx_b[pl.ds(j + 16, 16)]], ones16)
                plsc.addupdate_scatter(
                    hist_v, [idx_b[pl.ds(j + 32, 16)]], ones16)
                plsc.addupdate_scatter(
                    hist_v, [idx_b[pl.ds(j + 48, 16)]], ones16)
                plsc.addupdate_scatter(
                    hist_v, [idx_b[pl.ds(j + 64, 16)]], ones16)

        pltpu.sync_copy(hist_v, out_hbm.at[wid])

    return hist_kernel(col)


def _prep_body(x_ref, w_ref, b_ref, dp_ref, y_ref):
    xl = lax.dot_general(
        x_ref[...], w_ref[...], (((1,), (1,)), ((), ())),
        preferred_element_type=jnp.float32) + b_ref[...]
    deg = 1.0 + jnp.sum(dp_ref[...], axis=0)
    dis = lax.rsqrt(deg)
    y_ref[...] = xl * dis[:, None]


def _prep_tc(x, w2, b2_lin, hist):
    return pl.pallas_call(
        _prep_body,
        grid=(_TCG,),
        in_specs=[
            pl.BlockSpec((_TCB, _D), lambda i: (i, 0)),
            pl.BlockSpec((_D, _D), lambda i: (0, 0)),
            pl.BlockSpec((1, _D), lambda i: (0, 0)),
            pl.BlockSpec((_NW, _TCB), lambda i: (0, i)),
        ],
        out_specs=pl.BlockSpec((_TCB, _D), lambda i: (i, 0)),
        out_shape=jax.ShapeDtypeStruct((_NPAD, _D), jnp.float32),
    )(x, w2, b2_lin.reshape(1, _D), hist)


def _agg_sc(row1, col1, y):
    @functools.partial(
        pl.kernel,
        out_type=jax.ShapeDtypeStruct((_NC, _NPAD, _D), jnp.float32),
        mesh=_sc_mesh(),
        scratch_types=[
            pltpu.VMEM((_ISLOTS, 2, _CHUNK), jnp.int32),
            pltpu.VMEM((_CHUNK, _D), jnp.float32),
            pltpu.VMEM((_CHUNK, _D), jnp.float32),
            pltpu.VMEM((_ZROWS, _D), jnp.float32),
            pltpu.VMEM_SHARED((_NPAD, _D), jnp.float32),
            pltpu.SemaphoreType.DMA((_ISLOTS,)),
            pltpu.SemaphoreType.DMA((_ISLOTS,)),
            pltpu.SemaphoreType.DMA((2,)),
            pltpu.SemaphoreType.DMA((2,)),
        ],
    )
    def agg_kernel(row_hbm, col_hbm, y_hbm, out_hbm,
                   idx_v, rows_v0, rows_v1, zero_v, agg_sh,
                   irsem, icsem, gsem, ssem):
        cid = lax.axis_index("c")
        sid = lax.axis_index("s")
        wid = sid * _NC + cid
        base = wid * _CPW
        bufs = (rows_v0, rows_v1)

        zrow = jnp.zeros((16,), jnp.float32)

        @pl.loop(0, _ZROWS)
        def _(r):
            @pl.loop(0, _D, step=16)
            def _(j):
                zero_v[r, pl.ds(j, 16)] = zrow

        @pl.loop(0, _RPS, step=_ZROWS)
        def _(r):
            pltpu.sync_copy(zero_v, agg_sh.at[pl.ds(sid * _RPS + r, _ZROWS)])

        plsc.subcore_barrier()

        def idx_start(c):
            s = c % _ISLOTS
            g = base + jnp.minimum(c, _CPW - 1)
            pltpu.async_copy(row_hbm.at[pl.ds(g * _CHUNK, _CHUNK)],
                             idx_v.at[s, 0], irsem.at[s])
            pltpu.async_copy(col_hbm.at[pl.ds(g * _CHUNK, _CHUNK)],
                             idx_v.at[s, 1], icsem.at[s])

        def idx_wait(c):
            s = c % _ISLOTS
            g = base + jnp.minimum(c, _CPW - 1)
            pltpu.make_async_copy(row_hbm.at[pl.ds(g * _CHUNK, _CHUNK)],
                                  idx_v.at[s, 0], irsem.at[s]).wait()
            pltpu.make_async_copy(col_hbm.at[pl.ds(g * _CHUNK, _CHUNK)],
                                  idx_v.at[s, 1], icsem.at[s]).wait()

        def gather_start(b, c):
            pltpu.async_copy(y_hbm.at[idx_v.at[c % _ISLOTS, 0]], bufs[b],
                             gsem.at[b])

        def gather_wait(b, c):
            pltpu.make_async_copy(
                y_hbm.at[idx_v.at[c % _ISLOTS, 0]], bufs[b],
                gsem.at[b]).wait()

        def scatter_start(b, c):
            pltpu.async_copy(
                bufs[b], agg_sh.at[idx_v.at[c % _ISLOTS, 1]], ssem.at[b],
                add=True)

        def scatter_wait(b, c):
            pltpu.make_async_copy(
                bufs[b], agg_sh.at[idx_v.at[c % _ISLOTS, 1]],
                ssem.at[b]).wait()

        idx_start(0)
        idx_start(1)
        idx_start(2)
        idx_start(3)
        idx_wait(0)
        gather_start(0, 0)
        idx_wait(1)
        gather_start(1, 1)

        @pl.loop(0, _CPW - 2, step=2)
        def _(g):
            gather_wait(0, g)
            scatter_start(0, g)
            gather_wait(1, g + 1)
            scatter_start(1, g + 1)
            idx_wait(g + 2)
            scatter_wait(0, g)
            gather_start(0, g + 2)
            idx_wait(g + 3)
            scatter_wait(1, g + 1)
            gather_start(1, g + 3)
            idx_start(g + 4)
            idx_start(g + 5)

        g_last = _CPW - 2
        gather_wait(0, g_last)
        scatter_start(0, g_last)
        gather_wait(1, g_last + 1)
        scatter_start(1, g_last + 1)
        scatter_wait(0, g_last)
        scatter_wait(1, g_last + 1)
        idx_wait(_CPW)
        idx_wait(_CPW + 1)

        @pl.when(wid < _XTRA)
        def _():
            gx = _CPW * _NW + wid
            pltpu.sync_copy(row_hbm.at[pl.ds(gx * _CHUNK, _CHUNK)],
                            idx_v.at[0, 0])
            pltpu.sync_copy(col_hbm.at[pl.ds(gx * _CHUNK, _CHUNK)],
                            idx_v.at[0, 1])
            pltpu.async_copy(y_hbm.at[idx_v.at[0, 0]], rows_v0, gsem.at[0])
            pltpu.make_async_copy(
                y_hbm.at[idx_v.at[0, 0]], rows_v0, gsem.at[0]).wait()
            pltpu.async_copy(rows_v0, agg_sh.at[idx_v.at[0, 1]], ssem.at[0],
                             add=True)
            pltpu.make_async_copy(
                rows_v0, agg_sh.at[idx_v.at[0, 1]], ssem.at[0]).wait()

        plsc.subcore_barrier()
        pltpu.sync_copy(
            agg_sh.at[pl.ds(sid * _RPS, _RPS)],
            out_hbm.at[cid, pl.ds(sid * _RPS, _RPS)])

    return agg_kernel(row1, col1, y)


def _final_body(y_ref, agg_ref, dp_ref, m_ref, b_ref, out_ref):
    deg = 1.0 + jnp.sum(dp_ref[...], axis=0)
    dis = lax.rsqrt(deg)
    y = y_ref[...]
    xl = y * jnp.sqrt(deg)[:, None]
    aggsum = agg_ref[0] + agg_ref[1] + y
    m = m_ref[...]
    out_ref[...] = (m * xl + (1.0 - m) * (aggsum * dis[:, None])
                    + b_ref[...])


def _final_tc(y, agg_parts, hist, m_f32, bias):
    return pl.pallas_call(
        _final_body,
        grid=(_TCG,),
        in_specs=[
            pl.BlockSpec((_TCB, _D), lambda i: (i, 0)),
            pl.BlockSpec((_NC, _TCB, _D), lambda i: (0, i, 0)),
            pl.BlockSpec((_NW, _TCB), lambda i: (0, i)),
            pl.BlockSpec((_TCB, 1), lambda i: (i, 0)),
            pl.BlockSpec((1, _D), lambda i: (0, 0)),
        ],
        out_specs=pl.BlockSpec((_TCB, _D), lambda i: (i, 0)),
        out_shape=jax.ShapeDtypeStruct((_N, _D), jnp.float32),
    )(y, agg_parts, hist, m_f32, bias.reshape(1, _D))


def kernel(edge_index, edge_weight, x, M, W1, b1_lin, bias1, W2, b2_lin, bias2):
    row1 = edge_index[0]
    col1 = edge_index[1]
    m_f32 = M.astype(jnp.float32)
    hist = _hist_sc(col1)
    y = _prep_tc(x, W2, b2_lin, hist)
    agg_parts = _agg_sc(row1, col1, y)
    return _final_tc(y, agg_parts, hist, m_f32, bias2)

# --- scband reference (transcript-rebuilt; emitter-appended) ---
"""Pipeline reference for scband-fpgcn-90254442758733 (READ-ONLY COPY).

The authoritative reference and input builder live on the scoring server;
editing this copy changes nothing except your own understanding.
"""

import jax, jax.numpy as jnp
import numpy as np

N = 10000
E = 320000
D = 128


def setup_inputs(seed: int = 0) -> dict:
    key = jax.random.key(seed)
    ks = jax.random.split(key, 12)
    edge_index = jax.random.randint(ks[0], (2, E), 0, N, dtype=jnp.int32)
    edge_weight = jax.random.uniform(ks[1], (E,), dtype=jnp.float32)
    x = jax.random.normal(ks[2], (N, D), dtype=jnp.float32)
    M = jax.random.bernoulli(ks[3], 0.5, (N, 1))
    s = 1.0 / np.sqrt(D)
    W1 = jax.random.uniform(ks[4], (D, D), dtype=jnp.float32, minval=-s, maxval=s)
    b1_lin = jax.random.uniform(ks[5], (D,), dtype=jnp.float32, minval=-s, maxval=s)
    bias1 = jnp.zeros((D,), dtype=jnp.float32)
    W2 = jax.random.uniform(ks[6], (D, D), dtype=jnp.float32, minval=-s, maxval=s)
    b2_lin = jax.random.uniform(ks[7], (D,), dtype=jnp.float32, minval=-s, maxval=s)
    bias2 = jnp.zeros((D,), dtype=jnp.float32)
    return {"edge_index": edge_index, "edge_weight": edge_weight, "x": x, "M": M,
            "W1": W1, "b1_lin": b1_lin, "bias1": bias1,
            "W2": W2, "b2_lin": b2_lin, "bias2": bias2}


def _fplayer(x, W, b_lin, bias, row, col, M):
    # add_self_loops
    loops = jnp.arange(N, dtype=row.dtype)
    row_aug = jnp.concatenate([row, loops])
    col_aug = jnp.concatenate([col, loops])
    # degree(col) on augmented edges
    ones = jnp.ones(row_aug.shape[0], dtype=x.dtype)
    deg = jax.ops.segment_sum(ones, col_aug, num_segments=N)
    deg_inv_sqrt = jnp.where(deg > 0, deg ** -0.5, 0.0)
    norm = deg_inv_sqrt[row_aug] * deg_inv_sqrt[col_aug]
    # linear
    xl = x @ W.T + b_lin
    # message + scatter-add aggregation at col (source_to_target)
    msgs = norm[:, None] * jnp.take(xl, row_aug, axis=0)
    agg = jax.ops.segment_sum(msgs, col_aug, num_segments=N)
    # out = agg * ~M + xl * M + bias
    out = jnp.where(M, xl, agg) + bias
    return out


def reference(edge_index, edge_weight, x, M, W1, b1_lin, bias1, W2, b2_lin, bias2):
    row = edge_index[0]
    col = edge_index[1]
    x_hat = jax.nn.relu(_fplayer(x, W1, b1_lin, bias1, row, col, M))
    # NOTE: faithful to original code: conv2 consumes the ORIGINAL x (x_hat is passed
    # to FPLayer.forward but unused inside it). Requires in_channels == hidden_channels.
    out = _fplayer(x, W2, b2_lin, bias2, row, col, M)
    return out

if __name__ == "__main__":
    import jax
    _d = setup_inputs()
    print(jax.jit(kernel)(*tuple(_d.values())))

</pallas_src>

<mosaic_0001>
#map = affine_map<(d0, d1) -> (0)>
#map1 = affine_map<(d0, d1) -> (0, 0)>
#map2 = affine_map<(d0, d1) -> (0, 0, 0)>
module attributes {stable_mosaic.version = 14 : i64} {
  func.func @agg_kernel(%arg0: i32, %arg1: i32, %arg2: memref<320000xi32, #tpu.memory_space<hbm>>, %arg3: memref<320000xi32, #tpu.memory_space<hbm>>, %arg4: memref<10240x128xf32, #tpu.memory_space<hbm>>, %arg5: memref<2x10240x128xf32, #tpu.memory_space<hbm>>, %arg6: memref<4x2x128xi32, #tpu.memory_space<vmem>>, %arg7: memref<128x128xf32, #tpu.memory_space<vmem>>, %arg8: memref<128x128xf32, #tpu.memory_space<vmem>>, %arg9: memref<32x128xf32, #tpu.memory_space<vmem>>, %arg10: memref<10240x128xf32, #tpu.memory_space<vmem_shared>>, %arg11: memref<4x!tpu.dma_semaphore, #tpu.memory_space<semaphore_mem>>, %arg12: memref<4x!tpu.dma_semaphore, #tpu.memory_space<semaphore_mem>>, %arg13: memref<2x!tpu.dma_semaphore, #tpu.memory_space<semaphore_mem>>, %arg14: memref<2x!tpu.dma_semaphore, #tpu.memory_space<semaphore_mem>>) attributes {dimension_semantics = [#tpu.dimension_semantics<core_parallel>, #tpu.dimension_semantics<subcore_parallel>], iteration_bounds = array<i64: 2, 16>, scalar_prefetch = 0 : i64, scratch_operands = 9 : i64, tpu.core_type = #tpu.core_type<sc_vector_subcore>, window_params = [{transform_indices = #map}, {transform_indices = #map}, {transform_indices = #map1}, {transform_indices = #map2}]} {
    %mul3A = arith.constant 2 : i32
    %mul3A_0 = arith.muli %arg1, %mul3A : i32
    %add3A = arith.addi %mul3A_0, %arg0 : i32
    %mul3A_1 = arith.constant 78 : i32
    %mul3A_2 = arith.muli %add3A, %mul3A_1 : i32
    %broadcast_in_dim3A = arith.constant 0.000000e+00 : f32
    %broadcast_in_dim3A_3 = vector.broadcast %broadcast_in_dim3A : f32 to vector<16xf32>
    %scan3A = arith.constant 0 : i32
    %scan3A_4 = arith.constant 32 : i32
    %scan3A_5 = arith.addi %scan3A, %scan3A_4 : i32
    %scan3A_6 = arith.constant 1 : i32
    scf.for %scan3A_382 = %scan3A to %scan3A_5 step %scan3A_6  : i32 {
      %mul3A_383 = arith.constant 1 : i32
      %mul3A_384 = arith.muli %scan3A_382, %mul3A_383 : i32
      %add3A_385 = arith.constant 0 : i32
      %add3A_386 = arith.addi %add3A_385, %mul3A_384 : i32
      %scan3A_387 = arith.constant 0 : i32
      %scan3A_388 = arith.constant 8 : i32
      %scan3A_389 = arith.addi %scan3A_387, %scan3A_388 : i32
      %scan3A_390 = arith.constant 1 : i32
      scf.for %scan3A_392 = %scan3A_387 to %scan3A_389 step %scan3A_390  : i32 {
        %mul3A_393 = arith.constant 16 : i32
        %mul3A_394 = arith.muli %scan3A_392, %mul3A_393 : i32
        %add3A_395 = arith.constant 0 : i32
        %add3A_396 = arith.addi %add3A_395, %mul3A_394 : i32
        %swap3A = arith.index_cast %add3A_386 : i32 to index
        %swap3A_397 = arith.index_cast %add3A_396 : i32 to index
        %swap3A_398 = tpu.vector_load %arg9[%swap3A, %swap3A_397] {strides = array<i32>} : memref<32x128xf32, #tpu.memory_space<vmem>>, vector<1x16xf32>,
        %swap3A_399 = vector.shape_cast %swap3A_398 : vector<1x16xf32> to vector<16xf32>
        %swap3A_400 = vector.shape_cast %broadcast_in_dim3A_3 : vector<16xf32> to vector<1x16xf32>
        tpu.vector_store %arg9[%swap3A, %swap3A_397], %swap3A_400 {strides = array<i32>} : memref<32x128xf32, #tpu.memory_space<vmem>>, vector<1x16xf32>,
      }
      %scan3A_391 = arith.constant 8 : i32
    }
    %scan3A_7 = arith.constant 32 : i32
    %scan3A_8 = arith.constant 0 : i32
    %scan3A_9 = arith.constant 20 : i32
    %scan3A_10 = arith.addi %scan3A_8, %scan3A_9 : i32
    %scan3A_11 = arith.constant 1 : i32
    scf.for %scan3A_382 = %scan3A_8 to %scan3A_10 step %scan3A_11  : i32 {
      %mul3A_383 = arith.constant 32 : i32
      %mul3A_384 = arith.muli %scan3A_382, %mul3A_383 : i32
      %add3A_385 = arith.constant 0 : i32
      %add3A_386 = arith.addi %add3A_385, %mul3A_384 : i32
      %mul3A_387 = arith.constant 640 : i32
      %mul3A_388 = arith.muli %arg1, %mul3A_387 : i32
      %add3A_389 = arith.addi %mul3A_388, %add3A_386 : i32
      "tpu.region"() ({
        %run_scoped3A = tpu.sem_alloc : memref<!tpu.dma_semaphore, #tpu.memory_space<semaphore_mem>>
        %dma_start3A_390 = arith.constant 0 : i32
        %dma_start3A_391 = tpu.memref_slice %arg10[%add3A_389, %dma_start3A_390] : memref<10240x128xf32, #tpu.memory_space<vmem_shared>> -> memref<32x128xf32, #tpu.memory_space<vmem_shared>>
        %dma_start3A_392 = arith.constant 0 : i32
        %dma_start3A_393 = tpu.memref_slice %arg10[%add3A_389, %dma_start3A_392] : memref<10240x128xf32, #tpu.memory_space<vmem_shared>> -> memref<32x128xf32, #tpu.memory_space<vmem_shared>>
        tpu.enqueue_dma source(%arg9 : memref<32x128xf32, #tpu.memory_space<vmem>>) target(%dma_start3A_393 : memref<32x128xf32, #tpu.memory_space<vmem_shared>>) target_semaphore(%run_scoped3A : memref<!tpu.dma_semaphore, #tpu.memory_space<semaphore_mem>>)
        %dma_wait3A_394 = arith.constant 0 : i32
        %dma_wait3A_395 = tpu.memref_slice %arg10[%add3A_389, %dma_wait3A_394] : memref<10240x128xf32, #tpu.memory_space<vmem_shared>> -> memref<32x128xf32, #tpu.memory_space<vmem_shared>>
        %dma_wait3A_396 = arith.constant 0 : i32
        %dma_wait3A_397 = tpu.memref_slice %arg10[%add3A_389, %dma_wait3A_396] : memref<10240x128xf32, #tpu.memory_space<vmem_shared>> -> memref<32x128xf32, #tpu.memory_space<vmem_shared>>
        tpu.wait_dma2 semaphore(%run_scoped3A : memref<!tpu.dma_semaphore, #tpu.memory_space<semaphore_mem>>) src(%arg9 : memref<32x128xf32, #tpu.memory_space<vmem>>) dst(%dma_wait3A_397 : memref<32x128xf32, #tpu.memory_space<vmem_shared>>)
        tpu.yield
      }) : () -> ()
    }
    %scan3A_12 = arith.constant 20 : i32
    %barrier3A = arith.constant 0 : index
    tpu.barrier barrier_id(%barrier3A)
    %min3A = arith.constant 0 : i32
    %min3A_13 = arith.constant 77 : i32
    %min3A_14 = arith.minsi %min3A, %min3A_13 : i32
    %add3A_15 = arith.addi %mul3A_2, %min3A_14 : i32
    %mul3A_16 = arith.constant 128 : i32
    %mul3A_17 = arith.muli %add3A_15, %mul3A_16 : i32
    %dma_start3A = arith.constant 0 : i32
    %dma_start3A_18 = arith.constant 0 : i32
    %dma_start3A_19 = arith.constant 0 : i32
    %dma_start3A_20 = arith.constant 0 : i32
    %dma_start3A_21 = tpu.memref_slice %arg6[%dma_start3A, %dma_start3A_18, %dma_start3A_20] : memref<4x2x128xi32, #tpu.memory_space<vmem>> -> memref<1x1x128xi32, #tpu.memory_space<vmem>>
    %dma_start3A_22 = tpu.memref_squeeze %dma_start3A_21 : memref<1x1x128xi32, #tpu.memory_space<vmem>> -> memref<128xi32, #tpu.memory_space<vmem>>
    %dma_start3A_23 = tpu.memref_slice %arg2[%mul3A_17] : memref<320000xi32, #tpu.memory_space<hbm>> -> memref<128xi32, #tpu.memory_space<hbm>>
    %dma_start3A_24 = tpu.memref_slice %arg11[%dma_start3A_19] : memref<4x!tpu.dma_semaphore, #tpu.memory_space<semaphore_mem>> -> memref<1x!tpu.dma_semaphore, #tpu.memory_space<semaphore_mem>>
    %dma_start3A_25 = tpu.memref_squeeze %dma_start3A_24 : memref<1x!tpu.dma_semaphore, #tpu.memory_space<semaphore_mem>> -> memref<!tpu.dma_semaphore, #tpu.memory_space<semaphore_mem>>
    %dma_start3A_26 = arith.constant 0 : i32
    %dma_start3A_27 = tpu.memref_slice %arg6[%dma_start3A, %dma_start3A_18, %dma_start3A_26] : memref<4x2x128xi32, #tpu.memory_space<vmem>> -> memref<1x1x128xi32, #tpu.memory_space<vmem>>
    %dma_start3A_28 = tpu.memref_squeeze %dma_start3A_27 : memref<1x1x128xi32, #tpu.memory_space<vmem>> -> memref<128xi32, #tpu.memory_space<vmem>>
    %dma_start3A_29 = tpu.memref_slice %arg2[%mul3A_17] : memref<320000xi32, #tpu.memory_space<hbm>> -> memref<128xi32, #tpu.memory_space<hbm>>
    tpu.enqueue_dma source(%dma_start3A_29 : memref<128xi32, #tpu.memory_space<hbm>>) target(%dma_start3A_28 : memref<128xi32, #tpu.memory_space<vmem>>) target_semaphore(%dma_start3A_25 : memref<!tpu.dma_semaphore, #tpu.memory_space<semaphore_mem>>)
    %mul3A_30 = arith.constant 128 : i32
    %mul3A_31 = arith.muli %add3A_15, %mul3A_30 : i32
    %dma_start3A_32 = arith.constant 0 : i32
    %dma_start3A_33 = arith.constant 1 : i32
    %dma_start3A_34 = arith.constant 0 : i32
    %dma_start3A_35 = arith.constant 0 : i32
    %dma_start3A_36 = tpu.memref_slice %arg6[%dma_start3A_32, %dma_start3A_33, %dma_start3A_35] : memref<4x2x128xi32, #tpu.memory_space<vmem>> -> memref<1x1x128xi32, #tpu.memory_space<vmem>>
    %dma_start3A_37 = tpu.memref_squeeze %dma_start3A_36 : memref<1x1x128xi32, #tpu.memory_space<vmem>> -> memref<128xi32, #tpu.memory_space<vmem>>
    %dma_start3A_38 = tpu.memref_slice %arg3[%mul3A_31] : memref<320000xi32, #tpu.memory_space<hbm>> -> memref<128xi32, #tpu.memory_space<hbm>>
    %dma_start3A_39 = tpu.memref_slice %arg12[%dma_start3A_34] : memref<4x!tpu.dma_semaphore, #tpu.memory_space<semaphore_mem>> -> memref<1x!tpu.dma_semaphore, #tpu.memory_space<semaphore_mem>>
    %dma_start3A_40 = tpu.memref_squeeze %dma_start3A_39 : memref<1x!tpu.dma_semaphore, #tpu.memory_space<semaphore_mem>> -> memref<!tpu.dma_semaphore, #tpu.memory_space<semaphore_mem>>
    %dma_start3A_41 = arith.constant 0 : i32
    %dma_start3A_42 = tpu.memref_slice %arg6[%dma_start3A_32, %dma_start3A_33, %dma_start3A_41] : memref<4x2x128xi32, #tpu.memory_space<vmem>> -> memref<1x1x128xi32, #tpu.memory_space<vmem>>
    %dma_start3A_43 = tpu.memref_squeeze %dma_start3A_42 : memref<1x1x128xi32, #tpu.memory_space<vmem>> -> memref<128xi32, #tpu.memory_space<vmem>>
    %dma_start3A_44 = tpu.memref_slice %arg3[%mul3A_31] : memref<320000xi32, #tpu.memory_space<hbm>> -> memref<128xi32, #tpu.memory_space<hbm>>
    tpu.enqueue_dma source(%dma_start3A_44 : memref<128xi32, #tpu.memory_space<hbm>>) target(%dma_start3A_43 : memref<128xi32, #tpu.memory_space<vmem>>) target_semaphore(%dma_start3A_40 : memref<!tpu.dma_semaphore, #tpu.memory_space<semaphore_mem>>)
    %min3A_45 = arith.constant 1 : i32
    %min3A_46 = arith.constant 77 : i32
    %min3A_47 = arith.minsi %min3A_45, %min3A_46 : i32
    %add3A_48 = arith.addi %mul3A_2, %min3A_47 : i32
    %mul3A_49 = arith.constant 128 : i32
    %mul3A_50 = arith.muli %add3A_48, %mul3A_49 : i32
    %dma_start3A_51 = arith.constant 1 : i32
    %dma_start3A_52 = arith.constant 0 : i32
    %dma_start3A_53 = arith.constant 1 : i32
    %dma_start3A_54 = arith.constant 0 : i32
    %dma_start3A_55 = tpu.memref_slice %arg6[%dma_start3A_51, %dma_start3A_52, %dma_start3A_54] : memref<4x2x128xi32, #tpu.memory_space<vmem>> -> memref<1x1x128xi32, #tpu.memory_space<vmem>>
    %dma_start3A_56 = tpu.memref_squeeze %dma_start3A_55 : memref<1x1x128xi32, #tpu.memory_space<vmem>> -> memref<128xi32, #tpu.memory_space<vmem>>
    %dma_start3A_57 = tpu.memref_slice %arg2[%mul3A_50] : memref<320000xi32, #tpu.memory_space<hbm>> -> memref<128xi32, #tpu.memory_space<hbm>>
    %dma_start3A_58 = tpu.memref_slice %arg11[%dma_start3A_53] : memref<4x!tpu.dma_semaphore, #tpu.memory_space<semaphore_mem>> -> memref<1x!tpu.dma_semaphore, #tpu.memory_space<semaphore_mem>>
    %dma_start3A_59 = tpu.memref_squeeze %dma_start3A_58 : memref<1x!tpu.dma_semaphore, #tpu.memory_space<semaphore_mem>> -> memref<!tpu.dma_semaphore, #tpu.memory_space<semaphore_mem>>
    %dma_start3A_60 = arith.constant 0 : i32
    %dma_start3A_61 = tpu.memref_slice %arg6[%dma_start3A_51, %dma_start3A_52, %dma_start3A_60] : memref<4x2x128xi32, #tpu.memory_space<vmem>> -> memref<1x1x128xi32, #tpu.memory_space<vmem>>
    %dma_start3A_62 = tpu.memref_squeeze %dma_start3A_61 : memref<1x1x128xi32, #tpu.memory_space<vmem>> -> memref<128xi32, #tpu.memory_space<vmem>>
    %dma_start3A_63 = tpu.memref_slice %arg2[%mul3A_50] : memref<320000xi32, #tpu.memory_space<hbm>> -> memref<128xi32, #tpu.memory_space<hbm>>
    tpu.enqueue_dma source(%dma_start3A_63 : memref<128xi32, #tpu.memory_space<hbm>>) target(%dma_start3A_62 : memref<128xi32, #tpu.memory_space<vmem>>) target_semaphore(%dma_start3A_59 : memref<!tpu.dma_semaphore, #tpu.memory_space<semaphore_mem>>)
    %mul3A_64 = arith.constant 128 : i32
    %mul3A_65 = arith.muli %add3A_48, %mul3A_64 : i32
    %dma_start3A_66 = arith.constant 1 : i32
    %dma_start3A_67 = arith.constant 1 : i32
    %dma_start3A_68 = arith.constant 1 : i32
    %dma_start3A_69 = arith.constant 0 : i32
    %dma_start3A_70 = tpu.memref_slice %arg6[%dma_start3A_66, %dma_start3A_67, %dma_start3A_69] : memref<4x2x128xi32, #tpu.memory_space<vmem>> -> memref<1x1x128xi32, #tpu.memory_space<vmem>>
    %dma_start3A_71 = tpu.memref_squeeze %dma_start3A_70 : memref<1x1x128xi32, #tpu.memory_space<vmem>> -> memref<128xi32, #tpu.memory_space<vmem>>
    %dma_start3A_72 = tpu.memref_slice %arg3[%mul3A_65] : memref<320000xi32, #tpu.memory_space<hbm>> -> memref<128xi32, #tpu.memory_space<hbm>>
    %dma_start3A_73 = tpu.memref_slice %arg12[%dma_start3A_68] : memref<4x!tpu.dma_semaphore, #tpu.memory_space<semaphore_mem>> -> memref<1x!tpu.dma_semaphore, #tpu.memory_space<semaphore_mem>>
    %dma_start3A_74 = tpu.memref_squeeze %dma_start3A_73 : memref<1x!tpu.dma_semaphore, #tpu.memory_space<semaphore_mem>> -> memref<!tpu.dma_semaphore, #tpu.memory_space<semaphore_mem>>
    %dma_start3A_75 = arith.constant 0 : i32
    %dma_start3A_76 = tpu.memref_slice %arg6[%dma_start3A_66, %dma_start3A_67, %dma_start3A_75] : memref<4x2x128xi32, #tpu.memory_space<vmem>> -> memref<1x1x128xi32, #tpu.memory_space<vmem>>
    %dma_start3A_77 = tpu.memref_squeeze %dma_start3A_76 : memref<1x1x128xi32, #tpu.memory_space<vmem>> -> memref<128xi32, #tpu.memory_space<vmem>>
    %dma_start3A_78 = tpu.memref_slice %arg3[%mul3A_65] : memref<320000xi32, #tpu.memory_space<hbm>> -> memref<128xi32, #tpu.memory_space<hbm>>
    tpu.enqueue_dma source(%dma_start3A_78 : memref<128xi32, #tpu.memory_space<hbm>>) target(%dma_start3A_77 : memref<128xi32, #tpu.memory_space<vmem>>) target_semaphore(%dma_start3A_74 : memref<!tpu.dma_semaphore, #tpu.memory_space<semaphore_mem>>)
    %min3A_79 = arith.constant 2 : i32
    %min3A_80 = arith.constant 77 : i32
    %min3A_81 = arith.minsi %min3A_79, %min3A_80 : i32
    %add3A_82 = arith.addi %mul3A_2, %min3A_81 : i32
    %mul3A_83 = arith.constant 128 : i32
    %mul3A_84 = arith.muli %add3A_82, %mul3A_83 : i32
    %dma_start3A_85 = arith.constant 2 : i32
    %dma_start3A_86 = arith.constant 0 : i32
    %dma_start3A_87 = arith.constant 2 : i32
    %dma_start3A_88 = arith.constant 0 : i32
    %dma_start3A_89 = tpu.memref_slice %arg6[%dma_start3A_85, %dma_start3A_86, %dma_start3A_88] : memref<4x2x128xi32, #tpu.memory_space<vmem>> -> memref<1x1x128xi32, #tpu.memory_space<vmem>>
    %dma_start3A_90 = tpu.memref_squeeze %dma_start3A_89 : memref<1x1x128xi32, #tpu.memory_space<vmem>> -> memref<128xi32, #tpu.memory_space<vmem>>
    %dma_start3A_91 = tpu.memref_slice %arg2[%mul3A_84] : memref<320000xi32, #tpu.memory_space<hbm>> -> memref<128xi32, #tpu.memory_space<hbm>>
    %dma_start3A_92 = tpu.memref_slice %arg11[%dma_start3A_87] : memref<4x!tpu.dma_semaphore, #tpu.memory_space<semaphore_mem>> -> memref<1x!tpu.dma_semaphore, #tpu.memory_space<semaphore_mem>>
    %dma_start3A_93 = tpu.memref_squeeze %dma_start3A_92 : memref<1x!tpu.dma_semaphore, #tpu.memory_space<semaphore_mem>> -> memref<!tpu.dma_semaphore, #tpu.memory_space<semaphore_mem>>
    %dma_start3A_94 = arith.constant 0 : i32
    %dma_start3A_95 = tpu.memref_slice %arg6[%dma_start3A_85, %dma_start3A_86, %dma_start3A_94] : memref<4x2x128xi32, #tpu.memory_space<vmem>> -> memref<1x1x128xi32, #tpu.memory_space<vmem>>
    %dma_start3A_96 = tpu.memref_squeeze %dma_start3A_95 : memref<1x1x128xi32, #tpu.memory_space<vmem>> -> memref<128xi32, #tpu.memory_space<vmem>>
    %dma_start3A_97 = tpu.memref_slice %arg2[%mul3A_84] : memref<320000xi32, #tpu.memory_space<hbm>> -> memref<128xi32, #tpu.memory_space<hbm>>
    tpu.enqueue_dma source(%dma_start3A_97 : memref<128xi32, #tpu.memory_space<hbm>>) target(%dma_start3A_96 : memref<128xi32, #tpu.memory_space<vmem>>) target_semaphore(%dma_start3A_93 : memref<!tpu.dma_semaphore, #tpu.memory_space<semaphore_mem>>)
    %mul3A_98 = arith.constant 128 : i32
    %mul3A_99 = arith.muli %add3A_82, %mul3A_98 : i32
    %dma_start3A_100 = arith.constant 2 : i32
    %dma_start3A_101 = arith.constant 1 : i32
    %dma_start3A_102 = arith.constant 2 : i32
    %dma_start3A_103 = arith.constant 0 : i32
    %dma_start3A_104 = tpu.memref_slice %arg6[%dma_start3A_100, %dma_start3A_101, %dma_start3A_103] : memref<4x2x128xi32, #tpu.memory_space<vmem>> -> memref<1x1x128xi32, #tpu.memory_space<vmem>>
    %dma_start3A_105 = tpu.memref_squeeze %dma_start3A_104 : memref<1x1x128xi32, #tpu.memory_space<vmem>> -> memref<128xi32, #tpu.memory_space<vmem>>
    %dma_start3A_106 = tpu.memref_slice %arg3[%mul3A_99] : memref<320000xi32, #tpu.memory_space<hbm>> -> memref<128xi32, #tpu.memory_space<hbm>>
    %dma_start3A_107 = tpu.memref_slice %arg12[%dma_start3A_102] : memref<4x!tpu.dma_semaphore, #tpu.memory_space<semaphore_mem>> -> memref<1x!tpu.dma_semaphore, #tpu.memory_space<semaphore_mem>>
    %dma_start3A_108 = tpu.memref_squeeze %dma_start3A_107 : memref<1x!tpu.dma_semaphore, #tpu.memory_space<semaphore_mem>> -> memref<!tpu.dma_semaphore, #tpu.memory_space<semaphore_mem>>
    %dma_start3A_109 = arith.constant 0 : i32
    %dma_start3A_110 = tpu.memref_slice %arg6[%dma_start3A_100, %dma_start3A_101, %dma_start3A_109] : memref<4x2x128xi32, #tpu.memory_space<vmem>> -> memref<1x1x128xi32, #tpu.memory_space<vmem>>
    %dma_start3A_111 = tpu.memref_squeeze %dma_start3A_110 : memref<1x1x128xi32, #tpu.memory_space<vmem>> -> memref<128xi32, #tpu.memory_space<vmem>>
    %dma_start3A_112 = tpu.memref_slice %arg3[%mul3A_99] : memref<320000xi32, #tpu.memory_space<hbm>> -> memref<128xi32, #tpu.memory_space<hbm>>
    tpu.enqueue_dma source(%dma_start3A_112 : memref<128xi32, #tpu.memory_space<hbm>>) target(%dma_start3A_111 : memref<128xi32, #tpu.memory_space<vmem>>) target_semaphore(%dma_start3A_108 : memref<!tpu.dma_semaphore, #tpu.memory_space<semaphore_mem>>)
    %min3A_113 = arith.constant 3 : i32
    %min3A_114 = arith.constant 77 : i32
    %min3A_115 = arith.minsi %min3A_113, %min3A_114 : i32
    %add3A_116 = arith.addi %mul3A_2, %min3A_115 : i32
    %mul3A_117 = arith.constant 128 : i32
    %mul3A_118 = arith.muli %add3A_116, %mul3A_117 : i32
    %dma_start3A_119 = arith.constant 3 : i32
    %dma_start3A_120 = arith.constant 0 : i32
    %dma_start3A_121 = arith.constant 3 : i32
    %dma_start3A_122 = arith.constant 0 : i32
    %dma_start3A_123 = tpu.memref_slice %arg6[%dma_start3A_119, %dma_start3A_120, %dma_start3A_122] : memref<4x2x128xi32, #tpu.memory_space<vmem>> -> memref<1x1x128xi32, #tpu.memory_space<vmem>>
    %dma_start3A_124 = tpu.memref_squeeze %dma_start3A_123 : memref<1x1x128xi32, #tpu.memory_space<vmem>> -> memref<128xi32, #tpu.memory_space<vmem>>
    %dma_start3A_125 = tpu.memref_slice %arg2[%mul3A_118] : memref<320000xi32, #tpu.memory_space<hbm>> -> memref<128xi32, #tpu.memory_space<hbm>>
    %dma_start3A_126 = tpu.memref_slice %arg11[%dma_start3A_121] : memref<4x!tpu.dma_semaphore, #tpu.memory_space<semaphore_mem>> -> memref<1x!tpu.dma_semaphore, #tpu.memory_space<semaphore_mem>>
    %dma_start3A_127 = tpu.memref_squeeze %dma_start3A_126 : memref<1x!tpu.dma_semaphore, #tpu.memory_space<semaphore_mem>> -> memref<!tpu.dma_semaphore, #tpu.memory_space<semaphore_mem>>
    %dma_start3A_128 = arith.constant 0 : i32
    %dma_start3A_129 = tpu.memref_slice %arg6[%dma_start3A_119, %dma_start3A_120, %dma_start3A_128] : memref<4x2x128xi32, #tpu.memory_space<vmem>> -> memref<1x1x128xi32, #tpu.memory_space<vmem>>
    %dma_start3A_130 = tpu.memref_squeeze %dma_start3A_129 : memref<1x1x128xi32, #tpu.memory_space<vmem>> -> memref<128xi32, #tpu.memory_space<vmem>>
    %dma_start3A_131 = tpu.memref_slice %arg2[%mul3A_118] : memref<320000xi32, #tpu.memory_space<hbm>> -> memref<128xi32, #tpu.memory_space<hbm>>
    tpu.enqueue_dma source(%dma_start3A_131 : memref<128xi32, #tpu.memory_space<hbm>>) target(%dma_start3A_130 : memref<128xi32, #tpu.memory_space<vmem>>) target_semaphore(%dma_start3A_127 : memref<!tpu.dma_semaphore, #tpu.memory_space<semaphore_mem>>)
    %mul3A_132 = arith.constant 128 : i32
    %mul3A_133 = arith.muli %add3A_116, %mul3A_132 : i32
    %dma_start3A_134 = arith.constant 3 : i32
    %dma_start3A_135 = arith.constant 1 : i32
    %dma_start3A_136 = arith.constant 3 : i32
    %dma_start3A_137 = arith.constant 0 : i32
    %dma_start3A_138 = tpu.memref_slice %arg6[%dma_start3A_134, %dma_start3A_135, %dma_start3A_137] : memref<4x2x128xi32, #tpu.memory_space<vmem>> -> memref<1x1x128xi32, #tpu.memory_space<vmem>>
    %dma_start3A_139 = tpu.memref_squeeze %dma_start3A_138 : memref<1x1x128xi32, #tpu.memory_space<vmem>> -> memref<128xi32, #tpu.memory_space<vmem>>
    %dma_start3A_140 = tpu.memref_slice %arg3[%mul3A_133] : memref<320000xi32, #tpu.memory_space<hbm>> -> memref<128xi32, #tpu.memory_space<hbm>>
    %dma_start3A_141 = tpu.memref_slice %arg12[%dma_start3A_136] : memref<4x!tpu.dma_semaphore, #tpu.memory_space<semaphore_mem>> -> memref<1x!tpu.dma_semaphore, #tpu.memory_space<semaphore_mem>>
    %dma_start3A_142 = tpu.memref_squeeze %dma_start3A_141 : memref<1x!tpu.dma_semaphore, #tpu.memory_space<semaphore_mem>> -> memref<!tpu.dma_semaphore, #tpu.memory_space<semaphore_mem>>
    %dma_start3A_143 = arith.constant 0 : i32
    %dma_start3A_144 = tpu.memref_slice %arg6[%dma_start3A_134, %dma_start3A_135, %dma_start3A_143] : memref<4x2x128xi32, #tpu.memory_space<vmem>> -> memref<1x1x128xi32, #tpu.memory_space<vmem>>
    %dma_start3A_145 = tpu.memref_squeeze %dma_start3A_144 : memref<1x1x128xi32, #tpu.memory_space<vmem>> -> memref<128xi32, #tpu.memory_space<vmem>>
    %dma_start3A_146 = tpu.memref_slice %arg3[%mul3A_133] : memref<320000xi32, #tpu.memory_space<hbm>> -> memref<128xi32, #tpu.memory_space<hbm>>
    tpu.enqueue_dma source(%dma_start3A_146 : memref<128xi32, #tpu.memory_space<hbm>>) target(%dma_start3A_145 : memref<128xi32, #tpu.memory_space<vmem>>) target_semaphore(%dma_start3A_142 : memref<!tpu.dma_semaphore, #tpu.memory_space<semaphore_mem>>)
    %min3A_147 = arith.constant 0 : i32
    %min3A_148 = arith.constant 77 : i32
    %min3A_149 = arith.minsi %min3A_147, %min3A_148 : i32
    %add3A_150 = arith.addi %mul3A_2, %min3A_149 : i32
    %mul3A_151 = arith.constant 128 : i32
    %mul3A_152 = arith.muli %add3A_150, %mul3A_151 : i32
    %dma_wait3A = arith.constant 0 : i32
    %dma_wait3A_153 = arith.constant 0 : i32
    %dma_wait3A_154 = arith.constant 0 : i32
    %dma_wait3A_155 = arith.constant 0 : i32
    %dma_wait3A_156 = tpu.memref_slice %arg6[%dma_wait3A, %dma_wait3A_153, %dma_wait3A_155] : memref<4x2x128xi32, #tpu.memory_space<vmem>> -> memref<1x1x128xi32, #tpu.memory_space<vmem>>
    %dma_wait3A_157 = tpu.memref_squeeze %dma_wait3A_156 : memref<1x1x128xi32, #tpu.memory_space<vmem>> -> memref<128xi32, #tpu.memory_space<vmem>>
    %dma_wait3A_158 = tpu.memref_slice %arg2[%mul3A_152] : memref<320000xi32, #tpu.memory_space<hbm>> -> memref<128xi32, #tpu.memory_space<hbm>>
    %dma_wait3A_159 = tpu.memref_slice %arg11[%dma_wait3A_154] : memref<4x!tpu.dma_semaphore, #tpu.memory_space<semaphore_mem>> -> memref<1x!tpu.dma_semaphore, #tpu.memory_space<semaphore_mem>>
    %dma_wait3A_160 = tpu.memref_squeeze %dma_wait3A_159 : memref<1x!tpu.dma_semaphore, #tpu.memory_space<semaphore_mem>> -> memref<!tpu.dma_semaphore, #tpu.memory_space<semaphore_mem>>
    %dma_wait3A_161 = arith.constant 0 : i32
    %dma_wait3A_162 = tpu.memref_slice %arg6[%dma_wait3A, %dma_wait3A_153, %dma_wait3A_161] : memref<4x2x128xi32, #tpu.memory_space<vmem>> -> memref<1x1x128xi32, #tpu.memory_space<vmem>>
    %dma_wait3A_163 = tpu.memref_squeeze %dma_wait3A_162 : memref<1x1x128xi32, #tpu.memory_space<vmem>> -> memref<128xi32, #tpu.memory_space<vmem>>
    %dma_wait3A_164 = tpu.memref_slice %arg2[%mul3A_152] : memref<320000xi32, #tpu.memory_space<hbm>> -> memref<128xi32, #tpu.memory_space<hbm>>
    tpu.wait_dma2 semaphore(%dma_wait3A_160 : memref<!tpu.dma_semaphore, #tpu.memory_space<semaphore_mem>>) src(%dma_wait3A_164 : memref<128xi32, #tpu.memory_space<hbm>>) dst(%dma_wait3A_163 : memref<128xi32, #tpu.memory_space<vmem>>)
    %mul3A_165 = arith.constant 128 : i32
    %mul3A_166 = arith.muli %add3A_150, %mul3A_165 : i32
    %dma_wait3A_167 = arith.constant 0 : i32
    %dma_wait3A_168 = arith.constant 1 : i32
    %dma_wait3A_169 = arith.constant 0 : i32
    %dma_wait3A_170 = arith.constant 0 : i32
    %dma_wait3A_171 = tpu.memref_slice %arg6[%dma_wait3A_167, %dma_wait3A_168, %dma_wait3A_170] : memref<4x2x128xi32, #tpu.memory_space<vmem>> -> memref<1x1x128xi32, #tpu.memory_space<vmem>>
    %dma_wait3A_172 = tpu.memref_squeeze %dma_wait3A_171 : memref<1x1x128xi32, #tpu.memory_space<vmem>> -> memref<128xi32, #tpu.memory_space<vmem>>
    %dma_wait3A_173 = tpu.memref_slice %arg3[%mul3A_166] : memref<320000xi32, #tpu.memory_space<hbm>> -> memref<128xi32, #tpu.memory_space<hbm>>
    %dma_wait3A_174 = tpu.memref_slice %arg12[%dma_wait3A_169] : memref<4x!tpu.dma_semaphore, #tpu.memory_space<semaphore_mem>> -> memref<1x!tpu.dma_semaphore, #tpu.memory_space<semaphore_mem>>
    %dma_wait3A_175 = tpu.memref_squeeze %dma_wait3A_174 : memref<1x!tpu.dma_semaphore, #tpu.memory_space<semaphore_mem>> -> memref<!tpu.dma_semaphore, #tpu.memory_space<semaphore_mem>>
    %dma_wait3A_176 = arith.constant 0 : i32
    %dma_wait3A_177 = tpu.memref_slice %arg6[%dma_wait3A_167, %dma_wait3A_168, %dma_wait3A_176] : memref<4x2x128xi32, #tpu.memory_space<vmem>> -> memref<1x1x128xi32, #tpu.memory_space<vmem>>
    %dma_wait3A_178 = tpu.memref_squeeze %dma_wait3A_177 : memref<1x1x128xi32, #tpu.memory_space<vmem>> -> memref<128xi32, #tpu.memory_space<vmem>>
    %dma_wait3A_179 = tpu.memref_slice %arg3[%mul3A_166] : memref<320000xi32, #tpu.memory_space<hbm>> -> memref<128xi32, #tpu.memory_space<hbm>>
    tpu.wait_dma2 semaphore(%dma_wait3A_175 : memref<!tpu.dma_semaphore, #tpu.memory_space<semaphore_mem>>) src(%dma_wait3A_179 : memref<128xi32, #tpu.memory_space<hbm>>) dst(%dma_wait3A_178 : memref<128xi32, #tpu.memory_space<vmem>>)
    %dma_start3A_180 = arith.constant 0 : i32
    %dma_start3A_181 = arith.constant 0 : i32
    %dma_start3A_182 = arith.constant 0 : i32
    %dma_start3A_183 = arith.constant 0 : i32
    %dma_start3A_184 = tpu.memref_slice %arg6[%dma_start3A_180, %dma_start3A_181, %dma_start3A_183] : memref<4x2x128xi32, #tpu.memory_space<vmem>> -> memref<1x1x128xi32, #tpu.memory_space<vmem>>
    %dma_start3A_185 = tpu.memref_squeeze %dma_start3A_184 : memref<1x1x128xi32, #tpu.memory_space<vmem>> -> memref<128xi32, #tpu.memory_space<vmem>>
    %dma_start3A_186 = arith.constant 0 : i32
    %dma_start3A_187 = arith.constant 0 : i32
    %dma_start3A_188 = tpu.memref_slice %arg4[%dma_start3A_186, %dma_start3A_187] : memref<10240x128xf32, #tpu.memory_space<hbm>> -> memref<10240x128xf32, #tpu.memory_space<hbm>>
    %dma_start3A_189 = tpu.memref_slice %arg13[%dma_start3A_182] : memref<2x!tpu.dma_semaphore, #tpu.memory_space<semaphore_mem>> -> memref<1x!tpu.dma_semaphore, #tpu.memory_space<semaphore_mem>>
    %dma_start3A_190 = tpu.memref_squeeze %dma_start3A_189 : memref<1x!tpu.dma_semaphore, #tpu.memory_space<semaphore_mem>> -> memref<!tpu.dma_semaphore, #tpu.memory_space<semaphore_mem>>
    tpu.enqueue_indirect_dma source(%dma_start3A_188 : memref<10240x128xf32, #tpu.memory_space<hbm>>) target(%arg7 : memref<128x128xf32, #tpu.memory_space<vmem>>) offsets(%dma_start3A_185 : memref<128xi32, #tpu.memory_space<vmem>>) semaphore(%dma_start3A_190 : memref<!tpu.dma_semaphore, #tpu.memory_space<semaphore_mem>>)
    %min3A_191 = arith.constant 1 : i32
    %min3A_192 = arith.constant 77 : i32
    %min3A_193 = arith.minsi %min3A_191, %min3A_192 : i32
    %add3A_194 = arith.addi %mul3A_2, %min3A_193 : i32
    %mul3A_195 = arith.constant 128 : i32
    %mul3A_196 = arith.muli %add3A_194, %mul3A_195 : i32
    %dma_wait3A_197 = arith.constant 1 : i32
    %dma_wait3A_198 = arith.constant 0 : i32
    %dma_wait3A_199 = arith.constant 1 : i32
    %dma_wait3A_200 = arith.constant 0 : i32
    %dma_wait3A_201 = tpu.memref_slice %arg6[%dma_wait3A_197, %dma_wait3A_198, %dma_wait3A_200] : memref<4x2x128xi32, #tpu.memory_space<vmem>> -> memref<1x1x128xi32, #tpu.memory_space<vmem>>
    %dma_wait3A_202 = tpu.memref_squeeze %dma_wait3A_201 : memref<1x1x128xi32, #tpu.memory_space<vmem>> -> memref<128xi32, #tpu.memory_space<vmem>>
    %dma_wait3A_203 = tpu.memref_slice %arg2[%mul3A_196] : memref<320000xi32, #tpu.memory_space<hbm>> -> memref<128xi32, #tpu.memory_space<hbm>>
    %dma_wait3A_204 = tpu.memref_slice %arg11[%dma_wait3A_199] : memref<4x!tpu.dma_semaphore, #tpu.memory_space<semaphore_mem>> -> memref<1x!tpu.dma_semaphore, #tpu.memory_space<semaphore_mem>>
    %dma_wait3A_205 = tpu.memref_squeeze %dma_wait3A_204 : memref<1x!tpu.dma_semaphore, #tpu.memory_space<semaphore_mem>> -> memref<!tpu.dma_semaphore, #tpu.memory_space<semaphore_mem>>
    %dma_wait3A_206 = arith.constant 0 : i32
    %dma_wait3A_207 = tpu.memref_slice %arg6[%dma_wait3A_197, %dma_wait3A_198, %dma_wait3A_206] : memref<4x2x128xi32, #tpu.memory_space<vmem>> -> memref<1x1x128xi32, #tpu.memory_space<vmem>>
    %dma_wait3A_208 = tpu.memref_squeeze %dma_wait3A_207 : memref<1x1x128xi32, #tpu.memory_space<vmem>> -> memref<128xi32, #tpu.memory_space<vmem>>
    %dma_wait3A_209 = tpu.memref_slice %arg2[%mul3A_196] : memref<320000xi32, #tpu.memory_space<hbm>> -> memref<128xi32, #tpu.memory_space<hbm>>
    tpu.wait_dma2 semaphore(%dma_wait3A_205 : memref<!tpu.dma_semaphore, #tpu.memory_space<semaphore_mem>>) src(%dma_wait3A_209 : memref<128xi32, #tpu.memory_space<hbm>>) dst(%dma_wait3A_208 : memref<128xi32, #tpu.memory_space<vmem>>)
    %mul3A_210 = arith.constant 128 : i32
    %mul3A_211 = arith.muli %add3A_194, %mul3A_210 : i32
    %dma_wait3A_212 = arith.constant 1 : i32
    %dma_wait3A_213 = arith.constant 1 : i32
    %dma_wait3A_214 = arith.constant 1 : i32
    %dma_wait3A_215 = arith.constant 0 : i32
    %dma_wait3A_216 = tpu.memref_slice %arg6[%dma_wait3A_212, %dma_wait3A_213, %dma_wait3A_215] : memref<4x2x128xi32, #tpu.memory_space<vmem>> -> memref<1x1x128xi32, #tpu.memory_space<vmem>>
    %dma_wait3A_217 = tpu.memref_squeeze %dma_wait3A_216 : memref<1x1x128xi32, #tpu.memory_space<vmem>> -> memref<128xi32, #tpu.memory_space<vmem>>
    %dma_wait3A_218 = tpu.memref_slice %arg3[%mul3A_211] : memref<320000xi32, #tpu.memory_space<hbm>> -> memref<128xi32, #tpu.memory_space<hbm>>
    %dma_wait3A_219 = tpu.memref_slice %arg12[%dma_wait3A_214] : memref<4x!tpu.dma_semaphore, #tpu.memory_space<semaphore_mem>> -> memref<1x!tpu.dma_semaphore, #tpu.memory_space<semaphore_mem>>
    %dma_wait3A_220 = tpu.memref_squeeze %dma_wait3A_219 : memref<1x!tpu.dma_semaphore, #tpu.memory_space<semaphore_mem>> -> memref<!tpu.dma_semaphore, #tpu.memory_space<semaphore_mem>>
    %dma_wait3A_221 = arith.constant 0 : i32
    %dma_wait3A_222 = tpu.memref_slice %arg6[%dma_wait3A_212, %dma_wait3A_213, %dma_wait3A_221] : memref<4x2x128xi32, #tpu.memory_space<vmem>> -> memref<1x1x128xi32, #tpu.memory_space<vmem>>
    %dma_wait3A_223 = tpu.memref_squeeze %dma_wait3A_222 : memref<1x1x128xi32, #tpu.memory_space<vmem>> -> memref<128xi32, #tpu.memory_space<vmem>>
    %dma_wait3A_224 = tpu.memref_slice %arg3[%mul3A_211] : memref<320000xi32, #tpu.memory_space<hbm>> -> memref<128xi32, #tpu.memory_space<hbm>>
    tpu.wait_dma2 semaphore(%dma_wait3A_220 : memref<!tpu.dma_semaphore, #tpu.memory_space<semaphore_mem>>) src(%dma_wait3A_224 : memref<128xi32, #tpu.memory_space<hbm>>) dst(%dma_wait3A_223 : memref<128xi32, #tpu.memory_space<vmem>>)
    %dma_start3A_225 = arith.constant 1 : i32
    %dma_start3A_226 = arith.constant 0 : i32
    %dma_start3A_227 = arith.constant 1 : i32
    %dma_start3A_228 = arith.constant 0 : i32
    %dma_start3A_229 = tpu.memref_slice %arg6[%dma_start3A_225, %dma_start3A_226, %dma_start3A_228] : memref<4x2x128xi32, #tpu.memory_space<vmem>> -> memref<1x1x128xi32, #tpu.memory_space<vmem>>
    %dma_start3A_230 = tpu.memref_squeeze %dma_start3A_229 : memref<1x1x128xi32, #tpu.memory_space<vmem>> -> memref<128xi32, #tpu.memory_space<vmem>>
    %dma_start3A_231 = arith.constant 0 : i32
    %dma_start3A_232 = arith.constant 0 : i32
    %dma_start3A_233 = tpu.memref_slice %arg4[%dma_start3A_231, %dma_start3A_232] : memref<10240x128xf32, #tpu.memory_space<hbm>> -> memref<10240x128xf32, #tpu.memory_space<hbm>>
    %dma_start3A_234 = tpu.memref_slice %arg13[%dma_start3A_227] : memref<2x!tpu.dma_semaphore, #tpu.memory_space<semaphore_mem>> -> memref<1x!tpu.dma_semaphore, #tpu.memory_space<semaphore_mem>>
    %dma_start3A_235 = tpu.memref_squeeze %dma_start3A_234 : memref<1x!tpu.dma_semaphore, #tpu.memory_space<semaphore_mem>> -> memref<!tpu.dma_semaphore, #tpu.memory_space<semaphore_mem>>
    tpu.enqueue_indirect_dma source(%dma_start3A_233 : memref<10240x128xf32, #tpu.memory_space<hbm>>) target(%arg8 : memref<128x128xf32, #tpu.memory_space<vmem>>) offsets(%dma_start3A_230 : memref<128xi32, #tpu.memory_space<vmem>>) semaphore(%dma_start3A_235 : memref<!tpu.dma_semaphore, #tpu.memory_space<semaphore_mem>>)
    %scan3A_236 = arith.constant 0 : i32
    %scan3A_237 = arith.constant 38 : i32
    %scan3A_238 = arith.addi %scan3A_236, %scan3A_237 : i32
    %scan3A_239 = arith.constant 1 : i32
    scf.for %scan3A_382 = %scan3A_236 to %scan3A_238 step %scan3A_239  : i32 {
      %mul3A_383 = arith.constant 2 : i32
      %mul3A_384 = arith.muli %scan3A_382, %mul3A_383 : i32
      %add3A_385 = arith.constant 0 : i32
      %add3A_386 = arith.addi %add3A_385, %mul3A_384 : i32
      %jit3A = arith.constant 4 : i32
      %eq3A = arith.constant 0 : i32
      %eq3A_387 = arith.cmpi eq, %jit3A, %eq3A : i32
      %jit3A_388 = arith.constant 1 : i32
      %select_n3A = arith.select %eq3A_387, %jit3A_388, %jit3A : i32
      %rem3A = arith.remsi %add3A_386, %select_n3A : i32
      %ne3A = arith.constant 0 : i32
      %ne3A_389 = arith.cmpi ne, %rem3A, %ne3A : i32
      %lt3A_390 = arith.constant 0 : i32
      %lt3A_391 = arith.cmpi slt, %rem3A, %lt3A_390 : i32
      %lt3A_392 = arith.constant 0 : i32
      %lt3A_393 = arith.cmpi slt, %select_n3A, %lt3A_392 : i32
      %ne3A_394 = arith.xori %lt3A_391, %lt3A_393 : i1
      %and3A = arith.andi %ne3A_394, %ne3A_389 : i1
      %add3A_395 = arith.addi %rem3A, %select_n3A : i32
      %select_n3A_396 = arith.select %and3A, %add3A_395, %rem3A : i32
      %dma_wait3A_397 = arith.constant 0 : i32
      %dma_wait3A_398 = arith.constant 0 : i32
      %dma_wait3A_399 = arith.constant 0 : i32
      %dma_wait3A_400 = tpu.memref_slice %arg6[%select_n3A_396, %dma_wait3A_397, %dma_wait3A_399] : memref<4x2x128xi32, #tpu.memory_space<vmem>> -> memref<1x1x128xi32, #tpu.memory_space<vmem>>
      %dma_wait3A_401 = tpu.memref_squeeze %dma_wait3A_400 : memref<1x1x128xi32, #tpu.memory_space<vmem>> -> memref<128xi32, #tpu.memory_space<vmem>>
      %dma_wait3A_402 = arith.constant 0 : i32
      %dma_wait3A_403 = arith.constant 0 : i32
      %dma_wait3A_404 = tpu.memref_slice %arg4[%dma_wait3A_402, %dma_wait3A_403] : memref<10240x128xf32, #tpu.memory_space<hbm>> -> memref<10240x128xf32, #tpu.memory_space<hbm>>
      %dma_wait3A_405 = tpu.memref_slice %arg13[%dma_wait3A_398] : memref<2x!tpu.dma_semaphore, #tpu.memory_space<semaphore_mem>> -> memref<1x!tpu.dma_semaphore, #tpu.memory_space<semaphore_mem>>
      %dma_wait3A_406 = tpu.memref_squeeze %dma_wait3A_405 : memref<1x!tpu.dma_semaphore, #tpu.memory_space<semaphore_mem>> -> memref<!tpu.dma_semaphore, #tpu.memory_space<semaphore_mem>>
      tpu.wait_indirect_dma semaphore(%dma_wait3A_406 : memref<!tpu.dma_semaphore, #tpu.memory_space<semaphore_mem>>) src(%dma_wait3A_404 : memref<10240x128xf32, #tpu.memory_space<hbm>>) dst(%arg7 : memref<128x128xf32, #tpu.memory_space<vmem>>)
      %jit3A_407 = arith.constant 4 : i32
      %eq3A_408 = arith.constant 0 : i32
      %eq3A_409 = arith.cmpi eq, %jit3A_407, %eq3A_408 : i32
      %jit3A_410 = arith.constant 1 : i32
      %select_n3A_411 = arith.select %eq3A_409, %jit3A_410, %jit3A_407 : i32
      %rem3A_412 = arith.remsi %add3A_386, %select_n3A_411 : i32
      %ne3A_413 = arith.constant 0 : i32
      %ne3A_414 = arith.cmpi ne, %rem3A_412, %ne3A_413 : i32
      %lt3A_415 = arith.constant 0 : i32
      %lt3A_416 = arith.cmpi slt, %rem3A_412, %lt3A_415 : i32
      %lt3A_417 = arith.constant 0 : i32
      %lt3A_418 = arith.cmpi slt, %select_n3A_411, %lt3A_417 : i32
      %ne3A_419 = arith.xori %lt3A_416, %lt3A_418 : i1
      %and3A_420 = arith.andi %ne3A_419, %ne3A_414 : i1
      %add3A_421 = arith.addi %rem3A_412, %select_n3A_411 : i32
      %select_n3A_422 = arith.select %and3A_420, %add3A_421, %rem3A_412 : i32
      %dma_start3A_423 = arith.constant 1 : i32
      %dma_start3A_424 = arith.constant 0 : i32
      %dma_start3A_425 = arith.constant 0 : i32
      %dma_start3A_426 = tpu.memref_slice %arg6[%select_n3A_422, %dma_start3A_423, %dma_start3A_425] : memref<4x2x128xi32, #tpu.memory_space<vmem>> -> memref<1x1x128xi32, #tpu.memory_space<vmem>>
      %dma_start3A_427 = tpu.memref_squeeze %dma_start3A_426 : memref<1x1x128xi32, #tpu.memory_space<vmem>> -> memref<128xi32, #tpu.memory_space<vmem>>
      %dma_start3A_428 = arith.constant 0 : i32
      %dma_start3A_429 = arith.constant 0 : i32
      %dma_start3A_430 = tpu.memref_slice %arg10[%dma_start3A_428, %dma_start3A_429] : memref<10240x128xf32, #tpu.memory_space<vmem_shared>> -> memref<10240x128xf32, #tpu.memory_space<vmem_shared>>
      %dma_start3A_431 = tpu.memref_slice %arg14[%dma_start3A_424] : memref<2x!tpu.dma_semaphore, #tpu.memory_space<semaphore_mem>> -> memref<1x!tpu.dma_semaphore, #tpu.memory_space<semaphore_mem>>
      %dma_start3A_432 = tpu.memref_squeeze %dma_start3A_431 : memref<1x!tpu.dma_semaphore, #tpu.memory_space<semaphore_mem>> -> memref<!tpu.dma_semaphore, #tpu.memory_space<semaphore_mem>>
      tpu.enqueue_indirect_dma source(%arg7 : memref<128x128xf32, #tpu.memory_space<vmem>>) target(%dma_start3A_430 : memref<10240x128xf32, #tpu.memory_space<vmem_shared>>) offsets(%dma_start3A_427 : memref<128xi32, #tpu.memory_space<vmem>>) semaphore(%dma_start3A_432 : memref<!tpu.dma_semaphore, #tpu.memory_space<semaphore_mem>>) {add = true}
      %add3A_433 = arith.constant 1 : i32
      %add3A_434 = arith.addi %add3A_386, %add3A_433 : i32
      %jit3A_435 = arith.constant 4 : i32
      %eq3A_436 = arith.constant 0 : i32
      %eq3A_437 = arith.cmpi eq, %jit3A_435, %eq3A_436 : i32
      %jit3A_438 = arith.constant 1 : i32
      %select_n3A_439 = arith.select %eq3A_437, %jit3A_438, %jit3A_435 : i32
      %rem3A_440 = arith.remsi %add3A_434, %select_n3A_439 : i32
      %ne3A_441 = arith.constant 0 : i32
      %ne3A_442 = arith.cmpi ne, %rem3A_440, %ne3A_441 : i32
      %lt3A_443 = arith.constant 0 : i32
      %lt3A_444 = arith.cmpi slt, %rem3A_440, %lt3A_443 : i32
      %lt3A_445 = arith.constant 0 : i32
      %lt3A_446 = arith.cmpi slt, %select_n3A_439, %lt3A_445 : i32
      %ne3A_447 = arith.xori %lt3A_444, %lt3A_446 : i1
      %and3A_448 = arith.andi %ne3A_447, %ne3A_442 : i1
      %add3A_449 = arith.addi %rem3A_440, %select_n3A_439 : i32
      %select_n3A_450 = arith.select %and3A_448, %add3A_449, %rem3A_440 : i32
      %dma_wait3A_451 = arith.constant 0 : i32
      %dma_wait3A_452 = arith.constant 1 : i32
      %dma_wait3A_453 = arith.constant 0 : i32
      %dma_wait3A_454 = tpu.memref_slice %arg6[%select_n3A_450, %dma_wait3A_451, %dma_wait3A_453] : memref<4x2x128xi32, #tpu.memory_space<vmem>> -> memref<1x1x128xi32, #tpu.memory_space<vmem>>
      %dma_wait3A_455 = tpu.memref_squeeze %dma_wait3A_454 : memref<1x1x128xi32, #tpu.memory_space<vmem>> -> memref<128xi32, #tpu.memory_space<vmem>>
      %dma_wait3A_456 = arith.constant 0 : i32
      %dma_wait3A_457 = arith.constant 0 : i32
      %dma_wait3A_458 = tpu.memref_slice %arg4[%dma_wait3A_456, %dma_wait3A_457] : memref<10240x128xf32, #tpu.memory_space<hbm>> -> memref<10240x128xf32, #tpu.memory_space<hbm>>
      %dma_wait3A_459 = tpu.memref_slice %arg13[%dma_wait3A_452] : memref<2x!tpu.dma_semaphore, #tpu.memory_space<semaphore_mem>> -> memref<1x!tpu.dma_semaphore, #tpu.memory_space<semaphore_mem>>
      %dma_wait3A_460 = tpu.memref_squeeze %dma_wait3A_459 : memref<1x!tpu.dma_semaphore, #tpu.memory_space<semaphore_mem>> -> memref<!tpu.dma_semaphore, #tpu.memory_space<semaphore_mem>>
      tpu.wait_indirect_dma semaphore(%dma_wait3A_460 : memref<!tpu.dma_semaphore, #tpu.memory_space<semaphore_mem>>) src(%dma_wait3A_458 : memref<10240x128xf32, #tpu.memory_space<hbm>>) dst(%arg8 : memref<128x128xf32, #tpu.memory_space<vmem>>)
      %add3A_461 = arith.constant 1 : i32
      %add3A_462 = arith.addi %add3A_386, %add3A_461 : i32
      %jit3A_463 = arith.constant 4 : i32
      %eq3A_464 = arith.constant 0 : i32
      %eq3A_465 = arith.cmpi eq, %jit3A_463, %eq3A_464 : i32
      %jit3A_466 = arith.constant 1 : i32
      %select_n3A_467 = arith.select %eq3A_465, %jit3A_466, %jit3A_463 : i32
      %rem3A_468 = arith.remsi %add3A_462, %select_n3A_467 : i32
      %ne3A_469 = arith.constant 0 : i32
      %ne3A_470 = arith.cmpi ne, %rem3A_468, %ne3A_469 : i32
      %lt3A_471 = arith.constant 0 : i32
      %lt3A_472 = arith.cmpi slt, %rem3A_468, %lt3A_471 : i32
      %lt3A_473 = arith.constant 0 : i32
      %lt3A_474 = arith.cmpi slt, %select_n3A_467, %lt3A_473 : i32
      %ne3A_475 = arith.xori %lt3A_472, %lt3A_474 : i1
      %and3A_476 = arith.andi %ne3A_475, %ne3A_470 : i1
      %add3A_477 = arith.addi %rem3A_468, %select_n3A_467 : i32
      %select_n3A_478 = arith.select %and3A_476, %add3A_477, %rem3A_468 : i32
      %dma_start3A_479 = arith.constant 1 : i32
      %dma_start3A_480 = arith.constant 1 : i32
      %dma_start3A_481 = arith.constant 0 : i32
      %dma_start3A_482 = tpu.memref_slice %arg6[%select_n3A_478, %dma_start3A_479, %dma_start3A_481] : memref<4x2x128xi32, #tpu.memory_space<vmem>> -> memref<1x1x128xi32, #tpu.memory_space<vmem>>
      %dma_start3A_483 = tpu.memref_squeeze %dma_start3A_482 : memref<1x1x128xi32, #tpu.memory_space<vmem>> -> memref<128xi32, #tpu.memory_space<vmem>>
      %dma_start3A_484 = arith.constant 0 : i32
      %dma_start3A_485 = arith.constant 0 : i32
      %dma_start3A_486 = tpu.memref_slice %arg10[%dma_start3A_484, %dma_start3A_485] : memref<10240x128xf32, #tpu.memory_space<vmem_shared>> -> memref<10240x128xf32, #tpu.memory_space<vmem_shared>>
      %dma_start3A_487 = tpu.memref_slice %arg14[%dma_start3A_480] : memref<2x!tpu.dma_semaphore, #tpu.memory_space<semaphore_mem>> -> memref<1x!tpu.dma_semaphore, #tpu.memory_space<semaphore_mem>>
      %dma_start3A_488 = tpu.memref_squeeze %dma_start3A_487 : memref<1x!tpu.dma_semaphore, #tpu.memory_space<semaphore_mem>> -> memref<!tpu.dma_semaphore, #tpu.memory_space<semaphore_mem>>
      tpu.enqueue_indirect_dma source(%arg8 : memref<128x128xf32, #tpu.memory_space<vmem>>) target(%dma_start3A_486 : memref<10240x128xf32, #tpu.memory_space<vmem_shared>>) offsets(%dma_start3A_483 : memref<128xi32, #tpu.memory_space<vmem>>) semaphore(%dma_start3A_488 : memref<!tpu.dma_semaphore, #tpu.memory_space<semaphore_mem>>) {add = true}
      %add3A_489 = arith.constant 2 : i32
      %add3A_490 = arith.addi %add3A_386, %add3A_489 : i32
      %jit3A_491 = arith.constant 4 : i32
      %eq3A_492 = arith.constant 0 : i32
      %eq3A_493 = arith.cmpi eq, %jit3A_491, %eq3A_492 : i32
      %jit3A_494 = arith.constant 1 : i32
      %select_n3A_495 = arith.select %eq3A_493, %jit3A_494, %jit3A_491 : i32
      %rem3A_496 = arith.remsi %add3A_490, %select_n3A_495 : i32
      %ne3A_497 = arith.constant 0 : i32
      %ne3A_498 = arith.cmpi ne, %rem3A_496, %ne3A_497 : i32
      %lt3A_499 = arith.constant 0 : i32
      %lt3A_500 = arith.cmpi slt, %rem3A_496, %lt3A_499 : i32
      %lt3A_501 = arith.constant 0 : i32
      %lt3A_502 = arith.cmpi slt, %select_n3A_495, %lt3A_501 : i32
      %ne3A_503 = arith.xori %lt3A_500, %lt3A_502 : i1
      %and3A_504 = arith.andi %ne3A_503, %ne3A_498 : i1
      %add3A_505 = arith.addi %rem3A_496, %select_n3A_495 : i32
      %select_n3A_506 = arith.select %and3A_504, %add3A_505, %rem3A_496 : i32
      %min3A_507 = arith.constant 77 : i32
      %min3A_508 = arith.minsi %add3A_490, %min3A_507 : i32
      %add3A_509 = arith.addi %mul3A_2, %min3A_508 : i32
      %mul3A_510 = arith.constant 128 : i32
      %mul3A_511 = arith.muli %add3A_509, %mul3A_510 : i32
      %dma_wait3A_512 = arith.constant 0 : i32
      %dma_wait3A_513 = arith.constant 0 : i32
      %dma_wait3A_514 = tpu.memref_slice %arg6[%select_n3A_506, %dma_wait3A_512, %dma_wait3A_513] : memref<4x2x128xi32, #tpu.memory_space<vmem>> -> memref<1x1x128xi32, #tpu.memory_space<vmem>>
      %dma_wait3A_515 = tpu.memref_squeeze %dma_wait3A_514 : memref<1x1x128xi32, #tpu.memory_space<vmem>> -> memref<128xi32, #tpu.memory_space<vmem>>
      %dma_wait3A_516 = tpu.memref_slice %arg2[%mul3A_511] : memref<320000xi32, #tpu.memory_space<hbm>> -> memref<128xi32, #tpu.memory_space<hbm>>
      %dma_wait3A_517 = tpu.memref_slice %arg11[%select_n3A_506] : memref<4x!tpu.dma_semaphore, #tpu.memory_space<semaphore_mem>> -> memref<1x!tpu.dma_semaphore, #tpu.memory_space<semaphore_mem>>
      %dma_wait3A_518 = tpu.memref_squeeze %dma_wait3A_517 : memref<1x!tpu.dma_semaphore, #tpu.memory_space<semaphore_mem>> -> memref<!tpu.dma_semaphore, #tpu.memory_space<semaphore_mem>>
      %dma_wait3A_519 = arith.constant 0 : i32
      %dma_wait3A_520 = tpu.memref_slice %arg6[%select_n3A_506, %dma_wait3A_512, %dma_wait3A_519] : memref<4x2x128xi32, #tpu.memory_space<vmem>> -> memref<1x1x128xi32, #tpu.memory_space<vmem>>
      %dma_wait3A_521 = tpu.memref_squeeze %dma_wait3A_520 : memref<1x1x128xi32, #tpu.memory_space<vmem>> -> memref<128xi32, #tpu.memory_space<vmem>>
      %dma_wait3A_522 = tpu.memref_slice %arg2[%mul3A_511] : memref<320000xi32, #tpu.memory_space<hbm>> -> memref<128xi32, #tpu.memory_space<hbm>>
      tpu.wait_dma2 semaphore(%dma_wait3A_518 : memref<!tpu.dma_semaphore, #tpu.memory_space<semaphore_mem>>) src(%dma_wait3A_522 : memref<128xi32, #tpu.memory_space<hbm>>) dst(%dma_wait3A_521 : memref<128xi32, #tpu.memory_space<vmem>>)
      %mul3A_523 = arith.constant 128 : i32
      %mul3A_524 = arith.muli %add3A_509, %mul3A_523 : i32
      %dma_wait3A_525 = arith.constant 1 : i32
      %dma_wait3A_526 = arith.constant 0 : i32
      %dma_wait3A_527 = tpu.memref_slice %arg6[%select_n3A_506, %dma_wait3A_525, %dma_wait3A_526] : memref<4x2x128xi32, #tpu.memory_space<vmem>> -> memref<1x1x128xi32, #tpu.memory_space<vmem>>
      %dma_wait3A_528 = tpu.memref_squeeze %dma_wait3A_527 : memref<1x1x128xi32, #tpu.memory_space<vmem>> -> memref<128xi32, #tpu.memory_space<vmem>>
      %dma_wait3A_529 = tpu.memref_slice %arg3[%mul3A_524] : memref<320000xi32, #tpu.memory_space<hbm>> -> memref<128xi32, #tpu.memory_space<hbm>>
      %dma_wait3A_530 = tpu.memref_slice %arg12[%select_n3A_506] : memref<4x!tpu.dma_semaphore, #tpu.memory_space<semaphore_mem>> -> memref<1x!tpu.dma_semaphore, #tpu.memory_space<semaphore_mem>>
      %dma_wait3A_531 = tpu.memref_squeeze %dma_wait3A_530 : memref<1x!tpu.dma_semaphore, #tpu.memory_space<semaphore_mem>> -> memref<!tpu.dma_semaphore, #tpu.memory_space<semaphore_mem>>
      %dma_wait3A_532 = arith.constant 0 : i32
      %dma_wait3A_533 = tpu.memref_slice %arg6[%select_n3A_506, %dma_wait3A_525, %dma_wait3A_532] : memref<4x2x128xi32, #tpu.memory_space<vmem>> -> memref<1x1x128xi32, #tpu.memory_space<vmem>>
      %dma_wait3A_534 = tpu.memref_squeeze %dma_wait3A_533 : memref<1x1x128xi32, #tpu.memory_space<vmem>> -> memref<128xi32, #tpu.memory_space<vmem>>
      %dma_wait3A_535 = tpu.memref_slice %arg3[%mul3A_524] : memref<320000xi32, #tpu.memory_space<hbm>> -> memref<128xi32, #tpu.memory_space<hbm>>
      tpu.wait_dma2 semaphore(%dma_wait3A_531 : memref<!tpu.dma_semaphore, #tpu.memory_space<semaphore_mem>>) src(%dma_wait3A_535 : memref<128xi32, #tpu.memory_space<hbm>>) dst(%dma_wait3A_534 : memref<128xi32, #tpu.memory_space<vmem>>)
      %jit3A_536 = arith.constant 4 : i32
      %eq3A_537 = arith.constant 0 : i32
      %eq3A_538 = arith.cmpi eq, %jit3A_536, %eq3A_537 : i32
      %jit3A_539 = arith.constant 1 : i32
      %select_n3A_540 = arith.select %eq3A_538, %jit3A_539, %jit3A_536 : i32
      %rem3A_541 = arith.remsi %add3A_386, %select_n3A_540 : i32
      %ne3A_542 = arith.constant 0 : i32
      %ne3A_543 = arith.cmpi ne, %rem3A_541, %ne3A_542 : i32
      %lt3A_544 = arith.constant 0 : i32
      %lt3A_545 = arith.cmpi slt, %rem3A_541, %lt3A_544 : i32
      %lt3A_546 = arith.constant 0 : i32
      %lt3A_547 = arith.cmpi slt, %select_n3A_540, %lt3A_546 : i32
      %ne3A_548 = arith.xori %lt3A_545, %lt3A_547 : i1
      %and3A_549 = arith.andi %ne3A_548, %ne3A_543 : i1
      %add3A_550 = arith.addi %rem3A_541, %select_n3A_540 : i32
      %select_n3A_551 = arith.select %and3A_549, %add3A_550, %rem3A_541 : i32
      %dma_wait3A_552 = arith.constant 1 : i32
      %dma_wait3A_553 = arith.constant 0 : i32
      %dma_wait3A_554 = arith.constant 0 : i32
      %dma_wait3A_555 = tpu.memref_slice %arg6[%select_n3A_551, %dma_wait3A_552, %dma_wait3A_554] : memref<4x2x128xi32, #tpu.memory_space<vmem>> -> memref<1x1x128xi32, #tpu.memory_space<vmem>>
      %dma_wait3A_556 = tpu.memref_squeeze %dma_wait3A_555 : memref<1x1x128xi32, #tpu.memory_space<vmem>> -> memref<128xi32, #tpu.memory_space<vmem>>
      %dma_wait3A_557 = arith.constant 0 : i32
      %dma_wait3A_558 = arith.constant 0 : i32
      %dma_wait3A_559 = tpu.memref_slice %arg10[%dma_wait3A_557, %dma_wait3A_558] : memref<10240x128xf32, #tpu.memory_space<vmem_shared>> -> memref<10240x128xf32, #tpu.memory_space<vmem_shared>>
      %dma_wait3A_560 = tpu.memref_slice %arg14[%dma_wait3A_553] : memref<2x!tpu.dma_semaphore, #tpu.memory_space<semaphore_mem>> -> memref<1x!tpu.dma_semaphore, #tpu.memory_space<semaphore_mem>>
      %dma_wait3A_561 = tpu.memref_squeeze %dma_wait3A_560 : memref<1x!tpu.dma_semaphore, #tpu.memory_space<semaphore_mem>> -> memref<!tpu.dma_semaphore, #tpu.memory_space<semaphore_mem>>
      tpu.wait_indirect_dma semaphore(%dma_wait3A_561 : memref<!tpu.dma_semaphore, #tpu.memory_space<semaphore_mem>>) src(%arg7 : memref<128x128xf32, #tpu.memory_space<vmem>>) dst(%dma_wait3A_559 : memref<10240x128xf32, #tpu.memory_space<vmem_shared>>)
      %add3A_562 = arith.constant 2 : i32
      %add3A_563 = arith.addi %add3A_386, %add3A_562 : i32
      %jit3A_564 = arith.constant 4 : i32
      %eq3A_565 = arith.constant 0 : i32
      %eq3A_566 = arith.cmpi eq, %jit3A_564, %eq3A_565 : i32
      %jit3A_567 = arith.constant 1 : i32
      %select_n3A_568 = arith.select %eq3A_566, %jit3A_567, %jit3A_564 : i32
      %rem3A_569 = arith.remsi %add3A_563, %select_n3A_568 : i32
      %ne3A_570 = arith.constant 0 : i32
      %ne3A_571 = arith.cmpi ne, %rem3A_569, %ne3A_570 : i32
      %lt3A_572 = arith.constant 0 : i32
      %lt3A_573 = arith.cmpi slt, %rem3A_569, %lt3A_572 : i32
      %lt3A_574 = arith.constant 0 : i32
      %lt3A_575 = arith.cmpi slt, %select_n3A_568, %lt3A_574 : i32
      %ne3A_576 = arith.xori %lt3A_573, %lt3A_575 : i1
      %and3A_577 = arith.andi %ne3A_576, %ne3A_571 : i1
      %add3A_578 = arith.addi %rem3A_569, %select_n3A_568 : i32
      %select_n3A_579 = arith.select %and3A_577, %add3A_578, %rem3A_569 : i32
      %dma_start3A_580 = arith.constant 0 : i32
      %dma_start3A_581 = arith.constant 0 : i32
      %dma_start3A_582 = arith.constant 0 : i32
      %dma_start3A_583 = tpu.memref_slice %arg6[%select_n3A_579, %dma_start3A_580, %dma_start3A_582] : memref<4x2x128xi32, #tpu.memory_space<vmem>> -> memref<1x1x128xi32, #tpu.memory_space<vmem>>
      %dma_start3A_584 = tpu.memref_squeeze %dma_start3A_583 : memref<1x1x128xi32, #tpu.memory_space<vmem>> -> memref<128xi32, #tpu.memory_space<vmem>>
      %dma_start3A_585 = arith.constant 0 : i32
      %dma_start3A_586 = arith.constant 0 : i32
      %dma_start3A_587 = tpu.memref_slice %arg4[%dma_start3A_585, %dma_start3A_586] : memref<10240x128xf32, #tpu.memory_space<hbm>> -> memref<10240x128xf32, #tpu.memory_space<hbm>>
      %dma_start3A_588 = tpu.memref_slice %arg13[%dma_start3A_581] : memref<2x!tpu.dma_semaphore, #tpu.memory_space<semaphore_mem>> -> memref<1x!tpu.dma_semaphore, #tpu.memory_space<semaphore_mem>>
      %dma_start3A_589 = tpu.memref_squeeze %dma_start3A_588 : memref<1x!tpu.dma_semaphore, #tpu.memory_space<semaphore_mem>> -> memref<!tpu.dma_semaphore, #tpu.memory_space<semaphore_mem>>
      tpu.enqueue_indirect_dma source(%dma_start3A_587 : memref<10240x128xf32, #tpu.memory_space<hbm>>) target(%arg7 : memref<128x128xf32, #tpu.memory_space<vmem>>) offsets(%dma_start3A_584 : memref<128xi32, #tpu.memory_space<vmem>>) semaphore(%dma_start3A_589 : memref<!tpu.dma_semaphore, #tpu.memory_space<semaphore_mem>>)
      %add3A_590 = arith.constant 3 : i32
      %add3A_591 = arith.addi %add3A_386, %add3A_590 : i32
      %jit3A_592 = arith.constant 4 : i32
      %eq3A_593 = arith.constant 0 : i32
      %eq3A_594 = arith.cmpi eq, %jit3A_592, %eq3A_593 : i32
      %jit3A_595 = arith.constant 1 : i32
      %select_n3A_596 = arith.select %eq3A_594, %jit3A_595, %jit3A_592 : i32
      %rem3A_597 = arith.remsi %add3A_591, %select_n3A_596 : i32
      %ne3A_598 = arith.constant 0 : i32
      %ne3A_599 = arith.cmpi ne, %rem3A_597, %ne3A_598 : i32
      %lt3A_600 = arith.constant 0 : i32
      %lt3A_601 = arith.cmpi slt, %rem3A_597, %lt3A_600 : i32
      %lt3A_602 = arith.constant 0 : i32
      %lt3A_603 = arith.cmpi slt, %select_n3A_596, %lt3A_602 : i32
      %ne3A_604 = arith.xori %lt3A_601, %lt3A_603 : i1
      %and3A_605 = arith.andi %ne3A_604, %ne3A_599 : i1
      %add3A_606 = arith.addi %rem3A_597, %select_n3A_596 : i32
      %select_n3A_607 = arith.select %and3A_605, %add3A_606, %rem3A_597 : i32
      %min3A_608 = arith.constant 77 : i32
      %min3A_609 = arith.minsi %add3A_591, %min3A_608 : i32
      %add3A_610 = arith.addi %mul3A_2, %min3A_609 : i32
      %mul3A_611 = arith.constant 128 : i32
      %mul3A_612 = arith.muli %add3A_610, %mul3A_611 : i32
      %dma_wait3A_613 = arith.constant 0 : i32
      %dma_wait3A_614 = arith.constant 0 : i32
      %dma_wait3A_615 = tpu.memref_slice %arg6[%select_n3A_607, %dma_wait3A_613, %dma_wait3A_614] : memref<4x2x128xi32, #tpu.memory_space<vmem>> -> memref<1x1x128xi32, #tpu.memory_space<vmem>>
      %dma_wait3A_616 = tpu.memref_squeeze %dma_wait3A_615 : memref<1x1x128xi32, #tpu.memory_space<vmem>> -> memref<128xi32, #tpu.memory_space<vmem>>
      %dma_wait3A_617 = tpu.memref_slice %arg2[%mul3A_612] : memref<320000xi32, #tpu.memory_space<hbm>> -> memref<128xi32, #tpu.memory_space<hbm>>
      %dma_wait3A_618 = tpu.memref_slice %arg11[%select_n3A_607] : memref<4x!tpu.dma_semaphore, #tpu.memory_space<semaphore_mem>> -> memref<1x!tpu.dma_semaphore, #tpu.memory_space<semaphore_mem>>
      %dma_wait3A_619 = tpu.memref_squeeze %dma_wait3A_618 : memref<1x!tpu.dma_semaphore, #tpu.memory_space<semaphore_mem>> -> memref<!tpu.dma_semaphore, #tpu.memory_space<semaphore_mem>>
      %dma_wait3A_620 = arith.constant 0 : i32
      %dma_wait3A_621 = tpu.memref_slice %arg6[%select_n3A_607, %dma_wait3A_613, %dma_wait3A_620] : memref<4x2x128xi32, #tpu.memory_space<vmem>> -> memref<1x1x128xi32, #tpu.memory_space<vmem>>
      %dma_wait3A_622 = tpu.memref_squeeze %dma_wait3A_621 : memref<1x1x128xi32, #tpu.memory_space<vmem>> -> memref<128xi32, #tpu.memory_space<vmem>>
      %dma_wait3A_623 = tpu.memref_slice %arg2[%mul3A_612] : memref<320000xi32, #tpu.memory_space<hbm>> -> memref<128xi32, #tpu.memory_space<hbm>>
      tpu.wait_dma2 semaphore(%dma_wait3A_619 : memref<!tpu.dma_semaphore, #tpu.memory_space<semaphore_mem>>) src(%dma_wait3A_623 : memref<128xi32, #tpu.memory_space<hbm>>) dst(%dma_wait3A_622 : memref<128xi32, #tpu.memory_space<vmem>>)
      %mul3A_624 = arith.constant 128 : i32
      %mul3A_625 = arith.muli %add3A_610, %mul3A_624 : i32
      %dma_wait3A_626 = arith.constant 1 : i32
      %dma_wait3A_627 = arith.constant 0 : i32
      %dma_wait3A_628 = tpu.memref_slice %arg6[%select_n3A_607, %dma_wait3A_626, %dma_wait3A_627] : memref<4x2x128xi32, #tpu.memory_space<vmem>> -> memref<1x1x128xi32, #tpu.memory_space<vmem>>
      %dma_wait3A_629 = tpu.memref_squeeze %dma_wait3A_628 : memref<1x1x128xi32, #tpu.memory_space<vmem>> -> memref<128xi32, #tpu.memory_space<vmem>>
      %dma_wait3A_630 = tpu.memref_slice %arg3[%mul3A_625] : memref<320000xi32, #tpu.memory_space<hbm>> -> memref<128xi32, #tpu.memory_space<hbm>>
      %dma_wait3A_631 = tpu.memref_slice %arg12[%select_n3A_607] : memref<4x!tpu.dma_semaphore, #tpu.memory_space<semaphore_mem>> -> memref<1x!tpu.dma_semaphore, #tpu.memory_space<semaphore_mem>>
      %dma_wait3A_632 = tpu.memref_squeeze %dma_wait3A_631 : memref<1x!tpu.dma_semaphore, #tpu.memory_space<semaphore_mem>> -> memref<!tpu.dma_semaphore, #tpu.memory_space<semaphore_mem>>
      %dma_wait3A_633 = arith.constant 0 : i32
      %dma_wait3A_634 = tpu.memref_slice %arg6[%select_n3A_607, %dma_wait3A_626, %dma_wait3A_633] : memref<4x2x128xi32, #tpu.memory_space<vmem>> -> memref<1x1x128xi32, #tpu.memory_space<vmem>>
      %dma_wait3A_635 = tpu.memref_squeeze %dma_wait3A_634 : memref<1x1x128xi32, #tpu.memory_space<vmem>> -> memref<128xi32, #tpu.memory_space<vmem>>
      %dma_wait3A_636 = tpu.memref_slice %arg3[%mul3A_625] : memref<320000xi32, #tpu.memory_space<hbm>> -> memref<128xi32, #tpu.memory_space<hbm>>
      tpu.wait_dma2 semaphore(%dma_wait3A_632 : memref<!tpu.dma_semaphore, #tpu.memory_space<semaphore_mem>>) src(%dma_wait3A_636 : memref<128xi32, #tpu.memory_space<hbm>>) dst(%dma_wait3A_635 : memref<128xi32, #tpu.memory_space<vmem>>)
      %add3A_637 = arith.constant 1 : i32
      %add3A_638 = arith.addi %add3A_386, %add3A_637 : i32
      %jit3A_639 = arith.constant 4 : i32
      %eq3A_640 = arith.constant 0 : i32
      %eq3A_641 = arith.cmpi eq, %jit3A_639, %eq3A_640 : i32
      %jit3A_642 = arith.constant 1 : i32
      %select_n3A_643 = arith.select %eq3A_641, %jit3A_642, %jit3A_639 : i32
      %rem3A_644 = arith.remsi %add3A_638, %select_n3A_643 : i32
      %ne3A_645 = arith.constant 0 : i32
      %ne3A_646 = arith.cmpi ne, %rem3A_644, %ne3A_645 : i32
      %lt3A_647 = arith.constant 0 : i32
      %lt3A_648 = arith.cmpi slt, %rem3A_644, %lt3A_647 : i32
      %lt3A_649 = arith.constant 0 : i32
      %lt3A_650 = arith.cmpi slt, %select_n3A_643, %lt3A_649 : i32
      %ne3A_651 = arith.xori %lt3A_648, %lt3A_650 : i1
      %and3A_652 = arith.andi %ne3A_651, %ne3A_646 : i1
      %add3A_653 = arith.addi %rem3A_644, %select_n3A_643 : i32
      %select_n3A_654 = arith.select %and3A_652, %add3A_653, %rem3A_644 : i32
      %dma_wait3A_655 = arith.constant 1 : i32
      %dma_wait3A_656 = arith.constant 1 : i32
      %dma_wait3A_657 = arith.constant 0 : i32
      %dma_wait3A_658 = tpu.memref_slice %arg6[%select_n3A_654, %dma_wait3A_655, %dma_wait3A_657] : memref<4x2x128xi32, #tpu.memory_space<vmem>> -> memref<1x1x128xi32, #tpu.memory_space<vmem>>
      %dma_wait3A_659 = tpu.memref_squeeze %dma_wait3A_658 : memref<1x1x128xi32, #tpu.memory_space<vmem>> -> memref<128xi32, #tpu.memory_space<vmem>>
      %dma_wait3A_660 = arith.constant 0 : i32
      %dma_wait3A_661 = arith.constant 0 : i32
      %dma_wait3A_662 = tpu.memref_slice %arg10[%dma_wait3A_660, %dma_wait3A_661] : memref<10240x128xf32, #tpu.memory_space<vmem_shared>> -> memref<10240x128xf32, #tpu.memory_space<vmem_shared>>
      %dma_wait3A_663 = tpu.memref_slice %arg14[%dma_wait3A_656] : memref<2x!tpu.dma_semaphore, #tpu.memory_space<semaphore_mem>> -> memref<1x!tpu.dma_semaphore, #tpu.memory_space<semaphore_mem>>
      %dma_wait3A_664 = tpu.memref_squeeze %dma_wait3A_663 : memref<1x!tpu.dma_semaphore, #tpu.memory_space<semaphore_mem>> -> memref<!tpu.dma_semaphore, #tpu.memory_space<semaphore_mem>>
      tpu.wait_indirect_dma semaphore(%dma_wait3A_664 : memref<!tpu.dma_semaphore, #tpu.memory_space<semaphore_mem>>) src(%arg8 : memref<128x128xf32, #tpu.memory_space<vmem>>) dst(%dma_wait3A_662 : memref<10240x128xf32, #tpu.memory_space<vmem_shared>>)
      %add3A_665 = arith.constant 3 : i32
      %add3A_666 = arith.addi %add3A_386, %add3A_665 : i32
      %jit3A_667 = arith.constant 4 : i32
      %eq3A_668 = arith.constant 0 : i32
      %eq3A_669 = arith.cmpi eq, %jit3A_667, %eq3A_668 : i32
      %jit3A_670 = arith.constant 1 : i32
      %select_n3A_671 = arith.select %eq3A_669, %jit3A_670, %jit3A_667 : i32
      %rem3A_672 = arith.remsi %add3A_666, %select_n3A_671 : i32
      %ne3A_673 = arith.constant 0 : i32
      %ne3A_674 = arith.cmpi ne, %rem3A_672, %ne3A_673 : i32
      %lt3A_675 = arith.constant 0 : i32
      %lt3A_676 = arith.cmpi slt, %rem3A_672, %lt3A_675 : i32
      %lt3A_677 = arith.constant 0 : i32
      %lt3A_678 = arith.cmpi slt, %select_n3A_671, %lt3A_677 : i32
      %ne3A_679 = arith.xori %lt3A_676, %lt3A_678 : i1
      %and3A_680 = arith.andi %ne3A_679, %ne3A_674 : i1
      %add3A_681 = arith.addi %rem3A_672, %select_n3A_671 : i32
      %select_n3A_682 = arith.select %and3A_680, %add3A_681, %rem3A_672 : i32
      %dma_start3A_683 = arith.constant 0 : i32
      %dma_start3A_684 = arith.constant 1 : i32
      %dma_start3A_685 = arith.constant 0 : i32
      %dma_start3A_686 = tpu.memref_slice %arg6[%select_n3A_682, %dma_start3A_683, %dma_start3A_685] : memref<4x2x128xi32, #tpu.memory_space<vmem>> -> memref<1x1x128xi32, #tpu.memory_space<vmem>>
      %dma_start3A_687 = tpu.memref_squeeze %dma_start3A_686 : memref<1x1x128xi32, #tpu.memory_space<vmem>> -> memref<128xi32, #tpu.memory_space<vmem>>
      %dma_start3A_688 = arith.constant 0 : i32
      %dma_start3A_689 = arith.constant 0 : i32
      %dma_start3A_690 = tpu.memref_slice %arg4[%dma_start3A_688, %dma_start3A_689] : memref<10240x128xf32, #tpu.memory_space<hbm>> -> memref<10240x128xf32, #tpu.memory_space<hbm>>
      %dma_start3A_691 = tpu.memref_slice %arg13[%dma_start3A_684] : memref<2x!tpu.dma_semaphore, #tpu.memory_space<semaphore_mem>> -> memref<1x!tpu.dma_semaphore, #tpu.memory_space<semaphore_mem>>
      %dma_start3A_692 = tpu.memref_squeeze %dma_start3A_691 : memref<1x!tpu.dma_semaphore, #tpu.memory_space<semaphore_mem>> -> memref<!tpu.dma_semaphore, #tpu.memory_space<semaphore_mem>>
      tpu.enqueue_indirect_dma source(%dma_start3A_690 : memref<10240x128xf32, #tpu.memory_space<hbm>>) target(%arg8 : memref<128x128xf32, #tpu.memory_space<vmem>>) offsets(%dma_start3A_687 : memref<128xi32, #tpu.memory_space<vmem>>) semaphore(%dma_start3A_692 : memref<!tpu.dma_semaphore, #tpu.memory_space<semaphore_mem>>)
      %add3A_693 = arith.constant 4 : i32
      %add3A_694 = arith.addi %add3A_386, %add3A_693 : i32
      %jit3A_695 = arith.constant 4 : i32
      %eq3A_696 = arith.constant 0 : i32
      %eq3A_697 = arith.cmpi eq, %jit3A_695, %eq3A_696 : i32
      %jit3A_698 = arith.constant 1 : i32
      %select_n3A_699 = arith.select %eq3A_697, %jit3A_698, %jit3A_695 : i32
      %rem3A_700 = arith.remsi %add3A_694, %select_n3A_699 : i32
      %ne3A_701 = arith.constant 0 : i32
      %ne3A_702 = arith.cmpi ne, %rem3A_700, %ne3A_701 : i32
      %lt3A_703 = arith.constant 0 : i32
      %lt3A_704 = arith.cmpi slt, %rem3A_700, %lt3A_703 : i32
      %lt3A_705 = arith.constant 0 : i32
      %lt3A_706 = arith.cmpi slt, %select_n3A_699, %lt3A_705 : i32
      %ne3A_707 = arith.xori %lt3A_704, %lt3A_706 : i1
      %and3A_708 = arith.andi %ne3A_707, %ne3A_702 : i1
      %add3A_709 = arith.addi %rem3A_700, %select_n3A_699 : i32
      %select_n3A_710 = arith.select %and3A_708, %add3A_709, %rem3A_700 : i32
      %min3A_711 = arith.constant 77 : i32
      %min3A_712 = arith.minsi %add3A_694, %min3A_711 : i32
      %add3A_713 = arith.addi %mul3A_2, %min3A_712 : i32
      %mul3A_714 = arith.constant 128 : i32
      %mul3A_715 = arith.muli %add3A_713, %mul3A_714 : i32
      %dma_start3A_716 = arith.constant 0 : i32
      %dma_start3A_717 = arith.constant 0 : i32
      %dma_start3A_718 = tpu.memref_slice %arg6[%select_n3A_710, %dma_start3A_716, %dma_start3A_717] : memref<4x2x128xi32, #tpu.memory_space<vmem>> -> memref<1x1x128xi32, #tpu.memory_space<vmem>>
      %dma_start3A_719 = tpu.memref_squeeze %dma_start3A_718 : memref<1x1x128xi32, #tpu.memory_space<vmem>> -> memref<128xi32, #tpu.memory_space<vmem>>
      %dma_start3A_720 = tpu.memref_slice %arg2[%mul3A_715] : memref<320000xi32, #tpu.memory_space<hbm>> -> memref<128xi32, #tpu.memory_space<hbm>>
      %dma_start3A_721 = tpu.memref_slice %arg11[%select_n3A_710] : memref<4x!tpu.dma_semaphore, #tpu.memory_space<semaphore_mem>> -> memref<1x!tpu.dma_semaphore, #tpu.memory_space<semaphore_mem>>
      %dma_start3A_722 = tpu.memref_squeeze %dma_start3A_721 : memref<1x!tpu.dma_semaphore, #tpu.memory_space<semaphore_mem>> -> memref<!tpu.dma_semaphore, #tpu.memory_space<semaphore_mem>>
      %dma_start3A_723 = arith.constant 0 : i32
      %dma_start3A_724 = tpu.memref_slice %arg6[%select_n3A_710, %dma_start3A_716, %dma_start3A_723] : memref<4x2x128xi32, #tpu.memory_space<vmem>> -> memref<1x1x128xi32, #tpu.memory_space<vmem>>
      %dma_start3A_725 = tpu.memref_squeeze %dma_start3A_724 : memref<1x1x128xi32, #tpu.memory_space<vmem>> -> memref<128xi32, #tpu.memory_space<vmem>>
      %dma_start3A_726 = tpu.memref_slice %arg2[%mul3A_715] : memref<320000xi32, #tpu.memory_space<hbm>> -> memref<128xi32, #tpu.memory_space<hbm>>
      tpu.enqueue_dma source(%dma_start3A_726 : memref<128xi32, #tpu.memory_space<hbm>>) target(%dma_start3A_725 : memref<128xi32, #tpu.memory_space<vmem>>) target_semaphore(%dma_start3A_722 : memref<!tpu.dma_semaphore, #tpu.memory_space<semaphore_mem>>)
      %mul3A_727 = arith.constant 128 : i32
      %mul3A_728 = arith.muli %add3A_713, %mul3A_727 : i32
      %dma_start3A_729 = arith.constant 1 : i32
      %dma_start3A_730 = arith.constant 0 : i32
      %dma_start3A_731 = tpu.memref_slice %arg6[%select_n3A_710, %dma_start3A_729, %dma_start3A_730] : memref<4x2x128xi32, #tpu.memory_space<vmem>> -> memref<1x1x128xi32, #tpu.memory_space<vmem>>
      %dma_start3A_732 = tpu.memref_squeeze %dma_start3A_731 : memref<1x1x128xi32, #tpu.memory_space<vmem>> -> memref<128xi32, #tpu.memory_space<vmem>>
      %dma_start3A_733 = tpu.memref_slice %arg3[%mul3A_728] : memref<320000xi32, #tpu.memory_space<hbm>> -> memref<128xi32, #tpu.memory_space<hbm>>
      %dma_start3A_734 = tpu.memref_slice %arg12[%select_n3A_710] : memref<4x!tpu.dma_semaphore, #tpu.memory_space<semaphore_mem>> -> memref<1x!tpu.dma_semaphore, #tpu.memory_space<semaphore_mem>>
      %dma_start3A_735 = tpu.memref_squeeze %dma_start3A_734 : memref<1x!tpu.dma_semaphore, #tpu.memory_space<semaphore_mem>> -> memref<!tpu.dma_semaphore, #tpu.memory_space<semaphore_mem>>
      %dma_start3A_736 = arith.constant 0 : i32
      %dma_start3A_737 = tpu.memref_slice %arg6[%select_n3A_710, %dma_start3A_729, %dma_start3A_736] : memref<4x2x128xi32, #tpu.memory_space<vmem>> -> memref<1x1x128xi32, #tpu.memory_space<vmem>>
      %dma_start3A_738 = tpu.memref_squeeze %dma_start3A_737 : memref<1x1x128xi32, #tpu.memory_space<vmem>> -> memref<128xi32, #tpu.memory_space<vmem>>
      %dma_start3A_739 = tpu.memref_slice %arg3[%mul3A_728] : memref<320000xi32, #tpu.memory_space<hbm>> -> memref<128xi32, #tpu.memory_space<hbm>>
      tpu.enqueue_dma source(%dma_start3A_739 : memref<128xi32, #tpu.memory_space<hbm>>) target(%dma_start3A_738 : memref<128xi32, #tpu.memory_space<vmem>>) target_semaphore(%dma_start3A_735 : memref<!tpu.dma_semaphore, #tpu.memory_space<semaphore_mem>>)
      %add3A_740 = arith.constant 5 : i32
      %add3A_741 = arith.addi %add3A_386, %add3A_740 : i32
      %jit3A_742 = arith.constant 4 : i32
      %eq3A_743 = arith.constant 0 : i32
      %eq3A_744 = arith.cmpi eq, %jit3A_742, %eq3A_743 : i32
      %jit3A_745 = arith.constant 1 : i32
      %select_n3A_746 = arith.select %eq3A_744, %jit3A_745, %jit3A_742 : i32
      %rem3A_747 = arith.remsi %add3A_741, %select_n3A_746 : i32
      %ne3A_748 = arith.constant 0 : i32
      %ne3A_749 = arith.cmpi ne, %rem3A_747, %ne3A_748 : i32
      %lt3A_750 = arith.constant 0 : i32
      %lt3A_751 = arith.cmpi slt, %rem3A_747, %lt3A_750 : i32
      %lt3A_752 = arith.constant 0 : i32
      %lt3A_753 = arith.cmpi slt, %select_n3A_746, %lt3A_752 : i32
      %ne3A_754 = arith.xori %lt3A_751, %lt3A_753 : i1
      %and3A_755 = arith.andi %ne3A_754, %ne3A_749 : i1
      %add3A_756 = arith.addi %rem3A_747, %select_n3A_746 : i32
      %select_n3A_757 = arith.select %and3A_755, %add3A_756, %rem3A_747 : i32
      %min3A_758 = arith.constant 77 : i32
      %min3A_759 = arith.minsi %add3A_741, %min3A_758 : i32
      %add3A_760 = arith.addi %mul3A_2, %min3A_759 : i32
      %mul3A_761 = arith.constant 128 : i32
      %mul3A_762 = arith.muli %add3A_760, %mul3A_761 : i32
      %dma_start3A_763 = arith.constant 0 : i32
      %dma_start3A_764 = arith.constant 0 : i32
      %dma_start3A_765 = tpu.memref_slice %arg6[%select_n3A_757, %dma_start3A_763, %dma_start3A_764] : memref<4x2x128xi32, #tpu.memory_space<vmem>> -> memref<1x1x128xi32, #tpu.memory_space<vmem>>
      %dma_start3A_766 = tpu.memref_squeeze %dma_start3A_765 : memref<1x1x128xi32, #tpu.memory_space<vmem>> -> memref<128xi32, #tpu.memory_space<vmem>>
      %dma_start3A_767 = tpu.memref_slice %arg2[%mul3A_762] : memref<320000xi32, #tpu.memory_space<hbm>> -> memref<128xi32, #tpu.memory_space<hbm>>
      %dma_start3A_768 = tpu.memref_slice %arg11[%select_n3A_757] : memref<4x!tpu.dma_semaphore, #tpu.memory_space<semaphore_mem>> -> memref<1x!tpu.dma_semaphore, #tpu.memory_space<semaphore_mem>>
      %dma_start3A_769 = tpu.memref_squeeze %dma_start3A_768 : memref<1x!tpu.dma_semaphore, #tpu.memory_space<semaphore_mem>> -> memref<!tpu.dma_semaphore, #tpu.memory_space<semaphore_mem>>
      %dma_start3A_770 = arith.constant 0 : i32
      %dma_start3A_771 = tpu.memref_slice %arg6[%select_n3A_757, %dma_start3A_763, %dma_start3A_770] : memref<4x2x128xi32, #tpu.memory_space<vmem>> -> memref<1x1x128xi32, #tpu.memory_space<vmem>>
      %dma_start3A_772 = tpu.memref_squeeze %dma_start3A_771 : memref<1x1x128xi32, #tpu.memory_space<vmem>> -> memref<128xi32, #tpu.memory_space<vmem>>
      %dma_start3A_773 = tpu.memref_slice %arg2[%mul3A_762] : memref<320000xi32, #tpu.memory_space<hbm>> -> memref<128xi32, #tpu.memory_space<hbm>>
      tpu.enqueue_dma source(%dma_start3A_773 : memref<128xi32, #tpu.memory_space<hbm>>) target(%dma_start3A_772 : memref<128xi32, #tpu.memory_space<vmem>>) target_semaphore(%dma_start3A_769 : memref<!tpu.dma_semaphore, #tpu.memory_space<semaphore_mem>>)
      %mul3A_774 = arith.constant 128 : i32
      %mul3A_775 = arith.muli %add3A_760, %mul3A_774 : i32
      %dma_start3A_776 = arith.constant 1 : i32
      %dma_start3A_777 = arith.constant 0 : i32
      %dma_start3A_778 = tpu.memref_slice %arg6[%select_n3A_757, %dma_start3A_776, %dma_start3A_777] : memref<4x2x128xi32, #tpu.memory_space<vmem>> -> memref<1x1x128xi32, #tpu.memory_space<vmem>>
      %dma_start3A_779 = tpu.memref_squeeze %dma_start3A_778 : memref<1x1x128xi32, #tpu.memory_space<vmem>> -> memref<128xi32, #tpu.memory_space<vmem>>
      %dma_start3A_780 = tpu.memref_slice %arg3[%mul3A_775] : memref<320000xi32, #tpu.memory_space<hbm>> -> memref<128xi32, #tpu.memory_space<hbm>>
      %dma_start3A_781 = tpu.memref_slice %arg12[%select_n3A_757] : memref<4x!tpu.dma_semaphore, #tpu.memory_space<semaphore_mem>> -> memref<1x!tpu.dma_semaphore, #tpu.memory_space<semaphore_mem>>
      %dma_start3A_782 = tpu.memref_squeeze %dma_start3A_781 : memref<1x!tpu.dma_semaphore, #tpu.memory_space<semaphore_mem>> -> memref<!tpu.dma_semaphore, #tpu.memory_space<semaphore_mem>>
      %dma_start3A_783 = arith.constant 0 : i32
      %dma_start3A_784 = tpu.memref_slice %arg6[%select_n3A_757, %dma_start3A_776, %dma_start3A_783] : memref<4x2x128xi32, #tpu.memory_space<vmem>> -> memref<1x1x128xi32, #tpu.memory_space<vmem>>
      %dma_start3A_785 = tpu.memref_squeeze %dma_start3A_784 : memref<1x1x128xi32, #tpu.memory_space<vmem>> -> memref<128xi32, #tpu.memory_space<vmem>>
      %dma_start3A_786 = tpu.memref_slice %arg3[%mul3A_775] : memref<320000xi32, #tpu.memory_space<hbm>> -> memref<128xi32, #tpu.memory_space<hbm>>
      tpu.enqueue_dma source(%dma_start3A_786 : memref<128xi32, #tpu.memory_space<hbm>>) target(%dma_start3A_785 : memref<128xi32, #tpu.memory_space<vmem>>) target_semaphore(%dma_start3A_782 : memref<!tpu.dma_semaphore, #tpu.memory_space<semaphore_mem>>)
    }
    %scan3A_240 = arith.constant 38 : i32
    %dma_wait3A_241 = arith.constant 0 : i32
    %dma_wait3A_242 = arith.constant 0 : i32
    %dma_wait3A_243 = arith.constant 0 : i32
    %dma_wait3A_244 = arith.constant 0 : i32
    %dma_wait3A_245 = tpu.memref_slice %arg6[%dma_wait3A_241, %dma_wait3A_242, %dma_wait3A_244] : memref<4x2x128xi32, #tpu.memory_space<vmem>> -> memref<1x1x128xi32, #tpu.memory_space<vmem>>
    %dma_wait3A_246 = tpu.memref_squeeze %dma_wait3A_245 : memref<1x1x128xi32, #tpu.memory_space<vmem>> -> memref<128xi32, #tpu.memory_space<vmem>>
    %dma_wait3A_247 = arith.constant 0 : i32
    %dma_wait3A_248 = arith.constant 0 : i32
    %dma_wait3A_249 = tpu.memref_slice %arg4[%dma_wait3A_247, %dma_wait3A_248] : memref<10240x128xf32, #tpu.memory_space<hbm>> -> memref<10240x128xf32, #tpu.memory_space<hbm>>
    %dma_wait3A_250 = tpu.memref_slice %arg13[%dma_wait3A_243] : memref<2x!tpu.dma_semaphore, #tpu.memory_space<semaphore_mem>> -> memref<1x!tpu.dma_semaphore, #tpu.memory_space<semaphore_mem>>
    %dma_wait3A_251 = tpu.memref_squeeze %dma_wait3A_250 : memref<1x!tpu.dma_semaphore, #tpu.memory_space<semaphore_mem>> -> memref<!tpu.dma_semaphore, #tpu.memory_space<semaphore_mem>>
    tpu.wait_indirect_dma semaphore(%dma_wait3A_251 : memref<!tpu.dma_semaphore, #tpu.memory_space<semaphore_mem>>) src(%dma_wait3A_249 : memref<10240x128xf32, #tpu.memory_space<hbm>>) dst(%arg7 : memref<128x128xf32, #tpu.memory_space<vmem>>)
    %dma_start3A_252 = arith.constant 0 : i32
    %dma_start3A_253 = arith.constant 1 : i32
    %dma_start3A_254 = arith.constant 0 : i32
    %dma_start3A_255 = arith.constant 0 : i32
    %dma_start3A_256 = tpu.memref_slice %arg6[%dma_start3A_252, %dma_start3A_253, %dma_start3A_255] : memref<4x2x128xi32, #tpu.memory_space<vmem>> -> memref<1x1x128xi32, #tpu.memory_space<vmem>>
    %dma_start3A_257 = tpu.memref_squeeze %dma_start3A_256 : memref<1x1x128xi32, #tpu.memory_space<vmem>> -> memref<128xi32, #tpu.memory_space<vmem>>
    %dma_start3A_258 = arith.constant 0 : i32
    %dma_start3A_259 = arith.constant 0 : i32
    %dma_start3A_260 = tpu.memref_slice %arg10[%dma_start3A_258, %dma_start3A_259] : memref<10240x128xf32, #tpu.memory_space<vmem_shared>> -> memref<10240x128xf32, #tpu.memory_space<vmem_shared>>
    %dma_start3A_261 = tpu.memref_slice %arg14[%dma_start3A_254] : memref<2x!tpu.dma_semaphore, #tpu.memory_space<semaphore_mem>> -> memref<1x!tpu.dma_semaphore, #tpu.memory_space<semaphore_mem>>
    %dma_start3A_262 = tpu.memref_squeeze %dma_start3A_261 : memref<1x!tpu.dma_semaphore, #tpu.memory_space<semaphore_mem>> -> memref<!tpu.dma_semaphore, #tpu.memory_space<semaphore_mem>>
    tpu.enqueue_indirect_dma source(%arg7 : memref<128x128xf32, #tpu.memory_space<vmem>>) target(%dma_start3A_260 : memref<10240x128xf32, #tpu.memory_space<vmem_shared>>) offsets(%dma_start3A_257 : memref<128xi32, #tpu.memory_space<vmem>>) semaphore(%dma_start3A_262 : memref<!tpu.dma_semaphore, #tpu.memory_space<semaphore_mem>>) {add = true}
    %dma_wait3A_263 = arith.constant 1 : i32
    %dma_wait3A_264 = arith.constant 0 : i32
    %dma_wait3A_265 = arith.constant 1 : i32
    %dma_wait3A_266 = arith.constant 0 : i32
    %dma_wait3A_267 = tpu.memref_slice %arg6[%dma_wait3A_263, %dma_wait3A_264, %dma_wait3A_266] : memref<4x2x128xi32, #tpu.memory_space<vmem>> -> memref<1x1x128xi32, #tpu.memory_space<vmem>>
    %dma_wait3A_268 = tpu.memref_squeeze %dma_wait3A_267 : memref<1x1x128xi32, #tpu.memory_space<vmem>> -> memref<128xi32, #tpu.memory_space<vmem>>
    %dma_wait3A_269 = arith.constant 0 : i32
    %dma_wait3A_270 = arith.constant 0 : i32
    %dma_wait3A_271 = tpu.memref_slice %arg4[%dma_wait3A_269, %dma_wait3A_270] : memref<10240x128xf32, #tpu.memory_space<hbm>> -> memref<10240x128xf32, #tpu.memory_space<hbm>>
    %dma_wait3A_272 = tpu.memref_slice %arg13[%dma_wait3A_265] : memref<2x!tpu.dma_semaphore, #tpu.memory_space<semaphore_mem>> -> memref<1x!tpu.dma_semaphore, #tpu.memory_space<semaphore_mem>>
    %dma_wait3A_273 = tpu.memref_squeeze %dma_wait3A_272 : memref<1x!tpu.dma_semaphore, #tpu.memory_space<semaphore_mem>> -> memref<!tpu.dma_semaphore, #tpu.memory_space<semaphore_mem>>
    tpu.wait_indirect_dma semaphore(%dma_wait3A_273 : memref<!tpu.dma_semaphore, #tpu.memory_space<semaphore_mem>>) src(%dma_wait3A_271 : memref<10240x128xf32, #tpu.memory_space<hbm>>) dst(%arg8 : memref<128x128xf32, #tpu.memory_space<vmem>>)
    %dma_start3A_274 = arith.constant 1 : i32
    %dma_start3A_275 = arith.constant 1 : i32
    %dma_start3A_276 = arith.constant 1 : i32
    %dma_start3A_277 = arith.constant 0 : i32
    %dma_start3A_278 = tpu.memref_slice %arg6[%dma_start3A_274, %dma_start3A_275, %dma_start3A_277] : memref<4x2x128xi32, #tpu.memory_space<vmem>> -> memref<1x1x128xi32, #tpu.memory_space<vmem>>
    %dma_start3A_279 = tpu.memref_squeeze %dma_start3A_278 : memref<1x1x128xi32, #tpu.memory_space<vmem>> -> memref<128xi32, #tpu.memory_space<vmem>>
    %dma_start3A_280 = arith.constant 0 : i32
    %dma_start3A_281 = arith.constant 0 : i32
    %dma_start3A_282 = tpu.memref_slice %arg10[%dma_start3A_280, %dma_start3A_281] : memref<10240x128xf32, #tpu.memory_space<vmem_shared>> -> memref<10240x128xf32, #tpu.memory_space<vmem_shared>>
    %dma_start3A_283 = tpu.memref_slice %arg14[%dma_start3A_276] : memref<2x!tpu.dma_semaphore, #tpu.memory_space<semaphore_mem>> -> memref<1x!tpu.dma_semaphore, #tpu.memory_space<semaphore_mem>>
    %dma_start3A_284 = tpu.memref_squeeze %dma_start3A_283 : memref<1x!tpu.dma_semaphore, #tpu.memory_space<semaphore_mem>> -> memref<!tpu.dma_semaphore, #tpu.memory_space<semaphore_mem>>
    tpu.enqueue_indirect_dma source(%arg8 : memref<128x128xf32, #tpu.memory_space<vmem>>) target(%dma_start3A_282 : memref<10240x128xf32, #tpu.memory_space<vmem_shared>>) offsets(%dma_start3A_279 : memref<128xi32, #tpu.memory_space<vmem>>) semaphore(%dma_start3A_284 : memref<!tpu.dma_semaphore, #tpu.memory_space<semaphore_mem>>) {add = true}
    %dma_wait3A_285 = arith.constant 0 : i32
    %dma_wait3A_286 = arith.constant 1 : i32
    %dma_wait3A_287 = arith.constant 0 : i32
    %dma_wait3A_288 = arith.constant 0 : i32
    %dma_wait3A_289 = tpu.memref_slice %arg6[%dma_wait3A_285, %dma_wait3A_286, %dma_wait3A_288] : memref<4x2x128xi32, #tpu.memory_space<vmem>> -> memref<1x1x128xi32, #tpu.memory_space<vmem>>
    %dma_wait3A_290 = tpu.memref_squeeze %dma_wait3A_289 : memref<1x1x128xi32, #tpu.memory_space<vmem>> -> memref<128xi32, #tpu.memory_space<vmem>>
    %dma_wait3A_291 = arith.constant 0 : i32
    %dma_wait3A_292 = arith.constant 0 : i32
    %dma_wait3A_293 = tpu.memref_slice %arg10[%dma_wait3A_291, %dma_wait3A_292] : memref<10240x128xf32, #tpu.memory_space<vmem_shared>> -> memref<10240x128xf32, #tpu.memory_space<vmem_shared>>
    %dma_wait3A_294 = tpu.memref_slice %arg14[%dma_wait3A_287] : memref<2x!tpu.dma_semaphore, #tpu.memory_space<semaphore_mem>> -> memref<1x!tpu.dma_semaphore, #tpu.memory_space<semaphore_mem>>
    %dma_wait3A_295 = tpu.memref_squeeze %dma_wait3A_294 : memref<1x!tpu.dma_semaphore, #tpu.memory_space<semaphore_mem>> -> memref<!tpu.dma_semaphore, #tpu.memory_space<semaphore_mem>>
    tpu.wait_indirect_dma semaphore(%dma_wait3A_295 : memref<!tpu.dma_semaphore, #tpu.memory_space<semaphore_mem>>) src(%arg7 : memref<128x128xf32, #tpu.memory_space<vmem>>) dst(%dma_wait3A_293 : memref<10240x128xf32, #tpu.memory_space<vmem_shared>>)
    %dma_wait3A_296 = arith.constant 1 : i32
    %dma_wait3A_297 = arith.constant 1 : i32
    %dma_wait3A_298 = arith.constant 1 : i32
    %dma_wait3A_299 = arith.constant 0 : i32
    %dma_wait3A_300 = tpu.memref_slice %arg6[%dma_wait3A_296, %dma_wait3A_297, %dma_wait3A_299] : memref<4x2x128xi32, #tpu.memory_space<vmem>> -> memref<1x1x128xi32, #tpu.memory_space<vmem>>
    %dma_wait3A_301 = tpu.memref_squeeze %dma_wait3A_300 : memref<1x1x128xi32, #tpu.memory_space<vmem>> -> memref<128xi32, #tpu.memory_space<vmem>>
    %dma_wait3A_302 = arith.constant 0 : i32
    %dma_wait3A_303 = arith.constant 0 : i32
    %dma_wait3A_304 = tpu.memref_slice %arg10[%dma_wait3A_302, %dma_wait3A_303] : memref<10240x128xf32, #tpu.memory_space<vmem_shared>> -> memref<10240x128xf32, #tpu.memory_space<vmem_shared>>
    %dma_wait3A_305 = tpu.memref_slice %arg14[%dma_wait3A_298] : memref<2x!tpu.dma_semaphore, #tpu.memory_space<semaphore_mem>> -> memref<1x!tpu.dma_semaphore, #tpu.memory_space<semaphore_mem>>
    %dma_wait3A_306 = tpu.memref_squeeze %dma_wait3A_305 : memref<1x!tpu.dma_semaphore, #tpu.memory_space<semaphore_mem>> -> memref<!tpu.dma_semaphore, #tpu.memory_space<semaphore_mem>>
    tpu.wait_indirect_dma semaphore(%dma_wait3A_306 : memref<!tpu.dma_semaphore, #tpu.memory_space<semaphore_mem>>) src(%arg8 : memref<128x128xf32, #tpu.memory_space<vmem>>) dst(%dma_wait3A_304 : memref<10240x128xf32, #tpu.memory_space<vmem_shared>>)
    %min3A_307 = arith.constant 78 : i32
    %min3A_308 = arith.constant 77 : i32
    %min3A_309 = arith.minsi %min3A_307, %min3A_308 : i32
    %add3A_310 = arith.addi %mul3A_2, %min3A_309 : i32
    %mul3A_311 = arith.constant 128 : i32
    %mul3A_312 = arith.muli %add3A_310, %mul3A_311 : i32
    %dma_wait3A_313 = arith.constant 2 : i32
    %dma_wait3A_314 = arith.constant 0 : i32
    %dma_wait3A_315 = arith.constant 2 : i32
    %dma_wait3A_316 = arith.constant 0 : i32
    %dma_wait3A_317 = tpu.memref_slice %arg6[%dma_wait3A_313, %dma_wait3A_314, %dma_wait3A_316] : memref<4x2x128xi32, #tpu.memory_space<vmem>> -> memref<1x1x128xi32, #tpu.memory_space<vmem>>
    %dma_wait3A_318 = tpu.memref_squeeze %dma_wait3A_317 : memref<1x1x128xi32, #tpu.memory_space<vmem>> -> memref<128xi32, #tpu.memory_space<vmem>>
    %dma_wait3A_319 = tpu.memref_slice %arg2[%mul3A_312] : memref<320000xi32, #tpu.memory_space<hbm>> -> memref<128xi32, #tpu.memory_space<hbm>>
    %dma_wait3A_320 = tpu.memref_slice %arg11[%dma_wait3A_315] : memref<4x!tpu.dma_semaphore, #tpu.memory_space<semaphore_mem>> -> memref<1x!tpu.dma_semaphore, #tpu.memory_space<semaphore_mem>>
    %dma_wait3A_321 = tpu.memref_squeeze %dma_wait3A_320 : memref<1x!tpu.dma_semaphore, #tpu.memory_space<semaphore_mem>> -> memref<!tpu.dma_semaphore, #tpu.memory_space<semaphore_mem>>
    %dma_wait3A_322 = arith.constant 0 : i32
    %dma_wait3A_323 = tpu.memref_slice %arg6[%dma_wait3A_313, %dma_wait3A_314, %dma_wait3A_322] : memref<4x2x128xi32, #tpu.memory_space<vmem>> -> memref<1x1x128xi32, #tpu.memory_space<vmem>>
    %dma_wait3A_324 = tpu.memref_squeeze %dma_wait3A_323 : memref<1x1x128xi32, #tpu.memory_space<vmem>> -> memref<128xi32, #tpu.memory_space<vmem>>
    %dma_wait3A_325 = tpu.memref_slice %arg2[%mul3A_312] : memref<320000xi32, #tpu.memory_space<hbm>> -> memref<128xi32, #tpu.memory_space<hbm>>
    tpu.wait_dma2 semaphore(%dma_wait3A_321 : memref<!tpu.dma_semaphore, #tpu.memory_space<semaphore_mem>>) src(%dma_wait3A_325 : memref<128xi32, #tpu.memory_space<hbm>>) dst(%dma_wait3A_324 : memref<128xi32, #tpu.memory_space<vmem>>)
    %mul3A_326 = arith.constant 128 : i32
    %mul3A_327 = arith.muli %add3A_310, %mul3A_326 : i32
    %dma_wait3A_328 = arith.constant 2 : i32
    %dma_wait3A_329 = arith.constant 1 : i32
    %dma_wait3A_330 = arith.constant 2 : i32
    %dma_wait3A_331 = arith.constant 0 : i32
    %dma_wait3A_332 = tpu.memref_slice %arg6[%dma_wait3A_328, %dma_wait3A_329, %dma_wait3A_331] : memref<4x2x128xi32, #tpu.memory_space<vmem>> -> memref<1x1x128xi32, #tpu.memory_space<vmem>>
    %dma_wait3A_333 = tpu.memref_squeeze %dma_wait3A_332 : memref<1x1x128xi32, #tpu.memory_space<vmem>> -> memref<128xi32, #tpu.memory_space<vmem>>
    %dma_wait3A_334 = tpu.memref_slice %arg3[%mul3A_327] : memref<320000xi32, #tpu.memory_space<hbm>> -> memref<128xi32, #tpu.memory_space<hbm>>
    %dma_wait3A_335 = tpu.memref_slice %arg12[%dma_wait3A_330] : memref<4x!tpu.dma_semaphore, #tpu.memory_space<semaphore_mem>> -> memref<1x!tpu.dma_semaphore, #tpu.memory_space<semaphore_mem>>
    %dma_wait3A_336 = tpu.memref_squeeze %dma_wait3A_335 : memref<1x!tpu.dma_semaphore, #tpu.memory_space<semaphore_mem>> -> memref<!tpu.dma_semaphore, #tpu.memory_space<semaphore_mem>>
    %dma_wait3A_337 = arith.constant 0 : i32
    %dma_wait3A_338 = tpu.memref_slice %arg6[%dma_wait3A_328, %dma_wait3A_329, %dma_wait3A_337] : memref<4x2x128xi32, #tpu.memory_space<vmem>> -> memref<1x1x128xi32, #tpu.memory_space<vmem>>
    %dma_wait3A_339 = tpu.memref_squeeze %dma_wait3A_338 : memref<1x1x128xi32, #tpu.memory_space<vmem>> -> memref<128xi32, #tpu.memory_space<vmem>>
    %dma_wait3A_340 = tpu.memref_slice %arg3[%mul3A_327] : memref<320000xi32, #tpu.memory_space<hbm>> -> memref<128xi32, #tpu.memory_space<hbm>>
    tpu.wait_dma2 semaphore(%dma_wait3A_336 : memref<!tpu.dma_semaphore, #tpu.memory_space<semaphore_mem>>) src(%dma_wait3A_340 : memref<128xi32, #tpu.memory_space<hbm>>) dst(%dma_wait3A_339 : memref<128xi32, #tpu.memory_space<vmem>>)
    %min3A_341 = arith.constant 79 : i32
    %min3A_342 = arith.constant 77 : i32
    %min3A_343 = arith.minsi %min3A_341, %min3A_342 : i32
    %add3A_344 = arith.addi %mul3A_2, %min3A_343 : i32
    %mul3A_345 = arith.constant 128 : i32
    %mul3A_346 = arith.muli %add3A_344, %mul3A_345 : i32
    %dma_wait3A_347 = arith.constant 3 : i32
    %dma_wait3A_348 = arith.constant 0 : i32
    %dma_wait3A_349 = arith.constant 3 : i32
    %dma_wait3A_350 = arith.constant 0 : i32
    %dma_wait3A_351 = tpu.memref_slice %arg6[%dma_wait3A_347, %dma_wait3A_348, %dma_wait3A_350] : memref<4x2x128xi32, #tpu.memory_space<vmem>> -> memref<1x1x128xi32, #tpu.memory_space<vmem>>
    %dma_wait3A_352 = tpu.memref_squeeze %dma_wait3A_351 : memref<1x1x128xi32, #tpu.memory_space<vmem>> -> memref<128xi32, #tpu.memory_space<vmem>>
    %dma_wait3A_353 = tpu.memref_slice %arg2[%mul3A_346] : memref<320000xi32, #tpu.memory_space<hbm>> -> memref<128xi32, #tpu.memory_space<hbm>>
    %dma_wait3A_354 = tpu.memref_slice %arg11[%dma_wait3A_349] : memref<4x!tpu.dma_semaphore, #tpu.memory_space<semaphore_mem>> -> memref<1x!tpu.dma_semaphore, #tpu.memory_space<semaphore_mem>>
    %dma_wait3A_355 = tpu.memref_squeeze %dma_wait3A_354 : memref<1x!tpu.dma_semaphore, #tpu.memory_space<semaphore_mem>> -> memref<!tpu.dma_semaphore, #tpu.memory_space<semaphore_mem>>
    %dma_wait3A_356 = arith.constant 0 : i32
    %dma_wait3A_357 = tpu.memref_slice %arg6[%dma_wait3A_347, %dma_wait3A_348, %dma_wait3A_356] : memref<4x2x128xi32, #tpu.memory_space<vmem>> -> memref<1x1x128xi32, #tpu.memory_space<vmem>>
    %dma_wait3A_358 = tpu.memref_squeeze %dma_wait3A_357 : memref<1x1x128xi32, #tpu.memory_space<vmem>> -> memref<128xi32, #tpu.memory_space<vmem>>
    %dma_wait3A_359 = tpu.memref_slice %arg2[%mul3A_346] : memref<320000xi32, #tpu.memory_space<hbm>> -> memref<128xi32, #tpu.memory_space<hbm>>
    tpu.wait_dma2 semaphore(%dma_wait3A_355 : memref<!tpu.dma_semaphore, #tpu.memory_space<semaphore_mem>>) src(%dma_wait3A_359 : memref<128xi32, #tpu.memory_space<hbm>>) dst(%dma_wait3A_358 : memref<128xi32, #tpu.memory_space<vmem>>)
    %mul3A_360 = arith.constant 128 : i32
    %mul3A_361 = arith.muli %add3A_344, %mul3A_360 : i32
    %dma_wait3A_362 = arith.constant 3 : i32
    %dma_wait3A_363 = arith.constant 1 : i32
    %dma_wait3A_364 = arith.constant 3 : i32
    %dma_wait3A_365 = arith.constant 0 : i32
    %dma_wait3A_366 = tpu.memref_slice %arg6[%dma_wait3A_362, %dma_wait3A_363, %dma_wait3A_365] : memref<4x2x128xi32, #tpu.memory_space<vmem>> -> memref<1x1x128xi32, #tpu.memory_space<vmem>>
    %dma_wait3A_367 = tpu.memref_squeeze %dma_wait3A_366 : memref<1x1x128xi32, #tpu.memory_space<vmem>> -> memref<128xi32, #tpu.memory_space<vmem>>
    %dma_wait3A_368 = tpu.memref_slice %arg3[%mul3A_361] : memref<320000xi32, #tpu.memory_space<hbm>> -> memref<128xi32, #tpu.memory_space<hbm>>
    %dma_wait3A_369 = tpu.memref_slice %arg12[%dma_wait3A_364] : memref<4x!tpu.dma_semaphore, #tpu.memory_space<semaphore_mem>> -> memref<1x!tpu.dma_semaphore, #tpu.memory_space<semaphore_mem>>
    %dma_wait3A_370 = tpu.memref_squeeze %dma_wait3A_369 : memref<1x!tpu.dma_semaphore, #tpu.memory_space<semaphore_mem>> -> memref<!tpu.dma_semaphore, #tpu.memory_space<semaphore_mem>>
    %dma_wait3A_371 = arith.constant 0 : i32
    %dma_wait3A_372 = tpu.memref_slice %arg6[%dma_wait3A_362, %dma_wait3A_363, %dma_wait3A_371] : memref<4x2x128xi32, #tpu.memory_space<vmem>> -> memref<1x1x128xi32, #tpu.memory_space<vmem>>
    %dma_wait3A_373 = tpu.memref_squeeze %dma_wait3A_372 : memref<1x1x128xi32, #tpu.memory_space<vmem>> -> memref<128xi32, #tpu.memory_space<vmem>>
    %dma_wait3A_374 = tpu.memref_slice %arg3[%mul3A_361] : memref<320000xi32, #tpu.memory_space<hbm>> -> memref<128xi32, #tpu.memory_space<hbm>>
    tpu.wait_dma2 semaphore(%dma_wait3A_370 : memref<!tpu.dma_semaphore, #tpu.memory_space<semaphore_mem>>) src(%dma_wait3A_374 : memref<128xi32, #tpu.memory_space<hbm>>) dst(%dma_wait3A_373 : memref<128xi32, #tpu.memory_space<vmem>>)
    %lt3A = arith.constant 4 : i32
    %lt3A_375 = arith.cmpi slt, %add3A, %lt3A : i32
    %convert_element_type3A = arith.extui %lt3A_375 : i1 to i32
    %cond3A = arith.constant 0 : i32
    %cond3A_376 = arith.cmpi ne, %convert_element_type3A, %cond3A : i32
    scf.if %cond3A_376 {
      %add3A_382 = arith.constant 2496 : i32
      %add3A_383 = arith.addi %add3A_382, %add3A : i32
      %mul3A_384 = arith.constant 128 : i32
      %mul3A_385 = arith.muli %add3A_383, %mul3A_384 : i32
      %run_scoped3A = arith.constant 0 : i32
      %run_scoped3A_386 = arith.constant 0 : i32
      "tpu.region"() ({
        %run_scoped3A_435 = tpu.sem_alloc : memref<!tpu.dma_semaphore, #tpu.memory_space<semaphore_mem>>
        %dma_start3A_436 = arith.constant 0 : i32
        %dma_start3A_437 = tpu.memref_slice %arg6[%run_scoped3A, %run_scoped3A_386, %dma_start3A_436] : memref<4x2x128xi32, #tpu.memory_space<vmem>> -> memref<1x1x128xi32, #tpu.memory_space<vmem>>
        %dma_start3A_438 = tpu.memref_squeeze %dma_start3A_437 : memref<1x1x128xi32, #tpu.memory_space<vmem>> -> memref<128xi32, #tpu.memory_space<vmem>>
        %dma_start3A_439 = tpu.memref_slice %arg2[%mul3A_385] : memref<320000xi32, #tpu.memory_space<hbm>> -> memref<128xi32, #tpu.memory_space<hbm>>
        %dma_start3A_440 = arith.constant 0 : i32
        %dma_start3A_441 = tpu.memref_slice %arg6[%run_scoped3A, %run_scoped3A_386, %dma_start3A_440] : memref<4x2x128xi32, #tpu.memory_space<vmem>> -> memref<1x1x128xi32, #tpu.memory_space<vmem>>
        %dma_start3A_442 = tpu.memref_squeeze %dma_start3A_441 : memref<1x1x128xi32, #tpu.memory_space<vmem>> -> memref<128xi32, #tpu.memory_space<vmem>>
        %dma_start3A_443 = tpu.memref_slice %arg2[%mul3A_385] : memref<320000xi32, #tpu.memory_space<hbm>> -> memref<128xi32, #tpu.memory_space<hbm>>
        tpu.enqueue_dma source(%dma_start3A_443 : memref<128xi32, #tpu.memory_space<hbm>>) target(%dma_start3A_442 : memref<128xi32, #tpu.memory_space<vmem>>) target_semaphore(%run_scoped3A_435 : memref<!tpu.dma_semaphore, #tpu.memory_space<semaphore_mem>>)
        %dma_wait3A_444 = arith.constant 0 : i32
        %dma_wait3A_445 = tpu.memref_slice %arg6[%run_scoped3A, %run_scoped3A_386, %dma_wait3A_444] : memref<4x2x128xi32, #tpu.memory_space<vmem>> -> memref<1x1x128xi32, #tpu.memory_space<vmem>>
        %dma_wait3A_446 = tpu.memref_squeeze %dma_wait3A_445 : memref<1x1x128xi32, #tpu.memory_space<vmem>> -> memref<128xi32, #tpu.memory_space<vmem>>
        %dma_wait3A_447 = tpu.memref_slice %arg2[%mul3A_385] : memref<320000xi32, #tpu.memory_space<hbm>> -> memref<128xi32, #tpu.memory_space<hbm>>
        %dma_wait3A_448 = arith.constant 0 : i32
        %dma_wait3A_449 = tpu.memref_slice %arg6[%run_scoped3A, %run_scoped3A_386, %dma_wait3A_448] : memref<4x2x128xi32, #tpu.memory_space<vmem>> -> memref<1x1x128xi32, #tpu.memory_space<vmem>>
        %dma_wait3A_450 = tpu.memref_squeeze %dma_wait3A_449 : memref<1x1x128xi32, #tpu.memory_space<vmem>> -> memref<128xi32, #tpu.memory_space<vmem>>
        %dma_wait3A_451 = tpu.memref_slice %arg2[%mul3A_385] : memref<320000xi32, #tpu.memory_space<hbm>> -> memref<128xi32, #tpu.memory_space<hbm>>
        tpu.wait_dma2 semaphore(%run_scoped3A_435 : memref<!tpu.dma_semaphore, #tpu.memory_space<semaphore_mem>>) src(%dma_wait3A_451 : memref<128xi32, #tpu.memory_space<hbm>>) dst(%dma_wait3A_450 : memref<128xi32, #tpu.memory_space<vmem>>)
        tpu.yield
      }) : () -> ()
      %mul3A_387 = arith.constant 128 : i32
      %mul3A_388 = arith.muli %add3A_383, %mul3A_387 : i32
      %run_scoped3A_389 = arith.constant 0 : i32
      %run_scoped3A_390 = arith.constant 1 : i32
      "tpu.region"() ({
        %run_scoped3A_435 = tpu.sem_alloc : memref<!tpu.dma_semaphore, #tpu.memory_space<semaphore_mem>>
        %dma_start3A_436 = arith.constant 0 : i32
        %dma_start3A_437 = tpu.memref_slice %arg6[%run_scoped3A_389, %run_scoped3A_390, %dma_start3A_436] : memref<4x2x128xi32, #tpu.memory_space<vmem>> -> memref<1x1x128xi32, #tpu.memory_space<vmem>>
        %dma_start3A_438 = tpu.memref_squeeze %dma_start3A_437 : memref<1x1x128xi32, #tpu.memory_space<vmem>> -> memref<128xi32, #tpu.memory_space<vmem>>
        %dma_start3A_439 = tpu.memref_slice %arg3[%mul3A_388] : memref<320000xi32, #tpu.memory_space<hbm>> -> memref<128xi32, #tpu.memory_space<hbm>>
        %dma_start3A_440 = arith.constant 0 : i32
        %dma_start3A_441 = tpu.memref_slice %arg6[%run_scoped3A_389, %run_scoped3A_390, %dma_start3A_440] : memref<4x2x128xi32, #tpu.memory_space<vmem>> -> memref<1x1x128xi32, #tpu.memory_space<vmem>>
        %dma_start3A_442 = tpu.memref_squeeze %dma_start3A_441 : memref<1x1x128xi32, #tpu.memory_space<vmem>> -> memref<128xi32, #tpu.memory_space<vmem>>
        %dma_start3A_443 = tpu.memref_slice %arg3[%mul3A_388] : memref<320000xi32, #tpu.memory_space<hbm>> -> memref<128xi32, #tpu.memory_space<hbm>>
        tpu.enqueue_dma source(%dma_start3A_443 : memref<128xi32, #tpu.memory_space<hbm>>) target(%dma_start3A_442 : memref<128xi32, #tpu.memory_space<vmem>>) target_semaphore(%run_scoped3A_435 : memref<!tpu.dma_semaphore, #tpu.memory_space<semaphore_mem>>)
        %dma_wait3A_444 = arith.constant 0 : i32
        %dma_wait3A_445 = tpu.memref_slice %arg6[%run_scoped3A_389, %run_scoped3A_390, %dma_wait3A_444] : memref<4x2x128xi32, #tpu.memory_space<vmem>> -> memref<1x1x128xi32, #tpu.memory_space<vmem>>
        %dma_wait3A_446 = tpu.memref_squeeze %dma_wait3A_445 : memref<1x1x128xi32, #tpu.memory_space<vmem>> -> memref<128xi32, #tpu.memory_space<vmem>>
        %dma_wait3A_447 = tpu.memref_slice %arg3[%mul3A_388] : memref<320000xi32, #tpu.memory_space<hbm>> -> memref<128xi32, #tpu.memory_space<hbm>>
        %dma_wait3A_448 = arith.constant 0 : i32
        %dma_wait3A_449 = tpu.memref_slice %arg6[%run_scoped3A_389, %run_scoped3A_390, %dma_wait3A_448] : memref<4x2x128xi32, #tpu.memory_space<vmem>> -> memref<1x1x128xi32, #tpu.memory_space<vmem>>
        %dma_wait3A_450 = tpu.memref_squeeze %dma_wait3A_449 : memref<1x1x128xi32, #tpu.memory_space<vmem>> -> memref<128xi32, #tpu.memory_space<vmem>>
        %dma_wait3A_451 = tpu.memref_slice %arg3[%mul3A_388] : memref<320000xi32, #tpu.memory_space<hbm>> -> memref<128xi32, #tpu.memory_space<hbm>>
        tpu.wait_dma2 semaphore(%run_scoped3A_435 : memref<!tpu.dma_semaphore, #tpu.memory_space<semaphore_mem>>) src(%dma_wait3A_451 : memref<128xi32, #tpu.memory_space<hbm>>) dst(%dma_wait3A_450 : memref<128xi32, #tpu.memory_space<vmem>>)
        tpu.yield
      }) : () -> ()
      %dma_start3A_391 = arith.constant 0 : i32
      %dma_start3A_392 = arith.constant 0 : i32
      %dma_start3A_393 = arith.constant 0 : i32
      %dma_start3A_394 = arith.constant 0 : i32
      %dma_start3A_395 = tpu.memref_slice %arg6[%dma_start3A_391, %dma_start3A_392, %dma_start3A_394] : memref<4x2x128xi32, #tpu.memory_space<vmem>> -> memref<1x1x128xi32, #tpu.memory_space<vmem>>
      %dma_start3A_396 = tpu.memref_squeeze %dma_start3A_395 : memref<1x1x128xi32, #tpu.memory_space<vmem>> -> memref<128xi32, #tpu.memory_space<vmem>>
      %dma_start3A_397 = arith.constant 0 : i32
      %dma_start3A_398 = arith.constant 0 : i32
      %dma_start3A_399 = tpu.memref_slice %arg4[%dma_start3A_397, %dma_start3A_398] : memref<10240x128xf32, #tpu.memory_space<hbm>> -> memref<10240x128xf32, #tpu.memory_space<hbm>>
      %dma_start3A_400 = tpu.memref_slice %arg13[%dma_start3A_393] : memref<2x!tpu.dma_semaphore, #tpu.memory_space<semaphore_mem>> -> memref<1x!tpu.dma_semaphore, #tpu.memory_space<semaphore_mem>>
      %dma_start3A_401 = tpu.memref_squeeze %dma_start3A_400 : memref<1x!tpu.dma_semaphore, #tpu.memory_space<semaphore_mem>> -> memref<!tpu.dma_semaphore, #tpu.memory_space<semaphore_mem>>
      tpu.enqueue_indirect_dma source(%dma_start3A_399 : memref<10240x128xf32, #tpu.memory_space<hbm>>) target(%arg7 : memref<128x128xf32, #tpu.memory_space<vmem>>) offsets(%dma_start3A_396 : memref<128xi32, #tpu.memory_space<vmem>>) semaphore(%dma_start3A_401 : memref<!tpu.dma_semaphore, #tpu.memory_space<semaphore_mem>>)
      %dma_wait3A_402 = arith.constant 0 : i32
      %dma_wait3A_403 = arith.constant 0 : i32
      %dma_wait3A_404 = arith.constant 0 : i32
      %dma_wait3A_405 = arith.constant 0 : i32
      %dma_wait3A_406 = tpu.memref_slice %arg6[%dma_wait3A_402, %dma_wait3A_403, %dma_wait3A_405] : memref<4x2x128xi32, #tpu.memory_space<vmem>> -> memref<1x1x128xi32, #tpu.memory_space<vmem>>
      %dma_wait3A_407 = tpu.memref_squeeze %dma_wait3A_406 : memref<1x1x128xi32, #tpu.memory_space<vmem>> -> memref<128xi32, #tpu.memory_space<vmem>>
      %dma_wait3A_408 = arith.constant 0 : i32
      %dma_wait3A_409 = arith.constant 0 : i32
      %dma_wait3A_410 = tpu.memref_slice %arg4[%dma_wait3A_408, %dma_wait3A_409] : memref<10240x128xf32, #tpu.memory_space<hbm>> -> memref<10240x128xf32, #tpu.memory_space<hbm>>
      %dma_wait3A_411 = tpu.memref_slice %arg13[%dma_wait3A_404] : memref<2x!tpu.dma_semaphore, #tpu.memory_space<semaphore_mem>> -> memref<1x!tpu.dma_semaphore, #tpu.memory_space<semaphore_mem>>
      %dma_wait3A_412 = tpu.memref_squeeze %dma_wait3A_411 : memref<1x!tpu.dma_semaphore, #tpu.memory_space<semaphore_mem>> -> memref<!tpu.dma_semaphore, #tpu.memory_space<semaphore_mem>>
      tpu.wait_indirect_dma semaphore(%dma_wait3A_412 : memref<!tpu.dma_semaphore, #tpu.memory_space<semaphore_mem>>) src(%dma_wait3A_410 : memref<10240x128xf32, #tpu.memory_space<hbm>>) dst(%arg7 : memref<128x128xf32, #tpu.memory_space<vmem>>)
      %dma_start3A_413 = arith.constant 0 : i32
      %dma_start3A_414 = arith.constant 1 : i32
      %dma_start3A_415 = arith.constant 0 : i32
      %dma_start3A_416 = arith.constant 0 : i32
      %dma_start3A_417 = tpu.memref_slice %arg6[%dma_start3A_413, %dma_start3A_414, %dma_start3A_416] : memref<4x2x128xi32, #tpu.memory_space<vmem>> -> memref<1x1x128xi32, #tpu.memory_space<vmem>>
      %dma_start3A_418 = tpu.memref_squeeze %dma_start3A_417 : memref<1x1x128xi32, #tpu.memory_space<vmem>> -> memref<128xi32, #tpu.memory_space<vmem>>
      %dma_start3A_419 = arith.constant 0 : i32
      %dma_start3A_420 = arith.constant 0 : i32
      %dma_start3A_421 = tpu.memref_slice %arg10[%dma_start3A_419, %dma_start3A_420] : memref<10240x128xf32, #tpu.memory_space<vmem_shared>> -> memref<10240x128xf32, #tpu.memory_space<vmem_shared>>
      %dma_start3A_422 = tpu.memref_slice %arg14[%dma_start3A_415] : memref<2x!tpu.dma_semaphore, #tpu.memory_space<semaphore_mem>> -> memref<1x!tpu.dma_semaphore, #tpu.memory_space<semaphore_mem>>
      %dma_start3A_423 = tpu.memref_squeeze %dma_start3A_422 : memref<1x!tpu.dma_semaphore, #tpu.memory_space<semaphore_mem>> -> memref<!tpu.dma_semaphore, #tpu.memory_space<semaphore_mem>>
      tpu.enqueue_indirect_dma source(%arg7 : memref<128x128xf32, #tpu.memory_space<vmem>>) target(%dma_start3A_421 : memref<10240x128xf32, #tpu.memory_space<vmem_shared>>) offsets(%dma_start3A_418 : memref<128xi32, #tpu.memory_space<vmem>>) semaphore(%dma_start3A_423 : memref<!tpu.dma_semaphore, #tpu.memory_space<semaphore_mem>>) {add = true}
      %dma_wait3A_424 = arith.constant 0 : i32
      %dma_wait3A_425 = arith.constant 1 : i32
      %dma_wait3A_426 = arith.constant 0 : i32
      %dma_wait3A_427 = arith.constant 0 : i32
      %dma_wait3A_428 = tpu.memref_slice %arg6[%dma_wait3A_424, %dma_wait3A_425, %dma_wait3A_427] : memref<4x2x128xi32, #tpu.memory_space<vmem>> -> memref<1x1x128xi32, #tpu.memory_space<vmem>>
      %dma_wait3A_429 = tpu.memref_squeeze %dma_wait3A_428 : memref<1x1x128xi32, #tpu.memory_space<vmem>> -> memref<128xi32, #tpu.memory_space<vmem>>
      %dma_wait3A_430 = arith.constant 0 : i32
      %dma_wait3A_431 = arith.constant 0 : i32
      %dma_wait3A_432 = tpu.memref_slice %arg10[%dma_wait3A_430, %dma_wait3A_431] : memref<10240x128xf32, #tpu.memory_space<vmem_shared>> -> memref<10240x128xf32, #tpu.memory_space<vmem_shared>>
      %dma_wait3A_433 = tpu.memref_slice %arg14[%dma_wait3A_426] : memref<2x!tpu.dma_semaphore, #tpu.memory_space<semaphore_mem>> -> memref<1x!tpu.dma_semaphore, #tpu.memory_space<semaphore_mem>>
      %dma_wait3A_434 = tpu.memref_squeeze %dma_wait3A_433 : memref<1x!tpu.dma_semaphore, #tpu.memory_space<semaphore_mem>> -> memref<!tpu.dma_semaphore, #tpu.memory_space<semaphore_mem>>
      tpu.wait_indirect_dma semaphore(%dma_wait3A_434 : memref<!tpu.dma_semaphore, #tpu.memory_space<semaphore_mem>>) src(%arg7 : memref<128x128xf32, #tpu.memory_space<vmem>>) dst(%dma_wait3A_432 : memref<10240x128xf32, #tpu.memory_space<vmem_shared>>)
    } else {
    }
    %barrier3A_377 = arith.constant 0 : index
    tpu.barrier barrier_id(%barrier3A_377)
    %mul3A_378 = arith.constant 640 : i32
    %mul3A_379 = arith.muli %arg1, %mul3A_378 : i32
    %mul3A_380 = arith.constant 640 : i32
    %mul3A_381 = arith.muli %arg1, %mul3A_380 : i32
    "tpu.region"() ({
      %run_scoped3A = tpu.sem_alloc : memref<!tpu.dma_semaphore, #tpu.memory_space<semaphore_mem>>
      %dma_start3A_382 = arith.constant 0 : i32
      %dma_start3A_383 = tpu.memref_slice %arg5[%arg0, %mul3A_381, %dma_start3A_382] : memref<2x10240x128xf32, #tpu.memory_space<hbm>> -> memref<1x640x128xf32, #tpu.memory_space<hbm>>
      %dma_start3A_384 = tpu.memref_squeeze %dma_start3A_383 : memref<1x640x128xf32, #tpu.memory_space<hbm>> -> memref<640x128xf32, #tpu.memory_space<hbm>>
      %dma_start3A_385 = arith.constant 0 : i32
      %dma_start3A_386 = tpu.memref_slice %arg10[%mul3A_379, %dma_start3A_385] : memref<10240x128xf32, #tpu.memory_space<vmem_shared>> -> memref<640x128xf32, #tpu.memory_space<vmem_shared>>
      tpu.enqueue_dma source(%dma_start3A_386 : memref<640x128xf32, #tpu.memory_space<vmem_shared>>) target(%dma_start3A_384 : memref<640x128xf32, #tpu.memory_space<hbm>>) target_semaphore(%run_scoped3A : memref<!tpu.dma_semaphore, #tpu.memory_space<semaphore_mem>>)
      %dma_wait3A_387 = arith.constant 0 : i32
      %dma_wait3A_388 = tpu.memref_slice %arg5[%arg0, %mul3A_381, %dma_wait3A_387] : memref<2x10240x128xf32, #tpu.memory_space<hbm>> -> memref<1x640x128xf32, #tpu.memory_space<hbm>>
      %dma_wait3A_389 = tpu.memref_squeeze %dma_wait3A_388 : memref<1x640x128xf32, #tpu.memory_space<hbm>> -> memref<640x128xf32, #tpu.memory_space<hbm>>
      %dma_wait3A_390 = arith.constant 0 : i32
      %dma_wait3A_391 = tpu.memref_slice %arg10[%mul3A_379, %dma_wait3A_390] : memref<10240x128xf32, #tpu.memory_space<vmem_shared>> -> memref<640x128xf32, #tpu.memory_space<vmem_shared>>
      tpu.wait_dma2 semaphore(%run_scoped3A : memref<!tpu.dma_semaphore, #tpu.memory_space<semaphore_mem>>) src(%dma_wait3A_391 : memref<640x128xf32, #tpu.memory_space<vmem_shared>>) dst(%dma_wait3A_389 : memref<640x128xf32, #tpu.memory_space<hbm>>)
      tpu.yield
    }) : () -> ()
    return
  }
}

#map = affine_map<(d0, d1) -> (0)>
#map1 = affine_map<(d0, d1) -> (0, 0)>
module attributes {stable_mosaic.version = 14 : i64} {
  func.func @hist_kernel(%arg0: i32, %arg1: i32, %arg2: memref<320000xi32, #tpu.memory_space<hbm>>, %arg3: memref<32x10240xf32, #tpu.memory_space<hbm>>, %arg4: memref<2000xi32, #tpu.memory_space<vmem>>, %arg5: memref<2000xi32, #tpu.memory_space<vmem>>, %arg6: memref<10240xf32, #tpu.memory_space<vmem>>, %arg7: memref<2x!tpu.dma_semaphore, #tpu.memory_space<semaphore_mem>>) attributes {dimension_semantics = [#tpu.dimension_semantics<core_parallel>, #tpu.dimension_semantics<subcore_parallel>], iteration_bounds = array<i64: 2, 16>, scalar_prefetch = 0 : i64, scratch_operands = 4 : i64, tpu.core_type = #tpu.core_type<sc_vector_subcore>, window_params = [{transform_indices = #map}, {transform_indices = #map1}]} {
    %mul3A = arith.constant 2 : i32
    %mul3A_0 = arith.muli %arg1, %mul3A : i32
    %add3A = arith.addi %mul3A_0, %arg0 : i32
    %broadcast_in_dim3A = arith.constant 0.000000e+00 : f32
    %broadcast_in_dim3A_1 = vector.broadcast %broadcast_in_dim3A : f32 to vector<16xf32>
    %broadcast_in_dim3A_2 = arith.constant 1.000000e+00 : f32
    %broadcast_in_dim3A_3 = vector.broadcast %broadcast_in_dim3A_2 : f32 to vector<16xf32>
    %scan3A = arith.constant 0 : i32
    %scan3A_4 = arith.constant 640 : i32
    %scan3A_5 = arith.addi %scan3A, %scan3A_4 : i32
    %scan3A_6 = arith.constant 1 : i32
    scf.for %scan3A_103 = %scan3A to %scan3A_5 step %scan3A_6  : i32 {
      %mul3A_104 = arith.constant 16 : i32
      %mul3A_105 = arith.muli %scan3A_103, %mul3A_104 : i32
      %add3A_106 = arith.constant 0 : i32
      %add3A_107 = arith.addi %add3A_106, %mul3A_105 : i32
      %swap3A = arith.index_cast %add3A_107 : i32 to index
      %swap3A_108 = tpu.vector_load %arg6[%swap3A] {strides = array<i32>} : memref<10240xf32, #tpu.memory_space<vmem>>, vector<16xf32>,
      tpu.vector_store %arg6[%swap3A], %broadcast_in_dim3A_1 {strides = array<i32>} : memref<10240xf32, #tpu.memory_space<vmem>>, vector<16xf32>,
    }
    %scan3A_7 = arith.constant 640 : i32
    %mul3A_8 = arith.constant 10000 : i32
    %mul3A_9 = arith.muli %add3A, %mul3A_8 : i32
    %add3A_10 = arith.constant 0 : i32
    %add3A_11 = arith.addi %mul3A_9, %add3A_10 : i32
    %dma_start3A = arith.constant 0 : i32
    %dma_start3A_12 = tpu.memref_slice %arg2[%add3A_11] : memref<320000xi32, #tpu.memory_space<hbm>> -> memref<2000xi32, #tpu.memory_space<hbm>>
    %dma_start3A_13 = tpu.memref_slice %arg7[%dma_start3A] : memref<2x!tpu.dma_semaphore, #tpu.memory_space<semaphore_mem>> -> memref<1x!tpu.dma_semaphore, #tpu.memory_space<semaphore_mem>>
    %dma_start3A_14 = tpu.memref_squeeze %dma_start3A_13 : memref<1x!tpu.dma_semaphore, #tpu.memory_space<semaphore_mem>> -> memref<!tpu.dma_semaphore, #tpu.memory_space<semaphore_mem>>
    %dma_start3A_15 = tpu.memref_slice %arg2[%add3A_11] : memref<320000xi32, #tpu.memory_space<hbm>> -> memref<2000xi32, #tpu.memory_space<hbm>>
    tpu.enqueue_dma source(%dma_start3A_15 : memref<2000xi32, #tpu.memory_space<hbm>>) target(%arg4 : memref<2000xi32, #tpu.memory_space<vmem>>) target_semaphore(%dma_start3A_14 : memref<!tpu.dma_semaphore, #tpu.memory_space<semaphore_mem>>)
    %add3A_16 = arith.constant 0 : i32
    %add3A_17 = arith.addi %mul3A_9, %add3A_16 : i32
    %dma_wait3A = arith.constant 0 : i32
    %dma_wait3A_18 = tpu.memref_slice %arg2[%add3A_17] : memref<320000xi32, #tpu.memory_space<hbm>> -> memref<2000xi32, #tpu.memory_space<hbm>>
    %dma_wait3A_19 = tpu.memref_slice %arg7[%dma_wait3A] : memref<2x!tpu.dma_semaphore, #tpu.memory_space<semaphore_mem>> -> memref<1x!tpu.dma_semaphore, #tpu.memory_space<semaphore_mem>>
    %dma_wait3A_20 = tpu.memref_squeeze %dma_wait3A_19 : memref<1x!tpu.dma_semaphore, #tpu.memory_space<semaphore_mem>> -> memref<!tpu.dma_semaphore, #tpu.memory_space<semaphore_mem>>
    %dma_wait3A_21 = tpu.memref_slice %arg2[%add3A_17] : memref<320000xi32, #tpu.memory_space<hbm>> -> memref<2000xi32, #tpu.memory_space<hbm>>
    tpu.wait_dma2 semaphore(%dma_wait3A_20 : memref<!tpu.dma_semaphore, #tpu.memory_space<semaphore_mem>>) src(%dma_wait3A_21 : memref<2000xi32, #tpu.memory_space<hbm>>) dst(%arg4 : memref<2000xi32, #tpu.memory_space<vmem>>)
    %add3A_22 = arith.constant 2000 : i32
    %add3A_23 = arith.addi %mul3A_9, %add3A_22 : i32
    %dma_start3A_24 = arith.constant 1 : i32
    %dma_start3A_25 = tpu.memref_slice %arg2[%add3A_23] : memref<320000xi32, #tpu.memory_space<hbm>> -> memref<2000xi32, #tpu.memory_space<hbm>>
    %dma_start3A_26 = tpu.memref_slice %arg7[%dma_start3A_24] : memref<2x!tpu.dma_semaphore, #tpu.memory_space<semaphore_mem>> -> memref<1x!tpu.dma_semaphore, #tpu.memory_space<semaphore_mem>>
    %dma_start3A_27 = tpu.memref_squeeze %dma_start3A_26 : memref<1x!tpu.dma_semaphore, #tpu.memory_space<semaphore_mem>> -> memref<!tpu.dma_semaphore, #tpu.memory_space<semaphore_mem>>
    %dma_start3A_28 = tpu.memref_slice %arg2[%add3A_23] : memref<320000xi32, #tpu.memory_space<hbm>> -> memref<2000xi32, #tpu.memory_space<hbm>>
    tpu.enqueue_dma source(%dma_start3A_28 : memref<2000xi32, #tpu.memory_space<hbm>>) target(%arg5 : memref<2000xi32, #tpu.memory_space<vmem>>) target_semaphore(%dma_start3A_27 : memref<!tpu.dma_semaphore, #tpu.memory_space<semaphore_mem>>)
    %scan3A_29 = arith.constant 0 : i32
    %scan3A_30 = arith.constant 25 : i32
    %scan3A_31 = arith.addi %scan3A_29, %scan3A_30 : i32
    %scan3A_32 = arith.constant 1 : i32
    scf.for %scan3A_103 = %scan3A_29 to %scan3A_31 step %scan3A_32  : i32 {
      %mul3A_104 = arith.constant 80 : i32
      %mul3A_105 = arith.muli %scan3A_103, %mul3A_104 : i32
      %add3A_106 = arith.constant 0 : i32
      %add3A_107 = arith.addi %add3A_106, %mul3A_105 : i32
      %get3A = arith.index_cast %add3A_107 : i32 to index
      %get3A_108 = tpu.vector_load %arg4[%get3A] {strides = array<i32>} : memref<2000xi32, #tpu.memory_space<vmem>>, vector<16xi32>,
      tpu.vector_store_idx %arg6[%get3A_108], %broadcast_in_dim3A_3 {add = true} : memref<10240xf32, #tpu.memory_space<vmem>>[vector<16xi32>], vector<16xf32>,
      %add3A_109 = arith.constant 16 : i32
      %add3A_110 = arith.addi %add3A_107, %add3A_109 : i32
      %get3A_111 = arith.index_cast %add3A_110 : i32 to index
      %get3A_112 = tpu.vector_load %arg4[%get3A_111] {strides = array<i32>} : memref<2000xi32, #tpu.memory_space<vmem>>, vector<16xi32>,
      tpu.vector_store_idx %arg6[%get3A_112], %broadcast_in_dim3A_3 {add = true} : memref<10240xf32, #tpu.memory_space<vmem>>[vector<16xi32>], vector<16xf32>,
      %add3A_113 = arith.constant 32 : i32
      %add3A_114 = arith.addi %add3A_107, %add3A_113 : i32
      %get3A_115 = arith.index_cast %add3A_114 : i32 to index
      %get3A_116 = tpu.vector_load %arg4[%get3A_115] {strides = array<i32>} : memref<2000xi32, #tpu.memory_space<vmem>>, vector<16xi32>,
      tpu.vector_store_idx %arg6[%get3A_116], %broadcast_in_dim3A_3 {add = true} : memref<10240xf32, #tpu.memory_space<vmem>>[vector<16xi32>], vector<16xf32>,
      %add3A_117 = arith.constant 48 : i32
      %add3A_118 = arith.addi %add3A_107, %add3A_117 : i32
      %get3A_119 = arith.index_cast %add3A_118 : i32 to index
      %get3A_120 = tpu.vector_load %arg4[%get3A_119] {strides = array<i32>} : memref<2000xi32, #tpu.memory_space<vmem>>, vector<16xi32>,
      tpu.vector_store_idx %arg6[%get3A_120], %broadcast_in_dim3A_3 {add = true} : memref<10240xf32, #tpu.memory_space<vmem>>[vector<16xi32>], vector<16xf32>,
      %add3A_121 = arith.constant 64 : i32
      %add3A_122 = arith.addi %add3A_107, %add3A_121 : i32
      %get3A_123 = arith.index_cast %add3A_122 : i32 to index
      %get3A_124 = tpu.vector_load %arg4[%get3A_123] {strides = array<i32>} : memref<2000xi32, #tpu.memory_space<vmem>>, vector<16xi32>,
      tpu.vector_store_idx %arg6[%get3A_124], %broadcast_in_dim3A_3 {add = true} : memref<10240xf32, #tpu.memory_space<vmem>>[vector<16xi32>], vector<16xf32>,
    }
    %scan3A_33 = arith.constant 25 : i32
    %add3A_34 = arith.constant 2000 : i32
    %add3A_35 = arith.addi %mul3A_9, %add3A_34 : i32
    %dma_wait3A_36 = arith.constant 1 : i32
    %dma_wait3A_37 = tpu.memref_slice %arg2[%add3A_35] : memref<320000xi32, #tpu.memory_space<hbm>> -> memref<2000xi32, #tpu.memory_space<hbm>>
    %dma_wait3A_38 = tpu.memref_slice %arg7[%dma_wait3A_36] : memref<2x!tpu.dma_semaphore, #tpu.memory_space<semaphore_mem>> -> memref<1x!tpu.dma_semaphore, #tpu.memory_space<semaphore_mem>>
    %dma_wait3A_39 = tpu.memref_squeeze %dma_wait3A_38 : memref<1x!tpu.dma_semaphore, #tpu.memory_space<semaphore_mem>> -> memref<!tpu.dma_semaphore, #tpu.memory_space<semaphore_mem>>
    %dma_wait3A_40 = tpu.memref_slice %arg2[%add3A_35] : memref<320000xi32, #tpu.memory_space<hbm>> -> memref<2000xi32, #tpu.memory_space<hbm>>
    tpu.wait_dma2 semaphore(%dma_wait3A_39 : memref<!tpu.dma_semaphore, #tpu.memory_space<semaphore_mem>>) src(%dma_wait3A_40 : memref<2000xi32, #tpu.memory_space<hbm>>) dst(%arg5 : memref<2000xi32, #tpu.memory_space<vmem>>)
    %add3A_41 = arith.constant 4000 : i32
    %add3A_42 = arith.addi %mul3A_9, %add3A_41 : i32
    %dma_start3A_43 = arith.constant 0 : i32
    %dma_start3A_44 = tpu.memref_slice %arg2[%add3A_42] : memref<320000xi32, #tpu.memory_space<hbm>> -> memref<2000xi32, #tpu.memory_space<hbm>>
    %dma_start3A_45 = tpu.memref_slice %arg7[%dma_start3A_43] : memref<2x!tpu.dma_semaphore, #tpu.memory_space<semaphore_mem>> -> memref<1x!tpu.dma_semaphore, #tpu.memory_space<semaphore_mem>>
    %dma_start3A_46 = tpu.memref_squeeze %dma_start3A_45 : memref<1x!tpu.dma_semaphore, #tpu.memory_space<semaphore_mem>> -> memref<!tpu.dma_semaphore, #tpu.memory_space<semaphore_mem>>
    %dma_start3A_47 = tpu.memref_slice %arg2[%add3A_42] : memref<320000xi32, #tpu.memory_space<hbm>> -> memref<2000xi32, #tpu.memory_space<hbm>>
    tpu.enqueue_dma source(%dma_start3A_47 : memref<2000xi32, #tpu.memory_space<hbm>>) target(%arg4 : memref<2000xi32, #tpu.memory_space<vmem>>) target_semaphore(%dma_start3A_46 : memref<!tpu.dma_semaphore, #tpu.memory_space<semaphore_mem>>)
    %scan3A_48 = arith.constant 0 : i32
    %scan3A_49 = arith.constant 25 : i32
    %scan3A_50 = arith.addi %scan3A_48, %scan3A_49 : i32
    %scan3A_51 = arith.constant 1 : i32
    scf.for %scan3A_103 = %scan3A_48 to %scan3A_50 step %scan3A_51  : i32 {
      %mul3A_104 = arith.constant 80 : i32
      %mul3A_105 = arith.muli %scan3A_103, %mul3A_104 : i32
      %add3A_106 = arith.constant 0 : i32
      %add3A_107 = arith.addi %add3A_106, %mul3A_105 : i32
      %get3A = arith.index_cast %add3A_107 : i32 to index
      %get3A_108 = tpu.vector_load %arg5[%get3A] {strides = array<i32>} : memref<2000xi32, #tpu.memory_space<vmem>>, vector<16xi32>,
      tpu.vector_store_idx %arg6[%get3A_108], %broadcast_in_dim3A_3 {add = true} : memref<10240xf32, #tpu.memory_space<vmem>>[vector<16xi32>], vector<16xf32>,
      %add3A_109 = arith.constant 16 : i32
      %add3A_110 = arith.addi %add3A_107, %add3A_109 : i32
      %get3A_111 = arith.index_cast %add3A_110 : i32 to index
      %get3A_112 = tpu.vector_load %arg5[%get3A_111] {strides = array<i32>} : memref<2000xi32, #tpu.memory_space<vmem>>, vector<16xi32>,
      tpu.vector_store_idx %arg6[%get3A_112], %broadcast_in_dim3A_3 {add = true} : memref<10240xf32, #tpu.memory_space<vmem>>[vector<16xi32>], vector<16xf32>,
      %add3A_113 = arith.constant 32 : i32
      %add3A_114 = arith.addi %add3A_107, %add3A_113 : i32
      %get3A_115 = arith.index_cast %add3A_114 : i32 to index
      %get3A_116 = tpu.vector_load %arg5[%get3A_115] {strides = array<i32>} : memref<2000xi32, #tpu.memory_space<vmem>>, vector<16xi32>,
      tpu.vector_store_idx %arg6[%get3A_116], %broadcast_in_dim3A_3 {add = true} : memref<10240xf32, #tpu.memory_space<vmem>>[vector<16xi32>], vector<16xf32>,
      %add3A_117 = arith.constant 48 : i32
      %add3A_118 = arith.addi %add3A_107, %add3A_117 : i32
      %get3A_119 = arith.index_cast %add3A_118 : i32 to index
      %get3A_120 = tpu.vector_load %arg5[%get3A_119] {strides = array<i32>} : memref<2000xi32, #tpu.memory_space<vmem>>, vector<16xi32>,
      tpu.vector_store_idx %arg6[%get3A_120], %broadcast_in_dim3A_3 {add = true} : memref<10240xf32, #tpu.memory_space<vmem>>[vector<16xi32>], vector<16xf32>,
      %add3A_121 = arith.constant 64 : i32
      %add3A_122 = arith.addi %add3A_107, %add3A_121 : i32
      %get3A_123 = arith.index_cast %add3A_122 : i32 to index
      %get3A_124 = tpu.vector_load %arg5[%get3A_123] {strides = array<i32>} : memref<2000xi32, #tpu.memory_space<vmem>>, vector<16xi32>,
      tpu.vector_store_idx %arg6[%get3A_124], %broadcast_in_dim3A_3 {add = true} : memref<10240xf32, #tpu.memory_space<vmem>>[vector<16xi32>], vector<16xf32>,
    }
    %scan3A_52 = arith.constant 25 : i32
    %add3A_53 = arith.constant 4000 : i32
    %add3A_54 = arith.addi %mul3A_9, %add3A_53 : i32
    %dma_wait3A_55 = arith.constant 0 : i32
    %dma_wait3A_56 = tpu.memref_slice %arg2[%add3A_54] : memref<320000xi32, #tpu.memory_space<hbm>> -> memref<2000xi32, #tpu.memory_space<hbm>>
    %dma_wait3A_57 = tpu.memref_slice %arg7[%dma_wait3A_55] : memref<2x!tpu.dma_semaphore, #tpu.memory_space<semaphore_mem>> -> memref<1x!tpu.dma_semaphore, #tpu.memory_space<semaphore_mem>>
    %dma_wait3A_58 = tpu.memref_squeeze %dma_wait3A_57 : memref<1x!tpu.dma_semaphore, #tpu.memory_space<semaphore_mem>> -> memref<!tpu.dma_semaphore, #tpu.memory_space<semaphore_mem>>
    %dma_wait3A_59 = tpu.memref_slice %arg2[%add3A_54] : memref<320000xi32, #tpu.memory_space<hbm>> -> memref<2000xi32, #tpu.memory_space<hbm>>
    tpu.wait_dma2 semaphore(%dma_wait3A_58 : memref<!tpu.dma_semaphore, #tpu.memory_space<semaphore_mem>>) src(%dma_wait3A_59 : memref<2000xi32, #tpu.memory_space<hbm>>) dst(%arg4 : memref<2000xi32, #tpu.memory_space<vmem>>)
    %add3A_60 = arith.constant 6000 : i32
    %add3A_61 = arith.addi %mul3A_9, %add3A_60 : i32
    %dma_start3A_62 = arith.constant 1 : i32
    %dma_start3A_63 = tpu.memref_slice %arg2[%add3A_61] : memref<320000xi32, #tpu.memory_space<hbm>> -> memref<2000xi32, #tpu.memory_space<hbm>>
    %dma_start3A_64 = tpu.memref_slice %arg7[%dma_start3A_62] : memref<2x!tpu.dma_semaphore, #tpu.memory_space<semaphore_mem>> -> memref<1x!tpu.dma_semaphore, #tpu.memory_space<semaphore_mem>>
    %dma_start3A_65 = tpu.memref_squeeze %dma_start3A_64 : memref<1x!tpu.dma_semaphore, #tpu.memory_space<semaphore_mem>> -> memref<!tpu.dma_semaphore, #tpu.memory_space<semaphore_mem>>
    %dma_start3A_66 = tpu.memref_slice %arg2[%add3A_61] : memref<320000xi32, #tpu.memory_space<hbm>> -> memref<2000xi32, #tpu.memory_space<hbm>>
    tpu.enqueue_dma source(%dma_start3A_66 : memref<2000xi32, #tpu.memory_space<hbm>>) target(%arg5 : memref<2000xi32, #tpu.memory_space<vmem>>) target_semaphore(%dma_start3A_65 : memref<!tpu.dma_semaphore, #tpu.memory_space<semaphore_mem>>)
    %scan3A_67 = arith.constant 0 : i32
    %scan3A_68 = arith.constant 25 : i32
    %scan3A_69 = arith.addi %scan3A_67, %scan3A_68 : i32
    %scan3A_70 = arith.constant 1 : i32
    scf.for %scan3A_103 = %scan3A_67 to %scan3A_69 step %scan3A_70  : i32 {
      %mul3A_104 = arith.constant 80 : i32
      %mul3A_105 = arith.muli %scan3A_103, %mul3A_104 : i32
      %add3A_106 = arith.constant 0 : i32
      %add3A_107 = arith.addi %add3A_106, %mul3A_105 : i32
      %get3A = arith.index_cast %add3A_107 : i32 to index
      %get3A_108 = tpu.vector_load %arg4[%get3A] {strides = array<i32>} : memref<2000xi32, #tpu.memory_space<vmem>>, vector<16xi32>,
      tpu.vector_store_idx %arg6[%get3A_108], %broadcast_in_dim3A_3 {add = true} : memref<10240xf32, #tpu.memory_space<vmem>>[vector<16xi32>], vector<16xf32>,
      %add3A_109 = arith.constant 16 : i32
      %add3A_110 = arith.addi %add3A_107, %add3A_109 : i32
      %get3A_111 = arith.index_cast %add3A_110 : i32 to index
      %get3A_112 = tpu.vector_load %arg4[%get3A_111] {strides = array<i32>} : memref<2000xi32, #tpu.memory_space<vmem>>, vector<16xi32>,
      tpu.vector_store_idx %arg6[%get3A_112], %broadcast_in_dim3A_3 {add = true} : memref<10240xf32, #tpu.memory_space<vmem>>[vector<16xi32>], vector<16xf32>,
      %add3A_113 = arith.constant 32 : i32
      %add3A_114 = arith.addi %add3A_107, %add3A_113 : i32
      %get3A_115 = arith.index_cast %add3A_114 : i32 to index
      %get3A_116 = tpu.vector_load %arg4[%get3A_115] {strides = array<i32>} : memref<2000xi32, #tpu.memory_space<vmem>>, vector<16xi32>,
      tpu.vector_store_idx %arg6[%get3A_116], %broadcast_in_dim3A_3 {add = true} : memref<10240xf32, #tpu.memory_space<vmem>>[vector<16xi32>], vector<16xf32>,
      %add3A_117 = arith.constant 48 : i32
      %add3A_118 = arith.addi %add3A_107, %add3A_117 : i32
      %get3A_119 = arith.index_cast %add3A_118 : i32 to index
      %get3A_120 = tpu.vector_load %arg4[%get3A_119] {strides = array<i32>} : memref<2000xi32, #tpu.memory_space<vmem>>, vector<16xi32>,
      tpu.vector_store_idx %arg6[%get3A_120], %broadcast_in_dim3A_3 {add = true} : memref<10240xf32, #tpu.memory_space<vmem>>[vector<16xi32>], vector<16xf32>,
      %add3A_121 = arith.constant 64 : i32
      %add3A_122 = arith.addi %add3A_107, %add3A_121 : i32
      %get3A_123 = arith.index_cast %add3A_122 : i32 to index
      %get3A_124 = tpu.vector_load %arg4[%get3A_123] {strides = array<i32>} : memref<2000xi32, #tpu.memory_space<vmem>>, vector<16xi32>,
      tpu.vector_store_idx %arg6[%get3A_124], %broadcast_in_dim3A_3 {add = true} : memref<10240xf32, #tpu.memory_space<vmem>>[vector<16xi32>], vector<16xf32>,
    }
    %scan3A_71 = arith.constant 25 : i32
    %add3A_72 = arith.constant 6000 : i32
    %add3A_73 = arith.addi %mul3A_9, %add3A_72 : i32
    %dma_wait3A_74 = arith.constant 1 : i32
    %dma_wait3A_75 = tpu.memref_slice %arg2[%add3A_73] : memref<320000xi32, #tpu.memory_space<hbm>> -> memref<2000xi32, #tpu.memory_space<hbm>>
    %dma_wait3A_76 = tpu.memref_slice %arg7[%dma_wait3A_74] : memref<2x!tpu.dma_semaphore, #tpu.memory_space<semaphore_mem>> -> memref<1x!tpu.dma_semaphore, #tpu.memory_space<semaphore_mem>>
    %dma_wait3A_77 = tpu.memref_squeeze %dma_wait3A_76 : memref<1x!tpu.dma_semaphore, #tpu.memory_space<semaphore_mem>> -> memref<!tpu.dma_semaphore, #tpu.memory_space<semaphore_mem>>
    %dma_wait3A_78 = tpu.memref_slice %arg2[%add3A_73] : memref<320000xi32, #tpu.memory_space<hbm>> -> memref<2000xi32, #tpu.memory_space<hbm>>
    tpu.wait_dma2 semaphore(%dma_wait3A_77 : memref<!tpu.dma_semaphore, #tpu.memory_space<semaphore_mem>>) src(%dma_wait3A_78 : memref<2000xi32, #tpu.memory_space<hbm>>) dst(%arg5 : memref<2000xi32, #tpu.memory_space<vmem>>)
    %add3A_79 = arith.constant 8000 : i32
    %add3A_80 = arith.addi %mul3A_9, %add3A_79 : i32
    %dma_start3A_81 = arith.constant 0 : i32
    %dma_start3A_82 = tpu.memref_slice %arg2[%add3A_80] : memref<320000xi32, #tpu.memory_space<hbm>> -> memref<2000xi32, #tpu.memory_space<hbm>>
    %dma_start3A_83 = tpu.memref_slice %arg7[%dma_start3A_81] : memref<2x!tpu.dma_semaphore, #tpu.memory_space<semaphore_mem>> -> memref<1x!tpu.dma_semaphore, #tpu.memory_space<semaphore_mem>>
    %dma_start3A_84 = tpu.memref_squeeze %dma_start3A_83 : memref<1x!tpu.dma_semaphore, #tpu.memory_space<semaphore_mem>> -> memref<!tpu.dma_semaphore, #tpu.memory_space<semaphore_mem>>
    %dma_start3A_85 = tpu.memref_slice %arg2[%add3A_80] : memref<320000xi32, #tpu.memory_space<hbm>> -> memref<2000xi32, #tpu.memory_space<hbm>>
    tpu.enqueue_dma source(%dma_start3A_85 : memref<2000xi32, #tpu.memory_space<hbm>>) target(%arg4 : memref<2000xi32, #tpu.memory_space<vmem>>) target_semaphore(%dma_start3A_84 : memref<!tpu.dma_semaphore, #tpu.memory_space<semaphore_mem>>)
    %scan3A_86 = arith.constant 0 : i32
    %scan3A_87 = arith.constant 25 : i32
    %scan3A_88 = arith.addi %scan3A_86, %scan3A_87 : i32
    %scan3A_89 = arith.constant 1 : i32
    scf.for %scan3A_103 = %scan3A_86 to %scan3A_88 step %scan3A_89  : i32 {
      %mul3A_104 = arith.constant 80 : i32
      %mul3A_105 = arith.muli %scan3A_103, %mul3A_104 : i32
      %add3A_106 = arith.constant 0 : i32
      %add3A_107 = arith.addi %add3A_106, %mul3A_105 : i32
      %get3A = arith.index_cast %add3A_107 : i32 to index
      %get3A_108 = tpu.vector_load %arg5[%get3A] {strides = array<i32>} : memref<2000xi32, #tpu.memory_space<vmem>>, vector<16xi32>,
      tpu.vector_store_idx %arg6[%get3A_108], %broadcast_in_dim3A_3 {add = true} : memref<10240xf32, #tpu.memory_space<vmem>>[vector<16xi32>], vector<16xf32>,
      %add3A_109 = arith.constant 16 : i32
      %add3A_110 = arith.addi %add3A_107, %add3A_109 : i32
      %get3A_111 = arith.index_cast %add3A_110 : i32 to index
      %get3A_112 = tpu.vector_load %arg5[%get3A_111] {strides = array<i32>} : memref<2000xi32, #tpu.memory_space<vmem>>, vector<16xi32>,
      tpu.vector_store_idx %arg6[%get3A_112], %broadcast_in_dim3A_3 {add = true} : memref<10240xf32, #tpu.memory_space<vmem>>[vector<16xi32>], vector<16xf32>,
      %add3A_113 = arith.constant 32 : i32
      %add3A_114 = arith.addi %add3A_107, %add3A_113 : i32
      %get3A_115 = arith.index_cast %add3A_114 : i32 to index
      %get3A_116 = tpu.vector_load %arg5[%get3A_115] {strides = array<i32>} : memref<2000xi32, #tpu.memory_space<vmem>>, vector<16xi32>,
      tpu.vector_store_idx %arg6[%get3A_116], %broadcast_in_dim3A_3 {add = true} : memref<10240xf32, #tpu.memory_space<vmem>>[vector<16xi32>], vector<16xf32>,
      %add3A_117 = arith.constant 48 : i32
      %add3A_118 = arith.addi %add3A_107, %add3A_117 : i32
      %get3A_119 = arith.index_cast %add3A_118 : i32 to index
      %get3A_120 = tpu.vector_load %arg5[%get3A_119] {strides = array<i32>} : memref<2000xi32, #tpu.memory_space<vmem>>, vector<16xi32>,
      tpu.vector_store_idx %arg6[%get3A_120], %broadcast_in_dim3A_3 {add = true} : memref<10240xf32, #tpu.memory_space<vmem>>[vector<16xi32>], vector<16xf32>,
      %add3A_121 = arith.constant 64 : i32
      %add3A_122 = arith.addi %add3A_107, %add3A_121 : i32
      %get3A_123 = arith.index_cast %add3A_122 : i32 to index
      %get3A_124 = tpu.vector_load %arg5[%get3A_123] {strides = array<i32>} : memref<2000xi32, #tpu.memory_space<vmem>>, vector<16xi32>,
      tpu.vector_store_idx %arg6[%get3A_124], %broadcast_in_dim3A_3 {add = true} : memref<10240xf32, #tpu.memory_space<vmem>>[vector<16xi32>], vector<16xf32>,
    }
    %scan3A_90 = arith.constant 25 : i32
    %add3A_91 = arith.constant 8000 : i32
    %add3A_92 = arith.addi %mul3A_9, %add3A_91 : i32
    %dma_wait3A_93 = arith.constant 0 : i32
    %dma_wait3A_94 = tpu.memref_slice %arg2[%add3A_92] : memref<320000xi32, #tpu.memory_space<hbm>> -> memref<2000xi32, #tpu.memory_space<hbm>>
    %dma_wait3A_95 = tpu.memref_slice %arg7[%dma_wait3A_93] : memref<2x!tpu.dma_semaphore, #tpu.memory_space<semaphore_mem>> -> memref<1x!tpu.dma_semaphore, #tpu.memory_space<semaphore_mem>>
    %dma_wait3A_96 = tpu.memref_squeeze %dma_wait3A_95 : memref<1x!tpu.dma_semaphore, #tpu.memory_space<semaphore_mem>> -> memref<!tpu.dma_semaphore, #tpu.memory_space<semaphore_mem>>
    %dma_wait3A_97 = tpu.memref_slice %arg2[%add3A_92] : memref<320000xi32, #tpu.memory_space<hbm>> -> memref<2000xi32, #tpu.memory_space<hbm>>
    tpu.wait_dma2 semaphore(%dma_wait3A_96 : memref<!tpu.dma_semaphore, #tpu.memory_space<semaphore_mem>>) src(%dma_wait3A_97 : memref<2000xi32, #tpu.memory_space<hbm>>) dst(%arg4 : memref<2000xi32, #tpu.memory_space<vmem>>)
    %scan3A_98 = arith.constant 0 : i32
    %scan3A_99 = arith.constant 25 : i32
    %scan3A_100 = arith.addi %scan3A_98, %scan3A_99 : i32
    %scan3A_101 = arith.constant 1 : i32
    scf.for %scan3A_103 = %scan3A_98 to %scan3A_100 step %scan3A_101  : i32 {
      %mul3A_104 = arith.constant 80 : i32
      %mul3A_105 = arith.muli %scan3A_103, %mul3A_104 : i32
      %add3A_106 = arith.constant 0 : i32
      %add3A_107 = arith.addi %add3A_106, %mul3A_105 : i32
      %get3A = arith.index_cast %add3A_107 : i32 to index
      %get3A_108 = tpu.vector_load %arg4[%get3A] {strides = array<i32>} : memref<2000xi32, #tpu.memory_space<vmem>>, vector<16xi32>,
      tpu.vector_store_idx %arg6[%get3A_108], %broadcast_in_dim3A_3 {add = true} : memref<10240xf32, #tpu.memory_space<vmem>>[vector<16xi32>], vector<16xf32>,
      %add3A_109 = arith.constant 16 : i32
      %add3A_110 = arith.addi %add3A_107, %add3A_109 : i32
      %get3A_111 = arith.index_cast %add3A_110 : i32 to index
      %get3A_112 = tpu.vector_load %arg4[%get3A_111] {strides = array<i32>} : memref<2000xi32, #tpu.memory_space<vmem>>, vector<16xi32>,
      tpu.vector_store_idx %arg6[%get3A_112], %broadcast_in_dim3A_3 {add = true} : memref<10240xf32, #tpu.memory_space<vmem>>[vector<16xi32>], vector<16xf32>,
      %add3A_113 = arith.constant 32 : i32
      %add3A_114 = arith.addi %add3A_107, %add3A_113 : i32
      %get3A_115 = arith.index_cast %add3A_114 : i32 to index
      %get3A_116 = tpu.vector_load %arg4[%get3A_115] {strides = array<i32>} : memref<2000xi32, #tpu.memory_space<vmem>>, vector<16xi32>,
      tpu.vector_store_idx %arg6[%get3A_116], %broadcast_in_dim3A_3 {add = true} : memref<10240xf32, #tpu.memory_space<vmem>>[vector<16xi32>], vector<16xf32>,
      %add3A_117 = arith.constant 48 : i32
      %add3A_118 = arith.addi %add3A_107, %add3A_117 : i32
      %get3A_119 = arith.index_cast %add3A_118 : i32 to index
      %get3A_120 = tpu.vector_load %arg4[%get3A_119] {strides = array<i32>} : memref<2000xi32, #tpu.memory_space<vmem>>, vector<16xi32>,
      tpu.vector_store_idx %arg6[%get3A_120], %broadcast_in_dim3A_3 {add = true} : memref<10240xf32, #tpu.memory_space<vmem>>[vector<16xi32>], vector<16xf32>,
      %add3A_121 = arith.constant 64 : i32
      %add3A_122 = arith.addi %add3A_107, %add3A_121 : i32
      %get3A_123 = arith.index_cast %add3A_122 : i32 to index
      %get3A_124 = tpu.vector_load %arg4[%get3A_123] {strides = array<i32>} : memref<2000xi32, #tpu.memory_space<vmem>>, vector<16xi32>,
      tpu.vector_store_idx %arg6[%get3A_124], %broadcast_in_dim3A_3 {add = true} : memref<10240xf32, #tpu.memory_space<vmem>>[vector<16xi32>], vector<16xf32>,
    }
    %scan3A_102 = arith.constant 25 : i32
    "tpu.region"() ({
      %run_scoped3A = tpu.sem_alloc : memref<!tpu.dma_semaphore, #tpu.memory_space<semaphore_mem>>
      %dma_start3A_103 = arith.constant 0 : i32
      %dma_start3A_104 = tpu.memref_slice %arg3[%add3A, %dma_start3A_103] : memref<32x10240xf32, #tpu.memory_space<hbm>> -> memref<1x10240xf32, #tpu.memory_space<hbm>>
      %dma_start3A_105 = tpu.memref_squeeze %dma_start3A_104 : memref<1x10240xf32, #tpu.memory_space<hbm>> -> memref<10240xf32, #tpu.memory_space<hbm>>
      %dma_start3A_106 = arith.constant 0 : i32
      %dma_start3A_107 = tpu.memref_slice %arg3[%add3A, %dma_start3A_106] : memref<32x10240xf32, #tpu.memory_space<hbm>> -> memref<1x10240xf32, #tpu.memory_space<hbm>>
      %dma_start3A_108 = tpu.memref_squeeze %dma_start3A_107 : memref<1x10240xf32, #tpu.memory_space<hbm>> -> memref<10240xf32, #tpu.memory_space<hbm>>
      tpu.enqueue_dma source(%arg6 : memref<10240xf32, #tpu.memory_space<vmem>>) target(%dma_start3A_108 : memref<10240xf32, #tpu.memory_space<hbm>>) target_semaphore(%run_scoped3A : memref<!tpu.dma_semaphore, #tpu.memory_space<semaphore_mem>>)
      %dma_wait3A_109 = arith.constant 0 : i32
      %dma_wait3A_110 = tpu.memref_slice %arg3[%add3A, %dma_wait3A_109] : memref<32x10240xf32, #tpu.memory_space<hbm>> -> memref<1x10240xf32, #tpu.memory_space<hbm>>
      %dma_wait3A_111 = tpu.memref_squeeze %dma_wait3A_110 : memref<1x10240xf32, #tpu.memory_space<hbm>> -> memref<10240xf32, #tpu.memory_space<hbm>>
      %dma_wait3A_112 = arith.constant 0 : i32
      %dma_wait3A_113 = tpu.memref_slice %arg3[%add3A, %dma_wait3A_112] : memref<32x10240xf32, #tpu.memory_space<hbm>> -> memref<1x10240xf32, #tpu.memory_space<hbm>>
      %dma_wait3A_114 = tpu.memref_squeeze %dma_wait3A_113 : memref<1x10240xf32, #tpu.memory_space<hbm>> -> memref<10240xf32, #tpu.memory_space<hbm>>
      tpu.wait_dma2 semaphore(%run_scoped3A : memref<!tpu.dma_semaphore, #tpu.memory_space<semaphore_mem>>) src(%arg6 : memref<10240xf32, #tpu.memory_space<vmem>>) dst(%dma_wait3A_114 : memref<10240xf32, #tpu.memory_space<hbm>>)
      tpu.yield
    }) : () -> ()
    return
  }
}

module attributes {stable_mosaic.version = 14 : i64} {
  func.func @_prep_body(%arg0: i32, %arg1: memref<1280x128xf32, #tpu.memory_space<vmem>>, %arg2: memref<128x128xf32, #tpu.memory_space<vmem>>, %arg3: memref<1x128xf32, #tpu.memory_space<vmem>>, %arg4: memref<32x1280xf32, #tpu.memory_space<vmem>>, %arg5: memref<1280x128xf32, #tpu.memory_space<vmem>>) attributes {dimension_semantics = [#tpu.dimension_semantics<arbitrary>], iteration_bounds = array<i64: 8>, scalar_prefetch = 0 : i64, scratch_operands = 0 : i64, tpu.core_type = #tpu.core_type<tc>, window_params = [{transform_indices = @transform_0, window_bounds = array<i64: 1280, 128>}, {pipeline_mode = #tpu.pipeline_mode<synchronous>, transform_indices = @transform_1, window_bounds = array<i64: 128, 128>}, {pipeline_mode = #tpu.pipeline_mode<synchronous>, transform_indices = @transform_2, window_bounds = array<i64: 1, 128>}, {transform_indices = @transform_3, window_bounds = array<i64: 32, 1280>}, {transform_indices = @transform_4, window_bounds = array<i64: 1280, 128>}]} {
    %get3A = arith.constant 0 : index
    %get3A_0 = arith.constant 0 : index
    %get3A_1 = vector.load %arg1[%get3A, %get3A_0] : memref<1280x128xf32, #tpu.memory_space<vmem>>, vector<1280x128xf32>
    %get3A_2 = arith.constant 0 : index
    %get3A_3 = arith.constant 0 : index
    %get3A_4 = vector.load %arg2[%get3A_2, %get3A_3] : memref<128x128xf32, #tpu.memory_space<vmem>>, vector<128x128xf32>
    %dot_general3A = arith.constant dense<0.000000e+00> : vector<1280x128xf32>
    %dot_general3A_5 = tpu.matmul %get3A_1, %get3A_4, %dot_general3A {dimension_numbers = #tpu.dot_dimension_numbers<[1], [1], [0], [0], [0, 0, 1, 0], [], []>, transpose_lhs_hint = false} : vector<1280x128xf32>, vector<128x128xf32>, vector<1280x128xf32> -> vector<1280x128xf32>
    %get3A_6 = arith.constant 0 : index
    %get3A_7 = arith.constant 0 : index
    %get3A_8 = vector.load %arg3[%get3A_6, %get3A_7] : memref<1x128xf32, #tpu.memory_space<vmem>>, vector<1x128xf32>
    %add3A = vector.broadcast %get3A_8 : vector<1x128xf32> to vector<1280x128xf32>
    %add3A_9 = arith.addf %dot_general3A_5, %add3A : vector<1280x128xf32>
    %get3A_10 = arith.constant 0 : index
    %get3A_11 = arith.constant 0 : index
    %get3A_12 = vector.load %arg4[%get3A_10, %get3A_11] : memref<32x1280xf32, #tpu.memory_space<vmem>>, vector<32x1280xf32>
    %reduce_sum3A = arith.constant dense<0.000000e+00> : vector<1280xf32>
    %reduce_sum3A_13 = vector.multi_reduction <add>, %get3A_12, %reduce_sum3A [0] : vector<32x1280xf32> to vector<1280xf32>
    %add3A_14 = arith.constant 1.000000e+00 : f32
    %add3A_15 = vector.broadcast %add3A_14 : f32 to vector<1280xf32>
    %add3A_16 = arith.addf %add3A_15, %reduce_sum3A_13 : vector<1280xf32>
    %rsqrt3A = math.rsqrt %add3A_16 : vector<1280xf32>
    %broadcast_in_dim3A = vector.shape_cast %rsqrt3A : vector<1280xf32> to vector<1280x1xf32>
    %mul3A = vector.broadcast %broadcast_in_dim3A : vector<1280x1xf32> to vector<1280x128xf32>
    %mul3A_17 = arith.mulf %add3A_9, %mul3A : vector<1280x128xf32>
    %swap3A = arith.constant 0 : index
    %swap3A_18 = arith.constant 0 : index
    %swap3A_19 = vector.load %arg5[%swap3A, %swap3A_18] : memref<1280x128xf32, #tpu.memory_space<vmem>>, vector<1280x128xf32>
    tpu.vector_store %arg5[%swap3A, %swap3A_18], %mul3A_17 {strides = array<i32>} : memref<1280x128xf32, #tpu.memory_space<vmem>>, vector<1280x128xf32>,
    return
  }
  func.func @transform_0(%arg0: i32) -> (i32, i32) {
    %c0_i32 = arith.constant 0 : i32
    %c0_i32_0 = arith.constant 0 : i32
    return %arg0, %c0_i32 : i32, i32
  }
  func.func @transform_1(%arg0: i32) -> (i32, i32) {
    %c0_i32 = arith.constant 0 : i32
    %c0_i32_0 = arith.constant 0 : i32
    %c0_i32_1 = arith.constant 0 : i32
    return %c0_i32, %c0_i32_0 : i32, i32
  }
  func.func @transform_2(%arg0: i32) -> (i32, i32) {
    %c0_i32 = arith.constant 0 : i32
    %c0_i32_0 = arith.constant 0 : i32
    %c0_i32_1 = arith.constant 0 : i32
    return %c0_i32, %c0_i32_0 : i32, i32
  }
  func.func @transform_3(%arg0: i32) -> (i32, i32) {
    %c0_i32 = arith.constant 0 : i32
    %c0_i32_0 = arith.constant 0 : i32
    return %c0_i32, %arg0 : i32, i32
  }
  func.func @transform_4(%arg0: i32) -> (i32, i32) {
    %c0_i32 = arith.constant 0 : i32
    %c0_i32_0 = arith.constant 0 : i32
    return %arg0, %c0_i32 : i32, i32
  }
}

module attributes {stable_mosaic.version = 14 : i64} {
  func.func @_final_body(%arg0: i32, %arg1: memref<1280x128xf32, #tpu.memory_space<vmem>>, %arg2: memref<2x1280x128xf32, #tpu.memory_space<vmem>>, %arg3: memref<32x1280xf32, #tpu.memory_space<vmem>>, %arg4: memref<1280x1xf32, #tpu.memory_space<vmem>>, %arg5: memref<1x128xf32, #tpu.memory_space<vmem>>, %arg6: memref<1280x128xf32, #tpu.memory_space<vmem>>) attributes {dimension_semantics = [#tpu.dimension_semantics<arbitrary>], iteration_bounds = array<i64: 8>, scalar_prefetch = 0 : i64, scratch_operands = 0 : i64, tpu.core_type = #tpu.core_type<tc>, window_params = [{transform_indices = @transform_0, window_bounds = array<i64: 1280, 128>}, {transform_indices = @transform_1, window_bounds = array<i64: 2, 1280, 128>}, {transform_indices = @transform_2, window_bounds = array<i64: 32, 1280>}, {transform_indices = @transform_3, window_bounds = array<i64: 1280, 1>}, {pipeline_mode = #tpu.pipeline_mode<synchronous>, transform_indices = @transform_4, window_bounds = array<i64: 1, 128>}, {transform_indices = @transform_5, window_bounds = array<i64: 1280, 128>}]} {
    %get3A = arith.constant 0 : index
    %get3A_0 = arith.constant 0 : index
    %get3A_1 = vector.load %arg3[%get3A, %get3A_0] : memref<32x1280xf32, #tpu.memory_space<vmem>>, vector<32x1280xf32>
    %reduce_sum3A = arith.constant dense<0.000000e+00> : vector<1280xf32>
    %reduce_sum3A_2 = vector.multi_reduction <add>, %get3A_1, %reduce_sum3A [0] : vector<32x1280xf32> to vector<1280xf32>
    %add3A = arith.constant 1.000000e+00 : f32
    %add3A_3 = vector.broadcast %add3A : f32 to vector<1280xf32>
    %add3A_4 = arith.addf %add3A_3, %reduce_sum3A_2 : vector<1280xf32>
    %rsqrt3A = math.rsqrt %add3A_4 : vector<1280xf32>
    %get3A_5 = arith.constant 0 : index
    %get3A_6 = arith.constant 0 : index
    %get3A_7 = vector.load %arg1[%get3A_5, %get3A_6] : memref<1280x128xf32, #tpu.memory_space<vmem>>, vector<1280x128xf32>
    %sqrt3A = math.sqrt %add3A_4 : vector<1280xf32>
    %broadcast_in_dim3A = vector.shape_cast %sqrt3A : vector<1280xf32> to vector<1280x1xf32>
    %mul3A = vector.broadcast %broadcast_in_dim3A : vector<1280x1xf32> to vector<1280x128xf32>
    %mul3A_8 = arith.mulf %get3A_7, %mul3A : vector<1280x128xf32>
    %get3A_9 = arith.constant 0 : index
    %get3A_10 = arith.constant 0 : index
    %get3A_11 = arith.constant 0 : index
    %get3A_12 = vector.load %arg2[%get3A_9, %get3A_10, %get3A_11] : memref<2x1280x128xf32, #tpu.memory_space<vmem>>, vector<1x1280x128xf32>
    %get3A_13 = vector.shape_cast %get3A_12 : vector<1x1280x128xf32> to vector<1280x128xf32>
    %get3A_14 = arith.constant 1 : index
    %get3A_15 = arith.constant 0 : index
    %get3A_16 = arith.constant 0 : index
    %get3A_17 = vector.load %arg2[%get3A_14, %get3A_15, %get3A_16] : memref<2x1280x128xf32, #tpu.memory_space<vmem>>, vector<1x1280x128xf32>
    %get3A_18 = vector.shape_cast %get3A_17 : vector<1x1280x128xf32> to vector<1280x128xf32>
    %add3A_19 = arith.addf %get3A_13, %get3A_18 : vector<1280x128xf32>
    %add3A_20 = arith.addf %add3A_19, %get3A_7 : vector<1280x128xf32>
    %get3A_21 = arith.constant 0 : index
    %get3A_22 = arith.constant 0 : index
    %get3A_23 = vector.load %arg4[%get3A_21, %get3A_22] : memref<1280x1xf32, #tpu.memory_space<vmem>>, vector<1280x1xf32>
    %mul3A_24 = vector.broadcast %get3A_23 : vector<1280x1xf32> to vector<1280x128xf32>
    %mul3A_25 = arith.mulf %mul3A_24, %mul3A_8 : vector<1280x128xf32>
    %sub3A = arith.constant 1.000000e+00 : f32
    %sub3A_26 = vector.broadcast %sub3A : f32 to vector<1280x1xf32>
    %sub3A_27 = arith.subf %sub3A_26, %get3A_23 : vector<1280x1xf32>
    %broadcast_in_dim3A_28 = vector.shape_cast %rsqrt3A : vector<1280xf32> to vector<1280x1xf32>
    %mul3A_29 = vector.broadcast %broadcast_in_dim3A_28 : vector<1280x1xf32> to vector<1280x128xf32>
    %mul3A_30 = arith.mulf %add3A_20, %mul3A_29 : vector<1280x128xf32>
    %mul3A_31 = vector.broadcast %sub3A_27 : vector<1280x1xf32> to vector<1280x128xf32>
    %mul3A_32 = arith.mulf %mul3A_31, %mul3A_30 : vector<1280x128xf32>
    %add3A_33 = arith.addf %mul3A_25, %mul3A_32 : vector<1280x128xf32>
    %get3A_34 = arith.constant 0 : index
    %get3A_35 = arith.constant 0 : index
    %get3A_36 = vector.load %arg5[%get3A_34, %get3A_35] : memref<1x128xf32, #tpu.memory_space<vmem>>, vector<1x128xf32>
    %add3A_37 = vector.broadcast %get3A_36 : vector<1x128xf32> to vector<1280x128xf32>
    %add3A_38 = arith.addf %add3A_33, %add3A_37 : vector<1280x128xf32>
    %swap3A = arith.constant 0 : index
    %swap3A_39 = arith.constant 0 : index
    %swap3A_40 = vector.load %arg6[%swap3A, %swap3A_39] : memref<1280x128xf32, #tpu.memory_space<vmem>>, vector<1280x128xf32>
    tpu.vector_store %arg6[%swap3A, %swap3A_39], %add3A_38 {strides = array<i32>} : memref<1280x128xf32, #tpu.memory_space<vmem>>, vector<1280x128xf32>,
    return
  }
  func.func @transform_0(%arg0: i32) -> (i32, i32) {
    %c0_i32 = arith.constant 0 : i32
    %c0_i32_0 = arith.constant 0 : i32
    return %arg0, %c0_i32 : i32, i32
  }
  func.func @transform_1(%arg0: i32) -> (i32, i32, i32) {
    %c0_i32 = arith.constant 0 : i32
    %c0_i32_0 = arith.constant 0 : i32
    %c0_i32_1 = arith.constant 0 : i32
    return %c0_i32, %arg0, %c0_i32_0 : i32, i32, i32
  }
  func.func @transform_2(%arg0: i32) -> (i32, i32) {
    %c0_i32 = arith.constant 0 : i32
    %c0_i32_0 = arith.constant 0 : i32
    return %c0_i32, %arg0 : i32, i32
  }
  func.func @transform_3(%arg0: i32) -> (i32, i32) {
    %c0_i32 = arith.constant 0 : i32
    %c0_i32_0 = arith.constant 0 : i32
    return %arg0, %c0_i32 : i32, i32
  }
  func.func @transform_4(%arg0: i32) -> (i32, i32) {
    %c0_i32 = arith.constant 0 : i32
    %c0_i32_0 = arith.constant 0 : i32
    %c0_i32_1 = arith.constant 0 : i32
    return %c0_i32, %c0_i32_0 : i32, i32
  }
  func.func @transform_5(%arg0: i32) -> (i32, i32) {
    %c0_i32 = arith.constant 0 : i32
    %c0_i32_0 = arith.constant 0 : i32
    return %arg0, %c0_i32 : i32, i32
  }
}

</mosaic_0001>

<sc_bundles>
// kernel: kernel.6.cloned.1.call-start
scs
__scs_entry_jumppad:
0x0: {  	(pc) =	sbr.rel $0x88, $3  }
0x1: {  	(tag) =	ssettag $0x0;
	lr =	simm.s32 $0x1  }
0x2: {  	[smem:$0x3F9B] =	sst lr;
	_ =	strace $0xD0000000  }
0x3: {  	_ = 	snop  }
0x4: {  	_ = 	snop  }
0x5: {  	_ = 	snop  }
0x6: {  	_ = 	snop  }
0x7: {  	_ = 	snop  }
__scs_overlays_trampoline_lowered:
0x8: {  	[smem:$0x3FAA] =	sst s0  }
0x9: {  	[smem:$0x3FAB] =	sst s1  }
0xa: {  	[smem:$0x3FAC] =	sst s2  }
0xb: {  	[smem:$0x3FAD] =	sst s3  }
0xc: {  	[smem:$0x3FAE] =	sst s4  }
0xd: {  	[smem:$0x3FAF] =	sst s5  }
0xe: {  	[smem:$0x3FB0] =	sst s6  }
0xf: {  	[smem:$0x3FB1] =	sst s7  }
0x10: {  	[smem:$0x3FB2] =	sst s8  }
0x11: {  	[smem:$0x3FB3] =	sst s9;
	s0 =	simm.s32 @!p0 $0x0  }
0x12: {  	s1 =	sld [smem:$0x3F99];
	s0 =	simm.s32 @p0 $0x1  }
0x13: {  	[smem:$0x3FB4] =	sst s0;
	s0 =	simm.s32 @!p1 $0x0  }
0x14: {  	s2 =	sld [smem:$0x3F98];
	s0 =	simm.s32 @p1 $0x1  }
0x15: {  	[smem:$0x3FB5] =	sst s0;
	s0 =	simm.s32 @!p2 $0x0  }
0x16: {  	s3 =	sld [smem:$0x3FDB];
	s0 =	simm.s32 @p2 $0x1  }
0x17: {  	s4 =	simm.s32 $0x1BF5;
	[smem:$0x3FB7] =	sst s0  }
0x18: {  	s0 =	sld [smem:$0x3F9A];
	_ =	swait.ge [sflag:s4], $0x0  }
0x19: {  	s7 =	sld [smem:$0x3F9B]  }
0x1a: {  	s8 =	sadd.s32 $0xFFFFE003, lr  }
0x1b: {  	s9 =	sadd.s32 $0xFFFFFEF7, lr;
	s5 =	simm.s32 $0xFFFFFFFF;
	p2 =	slt.u32 s8, $0xFFFFF086  }
0x1c: {  	p1 =	slt.u32 s9, $0xF7A;
	s5 =	simm.s32 @!p2 $0x0  }
0x1d: {  	s5 =	simm.s32 @p1 $0x1;
	p0 =	seq.s32 s7, s2  }
0x1e: {  	s7 =	smul.u32 @!p0 $0xF7A, s2;
	p2 =	seq.s32 @!p0 s5, $0x0  }
0x1f: {  	s9 =	smul.u32 $0xF7A, s1;
	s8 =	simm.s32 @!p0 $0x1BF5;
	p2 =	por !p2, p0  }
0x20: {  	[sflag:s8] =	ssyncset.s32 @!p0 $0xFFFFF086;
	s6 =	sadd.s32 @!p0 s3, s7;
	s7 =	simm.s32 @!p0 $0x108  }
0x21: {  	s3 =	sadd.s32 s3, s9;
	s6 =	sadd.s32 @!p0 $0x88, s6;
	s7 =	simm.s32 @p2 $0x1082  }
0x22: {  	[simem:s7], [sflag:s8] =	dma.local @!p0 [hbm:s6], $0xF7A  }
0x23: {  	s9 =	sor.u32 $0xD0000000, s2;
	s6 =	simm.s32 $0x108;
	_ =	swait.ge @!p0 [sflag:s8], $0x0  }
0x24: {  	s3 =	sadd.s32 $0x88, s3;
	s6 =	simm.s32 @!p1 $0x1082;
	[sflag:s4] =	ssyncset.s32 $0xFFFFF086  }
0x25: {  	[simem:s6], [sflag:s4] =	dma.local [hbm:s3], $0xF7A  }
0x26: {  	[smem:$0x3F9B] =	sst s1;
	(tag) =	ssettag s2;
	_ =	strace s9  }
0x27: {  	s1 =	sld [smem:$0x3FAB]  }
0x28: {  	s2 =	sld [smem:$0x3FAC]  }
0x29: {  	s4 =	sld [smem:$0x3FAE]  }
0x2a: {  	p0 =	seq.s32 s5, $0x0;
	s5 =	sld [smem:$0x3FAF]  }
0x2b: {  	s6 =	sld [smem:$0x3FB0]  }
0x2c: {  	s7 =	sld [smem:$0x3FB1]  }
0x2d: {  	s3 =	simm.s32 $0x108;
	s8 =	sld [smem:$0x3FB2]  }
0x2e: {  	s3 =	simm.s32 @!p0 $0x1082;
	s9 =	sld [smem:$0x3FB3]  }
0x2f: {  	lr =	sadd.s32 s0, s3;
	s0 =	sld [smem:$0x3FAA]  }
0x30: {  	s3 =	sld [smem:$0x3FAD]  }
0x31: {  	[smem:$0x3FB6] =	sst s10  }
0x32: {  	s10 =	sld [smem:$0x3FB4];
	_ =	sdelay $0x3  }
0x33: {  	p0 =	seq.s32 s10, $0x1;
	s10 =	sld [smem:$0x3FB6];
	_ =	sdelay $0x3  }
0x34: {  	[smem:$0x3FB6] =	sst s10  }
0x35: {  	s10 =	sld [smem:$0x3FB5];
	_ =	sdelay $0x3  }
0x36: {  	p1 =	seq.s32 s10, $0x1;
	s10 =	sld [smem:$0x3FB6];
	_ =	sdelay $0x3  }
0x37: {  	[smem:$0x3FB6] =	sst s10  }
0x38: {  	s10 =	sld [smem:$0x3FB7]  }
0x39: {  	_ = 	snop;
	(pc) =	sbr.ind lr, $3  }
0x3a: {  	_ = 	snop  }
0x3b: {  	_ = 	snop  }
0x3c: {  	p2 =	seq.s32 s10, $0x1;
	s10 =	sld [smem:$0x3FB6]  }
0x3d: {  	_ =	shalt  }
0x3e: {  	_ =	shalt  }
0x3f: {  	_ =	shalt  }
0x40: {  	_ =	shalt  }
0x41: {  	_ =	shalt  }
0x42: {  	_ =	shalt  }
0x43: {  	_ =	shalt  }
0x44: {  	_ =	shalt  }
0x45: {  	_ =	shalt  }
0x46: {  	_ =	shalt  }
0x47: {  	_ =	shalt  }
0x48: {  	_ =	shalt  }
0x49: {  	_ =	shalt  }
0x4a: {  	_ =	shalt  }
0x4b: {  	_ =	shalt  }
0x4c: {  	_ =	shalt  }
0x4d: {  	_ =	shalt  }
0x4e: {  	_ =	shalt  }
0x4f: {  	_ =	shalt  }
0x50: {  	_ =	shalt  }
0x51: {  	_ =	shalt  }
0x52: {  	_ =	shalt  }
0x53: {  	_ =	shalt  }
0x54: {  	_ =	shalt  }
0x55: {  	_ =	shalt  }
0x56: {  	_ =	shalt  }
0x57: {  	_ =	shalt  }
0x58: {  	_ =	shalt  }
0x59: {  	_ =	shalt  }
0x5a: {  	_ =	shalt  }
0x5b: {  	_ =	shalt  }
0x5c: {  	_ =	shalt  }
0x5d: {  	_ =	shalt  }
0x5e: {  	_ =	shalt  }
0x5f: {  	_ =	shalt  }
0x60: {  	_ =	shalt  }
0x61: {  	_ =	shalt  }
0x62: {  	_ =	shalt  }
0x63: {  	_ =	shalt  }
0x64: {  	_ =	shalt  }
0x65: {  	_ =	shalt  }
0x66: {  	_ =	shalt  }
0x67: {  	_ =	shalt  }
0x68: {  	_ =	shalt  }
0x69: {  	_ =	shalt  }
0x6a: {  	_ =	shalt  }
0x6b: {  	_ =	shalt  }
0x6c: {  	_ =	shalt  }
0x6d: {  	_ =	shalt  }
0x6e: {  	_ =	shalt  }
0x6f: {  	_ =	shalt  }
0x70: {  	_ =	shalt  }
0x71: {  	_ =	shalt  }
0x72: {  	_ =	shalt  }
0x73: {  	_ =	shalt  }
0x74: {  	_ =	shalt  }
0x75: {  	_ =	shalt  }
0x76: {  	_ =	shalt  }
0x77: {  	_ =	shalt  }
0x78: {  	_ =	shalt  }
0x79: {  	_ =	shalt  }
0x7a: {  	_ =	shalt  }
0x7b: {  	_ =	shalt  }
0x7c: {  	_ =	shalt  }
0x7d: {  	_ =	shalt  }
0x7e: {  	_ =	shalt  }
0x7f: {  	_ =	shalt  }
0x80: {  	_ =	shalt  }
0x81: {  	_ =	shalt  }
0x82: {  	_ =	shalt  }
0x83: {  	_ =	shalt  }
0x84: {  	_ =	shalt  }
0x85: {  	_ =	shalt  }
0x86: {  	_ =	shalt  }
0x87: {  	_ =	shalt  }
.Lfunc_end0:
.L_simem_size_0:
called_computation_lowered:
.L_overlay_start_0:
0x88: {  	s2 =	sld [smem:$0x3FD9]  }
0x89: {  	s3 =	sld [smem:$0x3FFE];
	_ =	sdelay $0x1  }
0x8a: {  	s1 =	srdreg.scid  }
0x8b: {  	s0 =	sand.u32 $0x1, s1  }
0x8c: {  	s17 =	sshll.u32 s0, $0xA;
	s2 =	sadd.s32 s3, s2  }
0x8d: {  	s2 =	sadd.s32 s2, s17  }
0x8e: {  	[smem:$0x3FC2] =	sst s2  }
0x8f: {  	_ = 	snop  }
0x90: {  	s2 =	sld [smem:$0x3FD0];
	(tm) =	ssettm $0x1  }
0x91: {  	s18 =	sld [smem:$0x3FFB];
	_ =	sdelay $0x3  }
0x92: {  	_ =	strace s18  }
0x93: {  	s3 =	sld [smem:$0x3FFC];
	_ =	sdelay $0x3  }
0x94: {  	_ =	strace s3  }
0x95: {  	s3 =	sld [smem:$0x3FFD];
	_ =	sdelay $0x3  }
0x96: {  	_ =	strace s3  }
0x97: {  	_ =	strace $0x8FFFFFFF  }
0x98: {  	s19 =	sld [smem:$0x3FDB];
	_ =	sdelay $0x1  }
0x99: {  	s4 =	simm.s32 $_scs_section_size  }
0x9a: {  	s5 =	simm.s32 $_size__tile_overlayer_lowered;
	s6 =	simm.s32 $_tile_overlayer_lowered  }
0x9b: {  	s22 =	simm.s32 $0x1BFF;
	s21 =	sshll.u32 s6, $0x1;
	s3 =	sadd.s32 s4, s19  }
0x9c: {  	s7 =	simm.s32 $0x0;
	s20 =	sshll.u32 s5, $0x1;
	s5 =	sadd.s32 s21, s3  }
0x9d: {  	[timem:s7], [sflag:s22] =	dma.local [hbm:s5], s20  }
0x9e: {  	_ =	swait.ge [sflag:s22], s20  }
0x9f: {  	s4 =	ssub.s32 $0x0, s20;
	[sflag:s22] =	ssyncset.done $0x0  }
0xa0: {  	[sflag:s22] =	ssyncadd.s32 s4;
	_ =	sdelay $0x1  }
0xa1: {  	s23 =	simm.s32 $0x1B8B  }
0xa2: {  	_ =	swait.ge [sflag:s23], $0x1  }
0xa3: {  	[sflag:s23] =	ssyncset.done $0x0  }
0xa4: {  	s25 =	simm.s32 $0x1B8E;
	s24 =	sld [smem:$0x3FFE];
	[sflag:s23] =	ssyncadd.s32 $0xFFFFFFFF  }
0xa5: {  	s26 =	simm.s32 $execute0_lowered;
	[smem:$0x3FD2] =	sst s25  }
0xa6: {  	s5 =	sshll.u32 s26, $0x1;
	_ =	strace $0x80000046;
	[dreg:$0x1] =	wrdreg $0xFFFFFFFF  }
0xa7: {  	s28 =	simm.s32 $_size_execute0_lowered;
	s3 =	sadd.s32 s3, s5;
	[dreg:$0x0] =	wrdreg $0x0  }
0xa8: {  	s5 =	sshll.u32 s28, $0x1;
	[dreg:$0x2] =	wrdreg s3  }
0xa9: {  	[dreg:$0x3] =	wrdreg s5  }
0xaa: {  	[dreg:$0x4] =	wrdreg $0xC0  }
0xab: {  	_ =	task [dreg:s7], $0x5FFFF  }
0xac: {  	[dreg:$0x1] =	wrdreg $0xFFFFFFFF  }
0xad: {  	[dreg:$0x0] =	wrdreg $0x60  }
0xae: {  	[dreg:$0x2] =	wrdreg s24  }
0xaf: {  	[dreg:$0x3] =	wrdreg s2  }
0xb0: {  	[dreg:$0x4] =	wrdreg $0x9  }
0xb1: {  	_ =	task.clear_ibuf [dreg:s7], $0x5FFFF;
	_ =	strace $0x90000046  }
0xb2: {  	s29 =	simm.s32 $0x9;
	_ =	strace $0x80000048  }
0xb3: {  	_ =	swait.ge [sflag:s29], $0x1  }
0xb4: {  	[sflag:s29] =	ssyncadd.s32 $0xFFFFFFFF  }
0xb5: {  	_ =	strace $0x90000048  }
0xb6: {  	_ =	sfence  }
0xb7: {  	s30 =	sld [smem:$0x0];
	_ =	sdelay $0x2  }
0xb8: {  	s31 =	sshll.u32 s1, $0xD;
	s1 =	sshrl.u32 s1, $0x2  }
0xb9: {  	s3 =	sand.u32 $0x4000, s31;
	s1 =	sadd.s32 s1, s30  }
0xba: {  	s0 =	sor.u32 s3, s0;
	s1 =	sshll.u32 s1, $0x11  }
0xbb: {  	s0 =	sor.u32 s1, s0  }
0xbc: {  	s0 =	sadd.s32 $0x8F2B, s0  }
0xbd: {  	[sflag:s0] =	ssyncadd.remote.s32 $0x1  }
0xbe: {  	_ =	sfence.sel $0xFFFF  }
0xbf: {  	[dreg:$0x0] =	wrdreg $0xFFFFFFFF;
	(pc) =	sbr.abs _section_cstart, $3  }
0xc0: {  	[dreg:$0x1] =	wrdreg $0xFFFFFFFF  }
0xc1: {  	_ =	task.clear_ibuf [dreg:s7], $0x2FFFF;
	_ =	strace $0x9FFFFFFF  }
0xc2: {  	(tm) =	ssettm $0x7FFFFFFF  }
0xc3: {  	_ =	shalt  }
tec
execute0_lowered:
.L_overlay_start_1:
0x0: {  	(tag) =	ssettag $0x1  }
0x1: {  	s1 =	srdreg.scid;
	s3 =	rddreg [dreg:$0x0]  }
0x2: {  	s0 =	stileid.u32;
	s8 =	rddreg [dreg:$0x1]  }
0x3: {  	s2 =	simm.s32 $0x0;
	s11 =	simm.s32 $0x800;
	s12 =	simm.s32 $0x1000  }
0x4: {  	s13 =	simm.s32 $0x2;
	s14 =	simm.s32 $0x80;
	s15 =	simm.s32 $0x400  }
0x5: {  	s4 =	sand.u32 $0x1, s1;
	s25 =	sshll.u32 s0, $0x1;
	s1 =	rddreg [dreg:$0x2]  }
0x6: {  	s16 =	simm.s32 $0x3;
	[smem:$0x7FF] =	sst s2;
	s5 =	sor.u32 s4, s25  }
0x7: {  	s28 =	sshrl.u32 s0, $0x2;
	_ =	strace $0x80000047;
	s6 =	smul.u32 $0x2710, s5  }
0x8: {  	s26 =	ssub.s32 $0x2, s4;
	s9 =	smul.u32 $0x14000, s28;
	s30 =	sshll.u32 s5, $0x7  }
0x9: {  	s29 =	sshrl.u32 s26, $0x1;
	s31 =	sand.u32 $0x380, s30;
	s6 =	sshrl.u32 s6, $0x3  }
0xa: {  	s10 =	ssub.s32 s26, s29;
	s9 =	sor.u32 s9, s31;
	s7 =	sadd.s32 s6, s3  }
0xb: {  	s9 =	sshrl.u32 s9, $0x3;
	s3 =	sadd.s32 $0xBC00, s7;
	s4 =	sadd.s32 $0xBCFA, s7  }
0xc: {  	s5 =	sadd.s32 $0xBDF4, s7;
	s6 =	sadd.s32 $0xBEEE, s7;
	s7 =	sadd.s32 $0xBFE8, s7  }
0xd: {  	v0 =	vimm.f32 $0.0e+00;
	v1 =	vimm.f32 $1.000000000e+00;
	s8 =	sadd.s32 s8, s9;
	s9 =	smax.u32 s10, $0x1;
	s10 =	simm.s32 $0x1  }
.LBB2_1:
0xe: {  	s17 =	simm.s32 $0x40;
	s18 =	simm.s32 $0x0  }
.LBB2_2:
0xf: {  	p0 =	sne.s32 s17, $0x9FC0;
	[tilespmem:s18+$0x1000] =	vst v0;
	s18 =	smov.u32 s17;
	s17 =	sadd.s32 $0x40, s17  }
.Ltmp0:
0x10: {  	(pc) =	sbr.rel @p0 .LBB2_2-.Ltmp0, $2  }
0x11: {  	_ =	sdelay $0x2  }
0x12: {  	s18 =	sshra.s32 s18, $0x2  }
0x13: {  	[tilespmem:s18+$0x1000] =	vst v0;
	s17 =	simm.s32 $0x0  }
0x14: {  	[tilespmem:s17], [sflag:$0x1] =	stream.linear.gather [hbm4b:s3+s17], $0x7D0, $0x38;
	[tilespmem:$0x3800] =	vst v63  }
0x15: {  	_ =	swait.ge [sflag:s10], $0x7D0  }
0x16: {  	[sflag:s10] =	ssyncset.done $0x0  }
0x17: {  	[sflag:s10] =	ssyncadd.s32 $0xFFFFF830  }
0x18: {  	[tilespmem:s11], [sflag:$0x2] =	stream.linear.gather [hbm4b:s4+s17], $0x7D0, $0x38;
	[tilespmem:$0x3800] =	vst v63  }
.LBB2_4:
0x19: {  	s18 =	sshra.s32 s17, $0x2  }
0x1a: {  	v2 =	vld [tilespmem:s18+$0x0];
	_ =	sdelay $0x7  }
0x1b: {  	[tilespmem:v2+s12+$0x0] =	vst.idx.add.f32.msk $0xffff, v1  }
0x1c: {  	v2 =	vld [tilespmem:s18+$0x10];
	_ =	sdelay $0x7  }
0x1d: {  	[tilespmem:v2+s12+$0x0] =	vst.idx.add.f32.msk $0xffff, v1  }
0x1e: {  	v2 =	vld [tilespmem:s18+$0x20];
	_ =	sdelay $0x7  }
0x1f: {  	[tilespmem:v2+s12+$0x0] =	vst.idx.add.f32.msk $0xffff, v1  }
0x20: {  	v2 =	vld [tilespmem:s18+$0x30];
	_ =	sdelay $0x7  }
0x21: {  	[tilespmem:v2+s12+$0x0] =	vst.idx.add.f32.msk $0xffff, v1  }
0x22: {  	v2 =	vld [tilespmem:s18+$0x40];
	_ =	sdelay $0x2  }
0x23: {  	p0 =	sne.s32 s17, $0x1E00  }
.Ltmp1:
0x24: {  	_ = 	snop;
	(pc) =	sbr.rel @p0 .LBB2_4-.Ltmp1, $2  }
0x25: {  	_ =	sdelay $0x2  }
0x26: {  	s17 =	sadd.s32 $0x140, s17;
	[tilespmem:v2+s12+$0x0] =	vst.idx.add.f32.msk $0xffff, v1  }
0x27: {  	_ =	swait.ge [sflag:s13], $0x7D0  }
0x28: {  	[sflag:s13] =	ssyncset.done $0x0  }
0x29: {  	s17 =	simm.s32 $0x0;
	[sflag:s13] =	ssyncadd.s32 $0xFFFFF830  }
0x2a: {  	[tilespmem:s17], [sflag:$0x1] =	stream.linear.gather [hbm4b:s5+s17], $0x7D0, $0x38;
	[tilespmem:$0x3800] =	vst v63  }
.LBB2_6:
0x2b: {  	s18 =	sshra.s32 s17, $0x2  }
0x2c: {  	v2 =	vld [tilespmem:s18+$0x800];
	_ =	sdelay $0x7  }
0x2d: {  	[tilespmem:v2+s12+$0x0] =	vst.idx.add.f32.msk $0xffff, v1  }
0x2e: {  	v2 =	vld [tilespmem:s18+$0x810];
	_ =	sdelay $0x7  }
0x2f: {  	[tilespmem:v2+s12+$0x0] =	vst.idx.add.f32.msk $0xffff, v1  }
0x30: {  	v2 =	vld [tilespmem:s18+$0x820];
	_ =	sdelay $0x7  }
0x31: {  	[tilespmem:v2+s12+$0x0] =	vst.idx.add.f32.msk $0xffff, v1  }
0x32: {  	v2 =	vld [tilespmem:s18+$0x830];
	_ =	sdelay $0x7  }
0x33: {  	[tilespmem:v2+s12+$0x0] =	vst.idx.add.f32.msk $0xffff, v1  }
0x34: {  	v2 =	vld [tilespmem:s18+$0x840];
	_ =	sdelay $0x2  }
0x35: {  	p0 =	sne.s32 s17, $0x1E00  }
.Ltmp2:
0x36: {  	_ = 	snop;
	(pc) =	sbr.rel @p0 .LBB2_6-.Ltmp2, $2  }
0x37: {  	_ =	sdelay $0x2  }
0x38: {  	s17 =	sadd.s32 $0x140, s17;
	[tilespmem:v2+s12+$0x0] =	vst.idx.add.f32.msk $0xffff, v1  }
0x39: {  	_ =	swait.ge [sflag:s10], $0x7D0  }
0x3a: {  	[sflag:s10] =	ssyncset.done $0x0  }
0x3b: {  	s17 =	simm.s32 $0x0;
	[sflag:s10] =	ssyncadd.s32 $0xFFFFF830  }
0x3c: {  	[tilespmem:s11], [sflag:$0x2] =	stream.linear.gather [hbm4b:s6+s17], $0x7D0, $0x38;
	[tilespmem:$0x3800] =	vst v63  }
.LBB2_8:
0x3d: {  	s18 =	sshra.s32 s17, $0x2  }
0x3e: {  	v2 =	vld [tilespmem:s18+$0x0];
	_ =	sdelay $0x7  }
0x3f: {  	[tilespmem:v2+s12+$0x0] =	vst.idx.add.f32.msk $0xffff, v1  }
0x40: {  	v2 =	vld [tilespmem:s18+$0x10];
	_ =	sdelay $0x7  }
0x41: {  	[tilespmem:v2+s12+$0x0] =	vst.idx.add.f32.msk $0xffff, v1  }
0x42: {  	v2 =	vld [tilespmem:s18+$0x20];
	_ =	sdelay $0x7  }
0x43: {  	[tilespmem:v2+s12+$0x0] =	vst.idx.add.f32.msk $0xffff, v1  }
0x44: {  	v2 =	vld [tilespmem:s18+$0x30];
	_ =	sdelay $0x7  }
0x45: {  	[tilespmem:v2+s12+$0x0] =	vst.idx.add.f32.msk $0xffff, v1  }
0x46: {  	v2 =	vld [tilespmem:s18+$0x40];
	_ =	sdelay $0x2  }
0x47: {  	p0 =	sne.s32 s17, $0x1E00  }
.Ltmp3:
0x48: {  	_ = 	snop;
	(pc) =	sbr.rel @p0 .LBB2_8-.Ltmp3, $2  }
0x49: {  	_ =	sdelay $0x2  }
0x4a: {  	s17 =	sadd.s32 $0x140, s17;
	[tilespmem:v2+s12+$0x0] =	vst.idx.add.f32.msk $0xffff, v1  }
0x4b: {  	_ =	swait.ge [sflag:s13], $0x7D0  }
0x4c: {  	[sflag:s13] =	ssyncset.done $0x0  }
0x4d: {  	s17 =	simm.s32 $0x0;
	[sflag:s13] =	ssyncadd.s32 $0xFFFFF830  }
0x4e: {  	[tilespmem:s17], [sflag:$0x1] =	stream.linear.gather [hbm4b:s7+s17], $0x7D0, $0x38;
	[tilespmem:$0x3800] =	vst v63  }
.LBB2_10:
0x4f: {  	s18 =	sshra.s32 s17, $0x2  }
0x50: {  	v2 =	vld [tilespmem:s18+$0x800];
	_ =	sdelay $0x7  }
0x51: {  	[tilespmem:v2+s12+$0x0] =	vst.idx.add.f32.msk $0xffff, v1  }
0x52: {  	v2 =	vld [tilespmem:s18+$0x810];
	_ =	sdelay $0x7  }
0x53: {  	[tilespmem:v2+s12+$0x0] =	vst.idx.add.f32.msk $0xffff, v1  }
0x54: {  	v2 =	vld [tilespmem:s18+$0x820];
	_ =	sdelay $0x7  }
0x55: {  	[tilespmem:v2+s12+$0x0] =	vst.idx.add.f32.msk $0xffff, v1  }
0x56: {  	v2 =	vld [tilespmem:s18+$0x830];
	_ =	sdelay $0x7  }
0x57: {  	[tilespmem:v2+s12+$0x0] =	vst.idx.add.f32.msk $0xffff, v1  }
0x58: {  	v2 =	vld [tilespmem:s18+$0x840];
	_ =	sdelay $0x2  }
0x59: {  	p0 =	sne.s32 s17, $0x1E00  }
.Ltmp4:
0x5a: {  	_ = 	snop;
	(pc) =	sbr.rel @p0 .LBB2_10-.Ltmp4, $2  }
0x5b: {  	_ =	sdelay $0x2  }
0x5c: {  	s17 =	sadd.s32 $0x140, s17;
	[tilespmem:v2+s12+$0x0] =	vst.idx.add.f32.msk $0xffff, v1  }
0x5d: {  	_ =	swait.ge [sflag:s10], $0x7D0  }
0x5e: {  	[sflag:s10] =	ssyncset.done $0x0  }
0x5f: {  	s17 =	simm.s32 $0x0;
	[sflag:s10] =	ssyncadd.s32 $0xFFFFF830  }
.LBB2_12:
0x60: {  	s18 =	sshra.s32 s17, $0x2  }
0x61: {  	v2 =	vld [tilespmem:s18+$0x0];
	_ =	sdelay $0x7  }
0x62: {  	[tilespmem:v2+s12+$0x0] =	vst.idx.add.f32.msk $0xffff, v1  }
0x63: {  	v2 =	vld [tilespmem:s18+$0x10];
	_ =	sdelay $0x7  }
0x64: {  	[tilespmem:v2+s12+$0x0] =	vst.idx.add.f32.msk $0xffff, v1  }
0x65: {  	v2 =	vld [tilespmem:s18+$0x20];
	_ =	sdelay $0x7  }
0x66: {  	[tilespmem:v2+s12+$0x0] =	vst.idx.add.f32.msk $0xffff, v1  }
0x67: {  	v2 =	vld [tilespmem:s18+$0x30];
	_ =	sdelay $0x7  }
0x68: {  	[tilespmem:v2+s12+$0x0] =	vst.idx.add.f32.msk $0xffff, v1  }
0x69: {  	v2 =	vld [tilespmem:s18+$0x40];
	_ =	sdelay $0x2  }
0x6a: {  	p0 =	sne.s32 s17, $0x1E00  }
.Ltmp5:
0x6b: {  	_ = 	snop;
	(pc) =	sbr.rel @p0 .LBB2_12-.Ltmp5, $2  }
0x6c: {  	_ =	sdelay $0x2  }
0x6d: {  	s17 =	sadd.s32 $0x140, s17;
	[tilespmem:v2+s12+$0x0] =	vst.idx.add.f32.msk $0xffff, v1  }
0x6e: {  	s2 =	sadd.s32 $0x1, s2  }
0x6f: {  	p0 =	sne.s32 s2, s9  }
.Ltmp6:
0x70: {  	_ = 	snop;
	(pc) =	sbr.rel @p0 .LBB2_1-.Ltmp6, $4  }
0x71: {  	[hbm4b:s8+s14] =	stream.strided.scatter [tilespmem:s12], [sflag:$0x3], $0x2800, s15, s14, $0x38;
	[tilespmem:$0x3800] =	vst v63  }
0x72: {  	_ =	swait.ge [sflag:s16], $0x2800  }
0x73: {  	[sflag:s16] =	ssyncset.done $0x0  }
0x74: {  	[sflag:s16] =	ssyncadd.s32 $0xFFFFD800  }
0x75: {  	_ =	sfence.sel $0x180000  }
0x76: {  	[bflag:$0x0] =	sbarrier.arrive $0xFFFF  }
0x77: {  	p0 =	sne.s32 s0, $0x0;
	_ =	strace $0x90000047  }
0x78: {  	s0 =	sadd.s32 @!p0 $0x100000, s1;
	[bflag:$0x2] =	sbarrier.arrive $0xFFFF  }
0x79: {  	[sflag:s0] =	ssyncadd.tile.s32 @!p0 $0x1;
	_ =	shalt  }
.Lfunc_end2:
_tile_overlayer_lowered:
.L_overlay_start_2:
0x7a: {  	(tag) =	ssettag $0x2  }
0x7b: {  	s0 =	rddreg [dreg:$0x0];
	s2 =	stileid.u32  }
0x7c: {  	s1 =	rddreg [dreg:$0x1];
	p0 =	sne.s32 s2, $0x0  }
0x7d: {  	s3 =	rddreg [dreg:$0x2];
	[bflag:$0x3] =	sbarrier.arrive $0xFFFF;
	s2 =	simm.s32 @!p0 $0x1C03  }
0x7e: {  	[timem:s3], [sflag:s2] =	dma.local @!p0 [hbm:s0], s1  }
0x7f: {  	s0 =	simm.s32 @!p0 $0x3  }
0x80: {  	_ =	swait.ge @!p0 [sflag:s0], s1  }
0x81: {  	s1 =	ssub.s32 @!p0 $0x0, s1;
	[sflag:s0] =	ssyncset.done @!p0 $0x0  }
0x82: {  	[sflag:s0] =	ssyncadd.s32 @!p0 s1  }
0x83: {  	[bflag:$0x3] =	sbarrier.arrive $0xFFFF  }
0x84: {  	_ =	shalt  }

// kernel: kernel.9.cloned.1.call-start
scs
__scs_entry_jumppad:
0x0: {  	(pc) =	sbr.rel $0x88, $3  }
0x1: {  	(tag) =	ssettag $0x0;
	lr =	simm.s32 $0x1  }
0x2: {  	[smem:$0x3F9B] =	sst lr;
	_ =	strace $0xD0000000  }
0x3: {  	_ = 	snop  }
0x4: {  	_ = 	snop  }
0x5: {  	_ = 	snop  }
0x6: {  	_ = 	snop  }
0x7: {  	_ = 	snop  }
__scs_overlays_trampoline_lowered:
0x8: {  	[smem:$0x3FAA] =	sst s0  }
0x9: {  	[smem:$0x3FAB] =	sst s1  }
0xa: {  	[smem:$0x3FAC] =	sst s2  }
0xb: {  	[smem:$0x3FAD] =	sst s3  }
0xc: {  	[smem:$0x3FAE] =	sst s4  }
0xd: {  	[smem:$0x3FAF] =	sst s5  }
0xe: {  	[smem:$0x3FB0] =	sst s6  }
0xf: {  	[smem:$0x3FB1] =	sst s7  }
0x10: {  	[smem:$0x3FB2] =	sst s8  }
0x11: {  	[smem:$0x3FB3] =	sst s9;
	s0 =	simm.s32 @!p0 $0x0  }
0x12: {  	s1 =	sld [smem:$0x3F99];
	s0 =	simm.s32 @p0 $0x1  }
0x13: {  	[smem:$0x3FB4] =	sst s0;
	s0 =	simm.s32 @!p1 $0x0  }
0x14: {  	s2 =	sld [smem:$0x3F98];
	s0 =	simm.s32 @p1 $0x1  }
0x15: {  	[smem:$0x3FB5] =	sst s0;
	s0 =	simm.s32 @!p2 $0x0  }
0x16: {  	s3 =	sld [smem:$0x3FDB];
	s0 =	simm.s32 @p2 $0x1  }
0x17: {  	s4 =	simm.s32 $0x1BF5;
	[smem:$0x3FB7] =	sst s0  }
0x18: {  	s0 =	sld [smem:$0x3F9A];
	_ =	swait.ge [sflag:s4], $0x0  }
0x19: {  	s7 =	sld [smem:$0x3F9B]  }
0x1a: {  	s8 =	sadd.s32 $0xFFFFE003, lr  }
0x1b: {  	s9 =	sadd.s32 $0xFFFFFEF7, lr;
	s5 =	simm.s32 $0xFFFFFFFF;
	p2 =	slt.u32 s8, $0xFFFFF086  }
0x1c: {  	p1 =	slt.u32 s9, $0xF7A;
	s5 =	simm.s32 @!p2 $0x0  }
0x1d: {  	s5 =	simm.s32 @p1 $0x1;
	p0 =	seq.s32 s7, s2  }
0x1e: {  	s7 =	smul.u32 @!p0 $0xF7A, s2;
	p2 =	seq.s32 @!p0 s5, $0x0  }
0x1f: {  	s9 =	smul.u32 $0xF7A, s1;
	s8 =	simm.s32 @!p0 $0x1BF5;
	p2 =	por !p2, p0  }
0x20: {  	[sflag:s8] =	ssyncset.s32 @!p0 $0xFFFFF086;
	s6 =	sadd.s32 @!p0 s3, s7;
	s7 =	simm.s32 @!p0 $0x108  }
0x21: {  	s3 =	sadd.s32 s3, s9;
	s6 =	sadd.s32 @!p0 $0x88, s6;
	s7 =	simm.s32 @p2 $0x1082  }
0x22: {  	[simem:s7], [sflag:s8] =	dma.local @!p0 [hbm:s6], $0xF7A  }
0x23: {  	s9 =	sor.u32 $0xD0000000, s2;
	s6 =	simm.s32 $0x108;
	_ =	swait.ge @!p0 [sflag:s8], $0x0  }
0x24: {  	s3 =	sadd.s32 $0x88, s3;
	s6 =	simm.s32 @!p1 $0x1082;
	[sflag:s4] =	ssyncset.s32 $0xFFFFF086  }
0x25: {  	[simem:s6], [sflag:s4] =	dma.local [hbm:s3], $0xF7A  }
0x26: {  	[smem:$0x3F9B] =	sst s1;
	(tag) =	ssettag s2;
	_ =	strace s9  }
0x27: {  	s1 =	sld [smem:$0x3FAB]  }
0x28: {  	s2 =	sld [smem:$0x3FAC]  }
0x29: {  	s4 =	sld [smem:$0x3FAE]  }
0x2a: {  	p0 =	seq.s32 s5, $0x0;
	s5 =	sld [smem:$0x3FAF]  }
0x2b: {  	s6 =	sld [smem:$0x3FB0]  }
0x2c: {  	s7 =	sld [smem:$0x3FB1]  }
0x2d: {  	s3 =	simm.s32 $0x108;
	s8 =	sld [smem:$0x3FB2]  }
0x2e: {  	s3 =	simm.s32 @!p0 $0x1082;
	s9 =	sld [smem:$0x3FB3]  }
0x2f: {  	lr =	sadd.s32 s0, s3;
	s0 =	sld [smem:$0x3FAA]  }
0x30: {  	s3 =	sld [smem:$0x3FAD]  }
0x31: {  	[smem:$0x3FB6] =	sst s10  }
0x32: {  	s10 =	sld [smem:$0x3FB4];
	_ =	sdelay $0x3  }
0x33: {  	p0 =	seq.s32 s10, $0x1;
	s10 =	sld [smem:$0x3FB6];
	_ =	sdelay $0x3  }
0x34: {  	[smem:$0x3FB6] =	sst s10  }
0x35: {  	s10 =	sld [smem:$0x3FB5];
	_ =	sdelay $0x3  }
0x36: {  	p1 =	seq.s32 s10, $0x1;
	s10 =	sld [smem:$0x3FB6];
	_ =	sdelay $0x3  }
0x37: {  	[smem:$0x3FB6] =	sst s10  }
0x38: {  	s10 =	sld [smem:$0x3FB7]  }
0x39: {  	_ = 	snop;
	(pc) =	sbr.ind lr, $3  }
0x3a: {  	_ = 	snop  }
0x3b: {  	_ = 	snop  }
0x3c: {  	p2 =	seq.s32 s10, $0x1;
	s10 =	sld [smem:$0x3FB6]  }
0x3d: {  	_ =	shalt  }
0x3e: {  	_ =	shalt  }
0x3f: {  	_ =	shalt  }
0x40: {  	_ =	shalt  }
0x41: {  	_ =	shalt  }
0x42: {  	_ =	shalt  }
0x43: {  	_ =	shalt  }
0x44: {  	_ =	shalt  }
0x45: {  	_ =	shalt  }
0x46: {  	_ =	shalt  }
0x47: {  	_ =	shalt  }
0x48: {  	_ =	shalt  }
0x49: {  	_ =	shalt  }
0x4a: {  	_ =	shalt  }
0x4b: {  	_ =	shalt  }
0x4c: {  	_ =	shalt  }
0x4d: {  	_ =	shalt  }
0x4e: {  	_ =	shalt  }
0x4f: {  	_ =	shalt  }
0x50: {  	_ =	shalt  }
0x51: {  	_ =	shalt  }
0x52: {  	_ =	shalt  }
0x53: {  	_ =	shalt  }
0x54: {  	_ =	shalt  }
0x55: {  	_ =	shalt  }
0x56: {  	_ =	shalt  }
0x57: {  	_ =	shalt  }
0x58: {  	_ =	shalt  }
0x59: {  	_ =	shalt  }
0x5a: {  	_ =	shalt  }
0x5b: {  	_ =	shalt  }
0x5c: {  	_ =	shalt  }
0x5d: {  	_ =	shalt  }
0x5e: {  	_ =	shalt  }
0x5f: {  	_ =	shalt  }
0x60: {  	_ =	shalt  }
0x61: {  	_ =	shalt  }
0x62: {  	_ =	shalt  }
0x63: {  	_ =	shalt  }
0x64: {  	_ =	shalt  }
0x65: {  	_ =	shalt  }
0x66: {  	_ =	shalt  }
0x67: {  	_ =	shalt  }
0x68: {  	_ =	shalt  }
0x69: {  	_ =	shalt  }
0x6a: {  	_ =	shalt  }
0x6b: {  	_ =	shalt  }
0x6c: {  	_ =	shalt  }
0x6d: {  	_ =	shalt  }
0x6e: {  	_ =	shalt  }
0x6f: {  	_ =	shalt  }
0x70: {  	_ =	shalt  }
0x71: {  	_ =	shalt  }
0x72: {  	_ =	shalt  }
0x73: {  	_ =	shalt  }
0x74: {  	_ =	shalt  }
0x75: {  	_ =	shalt  }
0x76: {  	_ =	shalt  }
0x77: {  	_ =	shalt  }
0x78: {  	_ =	shalt  }
0x79: {  	_ =	shalt  }
0x7a: {  	_ =	shalt  }
0x7b: {  	_ =	shalt  }
0x7c: {  	_ =	shalt  }
0x7d: {  	_ =	shalt  }
0x7e: {  	_ =	shalt  }
0x7f: {  	_ =	shalt  }
0x80: {  	_ =	shalt  }
0x81: {  	_ =	shalt  }
0x82: {  	_ =	shalt  }
0x83: {  	_ =	shalt  }
0x84: {  	_ =	shalt  }
0x85: {  	_ =	shalt  }
0x86: {  	_ =	shalt  }
0x87: {  	_ =	shalt  }
.Lfunc_end0:
.L_simem_size_0:
called_computation.1_lowered:
.L_overlay_start_0:
0x88: {  	s2 =	sld [smem:$0x3FD9]  }
0x89: {  	s3 =	sld [smem:$0x3FFE];
	_ =	sdelay $0x1  }
0x8a: {  	s1 =	srdreg.scid  }
0x8b: {  	s0 =	sand.u32 $0x1, s1  }
0x8c: {  	s16 =	sshll.u32 s0, $0xA;
	s2 =	sadd.s32 s3, s2  }
0x8d: {  	s2 =	sadd.s32 s2, s16  }
0x8e: {  	[smem:$0x3FC2] =	sst s2  }
0x8f: {  	_ = 	snop  }
0x90: {  	(tm) =	ssettm $0x1  }
0x91: {  	s17 =	sld [smem:$0x3FFB];
	_ =	sdelay $0x3  }
0x92: {  	_ =	strace s17  }
0x93: {  	s2 =	sld [smem:$0x3FFC];
	_ =	sdelay $0x3  }
0x94: {  	_ =	strace s2  }
0x95: {  	s2 =	sld [smem:$0x3FFD];
	_ =	sdelay $0x3  }
0x96: {  	_ =	strace s2  }
0x97: {  	_ =	strace $0x8FFFFFFF  }
0x98: {  	s18 =	sld [smem:$0x3FDB];
	_ =	sdelay $0x1  }
0x99: {  	s19 =	simm.s32 $_scs_section_size  }
0x9a: {  	s4 =	simm.s32 $_size__tile_overlayer_lowered;
	s5 =	simm.s32 $_tile_overlayer_lowered  }
0x9b: {  	s22 =	simm.s32 $0x1BFF;
	s21 =	sshll.u32 s5, $0x1;
	s2 =	sadd.s32 s19, s18  }
0x9c: {  	s6 =	simm.s32 $0x0;
	s20 =	sshll.u32 s4, $0x1;
	s4 =	sadd.s32 s21, s2  }
0x9d: {  	[timem:s6], [sflag:s22] =	dma.local [hbm:s4], s20  }
0x9e: {  	_ =	swait.ge [sflag:s22], s20  }
0x9f: {  	s3 =	ssub.s32 $0x0, s20;
	[sflag:s22] =	ssyncset.done $0x0  }
0xa0: {  	[sflag:s22] =	ssyncadd.s32 s3;
	_ =	sdelay $0x1  }
0xa1: {  	s23 =	simm.s32 $0x1B8B  }
0xa2: {  	_ =	swait.ge [sflag:s23], $0x1  }
0xa3: {  	[sflag:s23] =	ssyncset.done $0x0  }
0xa4: {  	s25 =	simm.s32 $0x1B8E;
	s24 =	sld [smem:$0x3FFE];
	[sflag:s23] =	ssyncadd.s32 $0xFFFFFFFF  }
0xa5: {  	s26 =	simm.s32 $execute0_lowered;
	[smem:$0x3FD2] =	sst s25  }
0xa6: {  	s4 =	sshll.u32 s26, $0x1;
	_ =	strace $0x80000049;
	[dreg:$0x1] =	wrdreg $0xFFFFFFFF  }
0xa7: {  	s28 =	simm.s32 $_size_execute0_lowered;
	s2 =	sadd.s32 s2, s4;
	[dreg:$0x0] =	wrdreg $0x0  }
0xa8: {  	s4 =	sshll.u32 s28, $0x1;
	[dreg:$0x2] =	wrdreg s2  }
0xa9: {  	[dreg:$0x3] =	wrdreg s4  }
0xaa: {  	[dreg:$0x4] =	wrdreg $0xC0  }
0xab: {  	_ =	task [dreg:s6], $0x5FFFF  }
0xac: {  	[dreg:$0x1] =	wrdreg $0xFFFFFFFF  }
0xad: {  	[dreg:$0x0] =	wrdreg $0x60  }
0xae: {  	[dreg:$0x2] =	wrdreg s24  }
0xaf: {  	[dreg:$0x3] =	wrdreg $0x94000  }
0xb0: {  	[dreg:$0x4] =	wrdreg $0x9  }
0xb1: {  	_ =	task.clear_ibuf [dreg:s6], $0x5FFFF;
	_ =	strace $0x90000049  }
0xb2: {  	s29 =	simm.s32 $0x9;
	_ =	strace $0x8000004B  }
0xb3: {  	_ =	swait.ge [sflag:s29], $0x1  }
0xb4: {  	[sflag:s29] =	ssyncadd.s32 $0xFFFFFFFF  }
0xb5: {  	_ =	strace $0x9000004B  }
0xb6: {  	_ =	sfence  }
0xb7: {  	s30 =	sld [smem:$0x0];
	_ =	sdelay $0x2  }
0xb8: {  	s31 =	sshll.u32 s1, $0xD;
	s1 =	sshrl.u32 s1, $0x2  }
0xb9: {  	s3 =	sand.u32 $0x4000, s31;
	s1 =	sadd.s32 s1, s30  }
0xba: {  	s0 =	sor.u32 s3, s0;
	s1 =	sshll.u32 s1, $0x11  }
0xbb: {  	s0 =	sor.u32 s1, s0  }
0xbc: {  	s0 =	sadd.s32 $0x8F2B, s0  }
0xbd: {  	[sflag:s0] =	ssyncadd.remote.s32 $0x1  }
0xbe: {  	_ =	sfence.sel $0xFFFF  }
0xbf: {  	[dreg:$0x0] =	wrdreg $0xFFFFFFFF;
	(pc) =	sbr.abs _section_cstart, $3  }
0xc0: {  	[dreg:$0x1] =	wrdreg $0xFFFFFFFF  }
0xc1: {  	_ =	task.clear_ibuf [dreg:s6], $0x2FFFF;
	_ =	strace $0x9FFFFFFF  }
0xc2: {  	(tm) =	ssettm $0x7FFFFFFF  }
0xc3: {  	_ =	shalt  }
tec
execute0_lowered:
.L_overlay_start_1:
0x0: {  	(tag) =	ssettag $0x1  }
0x1: {  	s0 =	rddreg [dreg:$0x0]  }
0x2: {  	s1 =	rddreg [dreg:$0x1];
	s2 =	srdreg.scid  }
0x3: {  	s3 =	simm.s32 $0x0;
	s13 =	stileid.u32;
	s2 =	sand.u32 $0x1, s2  }
0x4: {  	[smem:$0x7FF] =	sst s3;
	s8 =	smul.u32 $0x14000, s13;
	s16 =	sshll.u32 s13, $0x1  }
0x5: {  	s4 =	sadd.s32 $0x1E00, s0;
	s7 =	smul.u32 $0x140000, s2;
	s9 =	sor.u32 s2, s16  }
0x6: {  	s5 =	sadd.s32 $0xBC00, s0;
	s2 =	ssub.s32 $0x2, s2;
	s10 =	smul.u32 $0x4E0, s9  }
0x7: {  	s17 =	smul.u32 $0x50000, s13;
	_ =	strace $0x8000004A;
	s18 =	sshrl.u32 s2, $0x1  }
0x8: {  	s7 =	sadd.s32 s8, s7;
	s2 =	ssub.s32 s2, s18;
	s12 =	sadd.s32 s4, s10  }
0x9: {  	s19 =	sor.u32 $0x10, s10;
	s10 =	sadd.s32 s5, s10;
	[dreg:$0x5] =	wrdreg s12  }
0xa: {  	s8 =	sshrl.u32 s17, $0x2;
	s31 =	smax.u32 s2, $0x1;
	[dreg:$0x6] =	wrdreg s10  }
0xb: {  	s8 =	sadd.s32 s8, s1;
	[dreg:$0x10] =	wrdreg s31  }
0xc: {  	s20 =	sadd.s32 s4, s19;
	[dreg:$0x4] =	wrdreg s8  }
0xd: {  	s12 =	sadd.s32 s5, s19;
	[dreg:$0x7] =	wrdreg s20  }
0xe: {  	s2 =	sadd.s32 $0x1000, s8;
	[dreg:$0x8] =	wrdreg s12  }
0xf: {  	s14 =	sadd.s32 $0x6000, s8;
	[dreg:$0x11] =	wrdreg s2  }
0x10: {  	s15 =	sadd.s32 $0x7000, s8;
	[dreg:$0x16] =	wrdreg s14  }
0x11: {  	s16 =	sadd.s32 $0x8000, s8;
	[dreg:$0x17] =	wrdreg s15  }
0x12: {  	s11 =	smul.u32 $0x2700, s9;
	s17 =	sadd.s32 $0x9000, s8;
	[dreg:$0x18] =	wrdreg s16  }
0x13: {  	s18 =	sadd.s32 $0xA000, s8;
	[dreg:$0x19] =	wrdreg s17  }
0x14: {  	s11 =	sshrl.u32 s11, $0x3;
	s19 =	sadd.s32 $0xB000, s8;
	[dreg:$0x1a] =	wrdreg s18  }
0x15: {  	s21 =	sadd.s32 $0x20, s11;
	s31 =	sadd.s32 $0x13000, s8;
	[dreg:$0x1b] =	wrdreg s19  }
0x16: {  	s6 =	sadd.s32 $0x15A00, s0;
	s22 =	sadd.s32 s4, s21;
	[smem:$0x7FD] =	sst s31  }
0x17: {  	s11 =	sadd.s32 $0x30, s11;
	s10 =	sadd.s32 s5, s21;
	[dreg:$0x9] =	wrdreg s22  }
0x18: {  	s7 =	sshrl.u32 s7, $0x3;
	s23 =	sadd.s32 s4, s11;
	[dreg:$0xa] =	wrdreg s10  }
0x19: {  	s0 =	sadd.s32 s7, s0;
	s24 =	sadd.s32 s5, s11;
	[dreg:$0xb] =	wrdreg s23  }
0x1a: {  	s0 =	sadd.s32 $0x3DA00, s0;
	[dreg:$0xc] =	wrdreg s24  }
0x1b: {  	s11 =	sadd.s32 $0x4000, s8;
	[dreg:$0xf] =	wrdreg s0  }
0x1c: {  	s28 =	simm.s32 $0xA;
	s12 =	sadd.s32 $0x5000, s8;
	[dreg:$0x14] =	wrdreg s11  }
0x1d: {  	s7 =	smul.u32 $0x4E, s9;
	s20 =	sadd.s32 $0xC000, s8;
	[dreg:$0x15] =	wrdreg s12  }
0x1e: {  	s9 =	sshll.u32 s9, $0x4;
	s21 =	sadd.s32 $0xD000, s8;
	[dreg:$0x1c] =	wrdreg s20  }
0x1f: {  	s9 =	sor.u32 $0x9C00, s9;
	s25 =	sadd.s32 $0x4, s7;
	[dreg:$0x1d] =	wrdreg s21  }
0x20: {  	s29 =	simm.s32 $0xB;
	s26 =	sadd.s32 s4, s9;
	[dreg:$0x3] =	wrdreg s25  }
0x21: {  	s30 =	simm.s32 $0xC;
	s9 =	sadd.s32 s5, s9;
	[dreg:$0xd] =	wrdreg s26  }
0x22: {  	p0 =	sgt.u32 s13, $0x1;
	s10 =	sadd.s32 $0x3000, s8;
	[dreg:$0xe] =	wrdreg s9  }
0x23: {  	s13 =	simm.s32 $0x180;
	s22 =	sadd.s32 $0xE000, s8;
	[dreg:$0x13] =	wrdreg s10  }
0x24: {  	s16 =	simm.s32 $0x8400;
	s23 =	sadd.s32 $0xF000, s8;
	[dreg:$0x1e] =	wrdreg s22  }
0x25: {  	s17 =	simm.s32 $0xD;
	s24 =	sadd.s32 $0x10000, s8;
	[dreg:$0x1f] =	wrdreg s23  }
0x26: {  	s18 =	simm.s32 $0x80;
	s9 =	sadd.s32 $0x2000, s8;
	[smem:$0x7FA] =	sst s24  }
0x27: {  	s25 =	sadd.s32 $0x11000, s8;
	s26 =	sadd.s32 $0x12000, s8;
	[dreg:$0x12] =	wrdreg s9  }
0x28: {  	s22 =	simm.s32 $0x400;
	s10 =	simm.s32 $0x0;
	[smem:$0x7FB] =	sst s25  }
0x29: {  	v0 =	vimm.f32 $0.0e+00;
	[smem:$0x7FC] =	sst s26;
	s25 =	simm.s32 $0x4400;
	s26 =	simm.s32 $0x9  }
.LBB2_1:
0x2a: {  	s11 =	simm.s32 $0x0;
	s12 =	simm.s32 $0x200  }
.LBB2_2:
0x2b: {  	p1 =	sne.s32 s12, $0x3E00;
	[tilespmem:s11+$0x8470] =	vst v0  }
0x2c: {  	[tilespmem:s11+$0x8400] =	vst v0  }
0x2d: {  	[tilespmem:s11+$0x8410] =	vst v0  }
.Ltmp0:
0x2e: {  	[tilespmem:s11+$0x8420] =	vst v0;
	(pc) =	sbr.rel @p1 .LBB2_2-.Ltmp0, $4  }
0x2f: {  	[tilespmem:s11+$0x8430] =	vst v0  }
0x30: {  	[tilespmem:s11+$0x8440] =	vst v0  }
0x31: {  	[tilespmem:s11+$0x8450] =	vst v0  }
0x32: {  	[tilespmem:s11+$0x8460] =	vst v0;
	s11 =	sshra.s32 s12, $0x2;
	s12 =	sadd.s32 $0x200, s12  }
0x33: {  	[tilespmem:s11+$0x8470] =	vst v0  }
0x34: {  	[tilespmem:s11+$0x8400] =	vst v0  }
0x35: {  	[tilespmem:s11+$0x8410] =	vst v0  }
0x36: {  	[tilespmem:s11+$0x8420] =	vst v0  }
0x37: {  	[tilespmem:s11+$0x8430] =	vst v0  }
0x38: {  	[tilespmem:s11+$0x8440] =	vst v0  }
0x39: {  	[tilespmem:s11+$0x8450] =	vst v0  }
0x3a: {  	[tilespmem:s11+$0x8460] =	vst v0  }
0x3b: {  	[spmem:s8] =	stream.linear.scatter [tilespmem:s16], [sflag:$0xD], $0x1000, $0x38;
	[tilespmem:$0x1D400] =	vst v63  }
0x3c: {  	_ =	swait.ge [sflag:s17], $0x1000  }
0x3d: {  	[sflag:s17] =	ssyncset.done $0x0  }
0x3e: {  	s0 =	rddreg [dreg:$0x11];
	[sflag:s17] =	ssyncadd.s32 $0xFFFFF000  }
0x3f: {  	[spmem:s0] =	stream.linear.scatter [tilespmem:s16], [sflag:$0xD], $0x1000, $0x38;
	[tilespmem:$0x1D400] =	vst v63  }
0x40: {  	_ =	swait.ge [sflag:s17], $0x1000  }
0x41: {  	[sflag:s17] =	ssyncset.done $0x0  }
0x42: {  	s14 =	rddreg [dreg:$0x12];
	[sflag:s17] =	ssyncadd.s32 $0xFFFFF000  }
0x43: {  	[spmem:s14] =	stream.linear.scatter [tilespmem:s16], [sflag:$0xD], $0x1000, $0x38;
	[tilespmem:$0x1D400] =	vst v63  }
0x44: {  	_ =	swait.ge [sflag:s17], $0x1000  }
0x45: {  	[sflag:s17] =	ssyncset.done $0x0  }
0x46: {  	s15 =	rddreg [dreg:$0x13];
	[sflag:s17] =	ssyncadd.s32 $0xFFFFF000  }
0x47: {  	[spmem:s15] =	stream.linear.scatter [tilespmem:s16], [sflag:$0xD], $0x1000, $0x38;
	[tilespmem:$0x1D400] =	vst v63  }
0x48: {  	_ =	swait.ge [sflag:s17], $0x1000  }
0x49: {  	[sflag:s17] =	ssyncset.done $0x0  }
0x4a: {  	s19 =	rddreg [dreg:$0x14];
	[sflag:s17] =	ssyncadd.s32 $0xFFFFF000  }
0x4b: {  	[spmem:s19] =	stream.linear.scatter [tilespmem:s16], [sflag:$0xD], $0x1000, $0x38;
	[tilespmem:$0x1D400] =	vst v63  }
0x4c: {  	_ =	swait.ge [sflag:s17], $0x1000  }
0x4d: {  	[sflag:s17] =	ssyncset.done $0x0  }
0x4e: {  	s20 =	rddreg [dreg:$0x15];
	[sflag:s17] =	ssyncadd.s32 $0xFFFFF000  }
0x4f: {  	[spmem:s20] =	stream.linear.scatter [tilespmem:s16], [sflag:$0xD], $0x1000, $0x38;
	[tilespmem:$0x1D400] =	vst v63  }
0x50: {  	_ =	swait.ge [sflag:s17], $0x1000  }
0x51: {  	[sflag:s17] =	ssyncset.done $0x0  }
0x52: {  	s21 =	rddreg [dreg:$0x16];
	[sflag:s17] =	ssyncadd.s32 $0xFFFFF000  }
0x53: {  	[spmem:s21] =	stream.linear.scatter [tilespmem:s16], [sflag:$0xD], $0x1000, $0x38;
	[tilespmem:$0x1D400] =	vst v63  }
0x54: {  	_ =	swait.ge [sflag:s17], $0x1000  }
0x55: {  	[sflag:s17] =	ssyncset.done $0x0  }
0x56: {  	s23 =	rddreg [dreg:$0x17];
	[sflag:s17] =	ssyncadd.s32 $0xFFFFF000  }
0x57: {  	[spmem:s23] =	stream.linear.scatter [tilespmem:s16], [sflag:$0xD], $0x1000, $0x38;
	[tilespmem:$0x1D400] =	vst v63  }
0x58: {  	_ =	swait.ge [sflag:s17], $0x1000  }
0x59: {  	[sflag:s17] =	ssyncset.done $0x0  }
0x5a: {  	s24 =	rddreg [dreg:$0x18];
	[sflag:s17] =	ssyncadd.s32 $0xFFFFF000  }
0x5b: {  	[spmem:s24] =	stream.linear.scatter [tilespmem:s16], [sflag:$0xD], $0x1000, $0x38;
	[tilespmem:$0x1D400] =	vst v63  }
0x5c: {  	_ =	swait.ge [sflag:s17], $0x1000  }
0x5d: {  	[sflag:s17] =	ssyncset.done $0x0  }
0x5e: {  	s31 =	rddreg [dreg:$0x19];
	[sflag:s17] =	ssyncadd.s32 $0xFFFFF000  }
0x5f: {  	[spmem:s31] =	stream.linear.scatter [tilespmem:s16], [sflag:$0xD], $0x1000, $0x38;
	[tilespmem:$0x1D400] =	vst v63  }
0x60: {  	_ =	swait.ge [sflag:s17], $0x1000  }
0x61: {  	[sflag:s17] =	ssyncset.done $0x0  }
0x62: {  	s2 =	rddreg [dreg:$0x1a];
	[sflag:s17] =	ssyncadd.s32 $0xFFFFF000  }
0x63: {  	[spmem:s2] =	stream.linear.scatter [tilespmem:s16], [sflag:$0xD], $0x1000, $0x38;
	[tilespmem:$0x1D400] =	vst v63  }
0x64: {  	_ =	swait.ge [sflag:s17], $0x1000  }
0x65: {  	[sflag:s17] =	ssyncset.done $0x0  }
0x66: {  	s8 =	rddreg [dreg:$0x1b];
	[sflag:s17] =	ssyncadd.s32 $0xFFFFF000  }
0x67: {  	[spmem:s8] =	stream.linear.scatter [tilespmem:s16], [sflag:$0xD], $0x1000, $0x38;
	[tilespmem:$0x1D400] =	vst v63  }
0x68: {  	_ =	swait.ge [sflag:s17], $0x1000  }
0x69: {  	[sflag:s17] =	ssyncset.done $0x0  }
0x6a: {  	s9 =	rddreg [dreg:$0x1c];
	[sflag:s17] =	ssyncadd.s32 $0xFFFFF000  }
0x6b: {  	[spmem:s9] =	stream.linear.scatter [tilespmem:s16], [sflag:$0xD], $0x1000, $0x38;
	[tilespmem:$0x1D400] =	vst v63  }
0x6c: {  	_ =	swait.ge [sflag:s17], $0x1000  }
0x6d: {  	[sflag:s17] =	ssyncset.done $0x0  }
0x6e: {  	s11 =	rddreg [dreg:$0x1d];
	[sflag:s17] =	ssyncadd.s32 $0xFFFFF000  }
0x6f: {  	[spmem:s11] =	stream.linear.scatter [tilespmem:s16], [sflag:$0xD], $0x1000, $0x38;
	[tilespmem:$0x1D400] =	vst v63  }
0x70: {  	_ =	swait.ge [sflag:s17], $0x1000  }
0x71: {  	[sflag:s17] =	ssyncset.done $0x0  }
0x72: {  	s12 =	rddreg [dreg:$0x1e];
	[sflag:s17] =	ssyncadd.s32 $0xFFFFF000  }
0x73: {  	[spmem:s12] =	stream.linear.scatter [tilespmem:s16], [sflag:$0xD], $0x1000, $0x38;
	[tilespmem:$0x1D400] =	vst v63  }
0x74: {  	_ =	swait.ge [sflag:s17], $0x1000  }
0x75: {  	[sflag:s17] =	ssyncset.done $0x0  }
0x76: {  	s14 =	rddreg [dreg:$0x1f];
	[sflag:s17] =	ssyncadd.s32 $0xFFFFF000  }
0x77: {  	[spmem:s14] =	stream.linear.scatter [tilespmem:s16], [sflag:$0xD], $0x1000, $0x38;
	[tilespmem:$0x1D400] =	vst v63  }
0x78: {  	_ =	swait.ge [sflag:s17], $0x1000  }
0x79: {  	s15 =	sld [smem:$0x7FA]  }
0x7a: {  	[sflag:s17] =	ssyncset.done $0x0  }
0x7b: {  	[sflag:s17] =	ssyncadd.s32 $0xFFFFF000  }
0x7c: {  	[spmem:s15] =	stream.linear.scatter [tilespmem:s16], [sflag:$0xD], $0x1000, $0x38;
	[tilespmem:$0x1D400] =	vst v63  }
0x7d: {  	_ =	swait.ge [sflag:s17], $0x1000  }
0x7e: {  	s19 =	sld [smem:$0x7FB]  }
0x7f: {  	[sflag:s17] =	ssyncset.done $0x0  }
0x80: {  	[sflag:s17] =	ssyncadd.s32 $0xFFFFF000  }
0x81: {  	[spmem:s19] =	stream.linear.scatter [tilespmem:s16], [sflag:$0xD], $0x1000, $0x38;
	[tilespmem:$0x1D400] =	vst v63  }
0x82: {  	_ =	swait.ge [sflag:s17], $0x1000  }
0x83: {  	s20 =	sld [smem:$0x7FC]  }
0x84: {  	[sflag:s17] =	ssyncset.done $0x0  }
0x85: {  	[sflag:s17] =	ssyncadd.s32 $0xFFFFF000  }
0x86: {  	[spmem:s20] =	stream.linear.scatter [tilespmem:s16], [sflag:$0xD], $0x1000, $0x38;
	[tilespmem:$0x1D400] =	vst v63  }
0x87: {  	_ =	swait.ge [sflag:s17], $0x1000  }
0x88: {  	s21 =	sld [smem:$0x7FD]  }
0x89: {  	[sflag:s17] =	ssyncset.done $0x0  }
0x8a: {  	[sflag:s17] =	ssyncadd.s32 $0xFFFFF000  }
0x8b: {  	[spmem:s21] =	stream.linear.scatter [tilespmem:s16], [sflag:$0xD], $0x1000, $0x38;
	[tilespmem:$0x1D400] =	vst v63  }
0x8c: {  	_ =	swait.ge [sflag:s17], $0x1000  }
0x8d: {  	[sflag:s17] =	ssyncset.done $0x0  }
0x8e: {  	[sflag:s17] =	ssyncadd.s32 $0xFFFFF000  }
0x8f: {  	[bflag:$0x0] =	sbarrier.arrive $0xFFFF  }
0x90: {  	s11 =	simm.s32 $0x0;
	s23 =	rddreg [dreg:$0x5]  }
0x91: {  	[tilespmem:s11], [sflag:$0x1] =	stream.linear.gather [hbm4b:s23+s11], $0x80, $0x38;
	[tilespmem:$0x1D400] =	vst v63  }
0x92: {  	s24 =	rddreg [dreg:$0x6]  }
0x93: {  	[tilespmem:s18], [sflag:$0x5] =	stream.linear.gather [hbm4b:s24+s11], $0x80, $0x38;
	[tilespmem:$0x1D400] =	vst v63  }
0x94: {  	s2 =	simm.s32 $0x100;
	s31 =	rddreg [dreg:$0x7]  }
0x95: {  	[tilespmem:s2], [sflag:$0x2] =	stream.linear.gather [hbm4b:s31+s11], $0x80, $0x38;
	[tilespmem:$0x1D400] =	vst v63  }
0x96: {  	s8 =	rddreg [dreg:$0x8]  }
0x97: {  	[tilespmem:s13], [sflag:$0x6] =	stream.linear.gather [hbm4b:s8+s11], $0x80, $0x38;
	[tilespmem:$0x1D400] =	vst v63  }
0x98: {  	s12 =	simm.s32 $0x200;
	s9 =	rddreg [dreg:$0x9]  }
0x99: {  	[tilespmem:s12], [sflag:$0x3] =	stream.linear.gather [hbm4b:s9+s11], $0x80, $0x38;
	[tilespmem:$0x1D400] =	vst v63  }
0x9a: {  	s14 =	simm.s32 $0x280;
	s13 =	rddreg [dreg:$0xa]  }
0x9b: {  	[tilespmem:s14], [sflag:$0x7] =	stream.linear.gather [hbm4b:s13+s11], $0x80, $0x38;
	[tilespmem:$0x1D400] =	vst v63  }
0x9c: {  	s19 =	simm.s32 $0x300;
	s15 =	rddreg [dreg:$0xb]  }
0x9d: {  	[tilespmem:s19], [sflag:$0x4] =	stream.linear.gather [hbm4b:s15+s11], $0x80, $0x38;
	[tilespmem:$0x1D400] =	vst v63  }
0x9e: {  	s21 =	simm.s32 $0x380;
	s20 =	rddreg [dreg:$0xc];
	s23 =	simm.s32 $0x1  }
0x9f: {  	[tilespmem:s21], [sflag:$0x8] =	stream.linear.gather [hbm4b:s20+s11], $0x80, $0x38;
	[tilespmem:$0x1D400] =	vst v63  }
0xa0: {  	_ =	swait.ge [sflag:s23], $0x80  }
0xa1: {  	[sflag:s23] =	ssyncset.done $0x0  }
0xa2: {  	s12 =	simm.s32 $0x5;
	[sflag:s23] =	ssyncadd.s32 $0xFFFFFF80  }
0xa3: {  	_ =	swait.ge [sflag:s12], $0x80  }
0xa4: {  	[sflag:s12] =	ssyncset.done $0x0  }
0xa5: {  	s24 =	simm.s32 $0x2;
	[sflag:s12] =	ssyncadd.s32 $0xFFFFFF80  }
0xa6: {  	[tilespmem:s22], [sflag:$0x9] =	stream.indirect.gather [hbm4b:s6+s18], $0x80, s11, s18, $0xb8;
	[tilespmem:$0x1D400] =	vst v63  }
0xa7: {  	_ =	swait.ge [sflag:s24], $0x80  }
0xa8: {  	[sflag:s24] =	ssyncset.done $0x0  }
0xa9: {  	s31 =	simm.s32 $0x6;
	[sflag:s24] =	ssyncadd.s32 $0xFFFFFF80  }
0xaa: {  	_ =	swait.ge [sflag:s31], $0x80  }
0xab: {  	[sflag:s31] =	ssyncset.done $0x0  }
0xac: {  	[sflag:s31] =	ssyncadd.s32 $0xFFFFFF80  }
0xad: {  	[tilespmem:s25], [sflag:$0xA] =	stream.indirect.gather [hbm4b:s6+s18], $0x80, s2, s18, $0xb8;
	[tilespmem:$0x1D400] =	vst v63  }
0xae: {  	_ =	swait.ge [sflag:s26], $0x4000  }
0xaf: {  	s11 =	sand.u32 $0x200, s11;
	[sflag:s26] =	ssyncset.done $0x0  }
0xb0: {  	s13 =	simm.s32 $0x0;
	s14 =	sor.u32 $0x80, s11;
	[sflag:s26] =	ssyncadd.s32 $0xFFFFC000  }
0xb1: {  	[spmem:s1] =	stream.indirect.scatter.add.f32 [tilespmem:s22], [sflag:$0xB], $0x80, s14, s18, $0xb8;
	[tilespmem:$0x1D400] =	vst v63  }
0xb2: {  	s14 =	sand.u32 $0x2, s13;
	_ =	swait.ge [sflag:s28], $0x4000  }
0xb3: {  	s15 =	sxor.u32 $0x2, s14;
	[sflag:s28] =	ssyncset.done $0x0  }
0xb4: {  	s11 =	sor.u32 $0x180, s11;
	s19 =	sor.u32 $0x1, s15;
	[sflag:s28] =	ssyncadd.s32 $0xFFFFC000  }
0xb5: {  	[spmem:s1] =	stream.indirect.scatter.add.f32 [tilespmem:s25], [sflag:$0xC], $0x80, s11, s18, $0xb8;
	[tilespmem:$0x1D400] =	vst v63  }
0xb6: {  	_ =	swait.ge [sflag:s19], $0x80  }
0xb7: {  	[sflag:s19] =	ssyncset.done $0x0  }
0xb8: {  	s0 =	sor.u32 $0x5, s15;
	[sflag:s19] =	ssyncadd.s32 $0xFFFFFF80  }
0xb9: {  	_ =	swait.ge [sflag:s0], $0x80  }
0xba: {  	[sflag:s0] =	ssyncset.done $0x0  }
0xbb: {  	[sflag:s0] =	ssyncadd.s32 $0xFFFFFF80  }
0xbc: {  	s2 =	simm.s32 $0x3;
	_ =	swait.ge [sflag:s29], $0x4000  }
0xbd: {  	s23 =	sand.u32 $0x3, s2;
	[sflag:s29] =	ssyncset.done $0x0  }
0xbe: {  	s21 =	sadd.s32 $0x1, s23;
	s8 =	sshll.u32 s15, $0x8;
	[sflag:s29] =	ssyncadd.s32 $0xFFFFC000  }
0xbf: {  	[tilespmem:s22], [sflag:$0x9] =	stream.indirect.gather [hbm4b:s6+s18], $0x80, s8, s18, $0xb8;
	[tilespmem:$0x1D400] =	vst v63  }
0xc0: {  	s9 =	smin.u32 s12, $0x4D;
	s20 =	simm.s32 $0x7;
	_ =	swait.ge [sflag:s21], $0x80  }
0xc1: {  	s31 =	sadd.s32 s7, s9;
	s24 =	sadd.s32 $0x5, s23;
	[sflag:s21] =	ssyncset.done $0x0  }
0xc2: {  	s15 =	simm.s32 $0xB;
	s11 =	simm.s32 $0x200;
	[sflag:s21] =	ssyncadd.s32 $0xFFFFFF80  }
0xc3: {  	s19 =	simm.s32 $0x9;
	s21 =	sshll.u32 s31, $0x4;
	_ =	swait.ge [sflag:s24], $0x80  }
.LBB2_4:
0xc4: {  	[sflag:s24] =	ssyncset.done $0x0  }
0xc5: {  	[sflag:s24] =	ssyncadd.s32 $0xFFFFFF80  }
0xc6: {  	_ =	swait.ge [sflag:s30], $0x4000  }
0xc7: {  	s13 =	smin.u32 s13, $0x49;
	[sflag:s30] =	ssyncset.done $0x0;
	s0 =	rddreg [dreg:$0x3]  }
0xc8: {  	s23 =	sshll.u32 s23, $0x8;
	[sflag:s30] =	ssyncadd.s32 $0xFFFFC000;
	s0 =	sadd.s32 s13, s0  }
0xc9: {  	[tilespmem:s25], [sflag:$0xA] =	stream.indirect.gather [hbm4b:s6+s18], $0x80, s23, s18, $0xb8;
	[tilespmem:$0x1D400] =	vst v63  }
0xca: {  	s8 =	sor.u32 $0x1, s14;
	s0 =	sshll.u32 s0, $0x4  }
0xcb: {  	s12 =	sand.u32 $0x3, s12;
	s23 =	sshll.u32 s14, $0x8;
	s9 =	sadd.s32 s4, s0  }
0xcc: {  	[tilespmem:s23], [sflag:s8] =	stream.linear.gather [hbm4b:s9+s3], $0x80, $0x38;
	[tilespmem:$0x1D400] =	vst v63  }
0xcd: {  	s14 =	sor.u32 $0x5, s14;
	s0 =	sadd.s32 s5, s0;
	s23 =	sor.u32 $0x80, s23  }
0xce: {  	[tilespmem:s23], [sflag:s14] =	stream.linear.gather [hbm4b:s0+s3], $0x80, $0x38;
	[tilespmem:$0x1D400] =	vst v63  }
0xcf: {  	s24 =	sadd.s32 $0x1, s12;
	s9 =	sshll.u32 s12, $0x8;
	s23 =	sadd.s32 s4, s21  }
0xd0: {  	[tilespmem:s9], [sflag:s24] =	stream.linear.gather [hbm4b:s23+s3], $0x80, $0x38;
	[tilespmem:$0x1D400] =	vst v63  }
0xd1: {  	s12 =	sadd.s32 $0x5, s12;
	s9 =	sor.u32 $0x80, s9;
	s24 =	sadd.s32 s5, s21  }
0xd2: {  	[tilespmem:s9], [sflag:s12] =	stream.linear.gather [hbm4b:s24+s3], $0x80, $0x38;
	[tilespmem:$0x1D400] =	vst v63  }
0xd3: {  	_ =	swait.ge [sflag:s26], $0x4000  }
0xd4: {  	s13 =	sadd.s32 $0xFFFFFFFB, s20;
	s8 =	sand.u32 $0x200, s11;
	[sflag:s26] =	ssyncset.done $0x0  }
0xd5: {  	s2 =	sand.u32 $0x2, s13;
	s0 =	sor.u32 $0x80, s8;
	[sflag:s26] =	ssyncadd.s32 $0xFFFFC000  }
0xd6: {  	[spmem:s1] =	stream.indirect.scatter.add.f32 [tilespmem:s22], [sflag:$0xB], $0x80, s0, s18, $0xb8;
	[tilespmem:$0x1D400] =	vst v63  }
0xd7: {  	s14 =	smov.u32 s2;
	_ =	swait.ge [sflag:s28], $0x4000  }
0xd8: {  	s9 =	sxor.u32 $0x2, s14;
	[sflag:s28] =	ssyncset.done $0x0  }
0xd9: {  	s21 =	sor.u32 $0x180, s8;
	s23 =	sor.u32 $0x1, s9;
	[sflag:s28] =	ssyncadd.s32 $0xFFFFC000  }
0xda: {  	[spmem:s1] =	stream.indirect.scatter.add.f32 [tilespmem:s25], [sflag:$0xC], $0x80, s21, s18, $0xb8;
	[tilespmem:$0x1D400] =	vst v63  }
0xdb: {  	_ =	swait.ge [sflag:s23], $0x80  }
0xdc: {  	[sflag:s23] =	ssyncset.done $0x0  }
0xdd: {  	s24 =	sor.u32 $0x5, s9;
	[sflag:s23] =	ssyncadd.s32 $0xFFFFFF80  }
0xde: {  	_ =	swait.ge [sflag:s24], $0x80  }
0xdf: {  	[sflag:s24] =	ssyncset.done $0x0  }
0xe0: {  	p1 =	sne.s32 s15, $0x4F;
	s31 =	smov.u32 s15;
	[sflag:s24] =	ssyncadd.s32 $0xFFFFFF80  }
0xe1: {  	s12 =	smov.u32 s20;
	s20 =	smov.u32 s19;
	_ =	swait.ge [sflag:s29], $0x4000  }
0xe2: {  	s19 =	smov.u32 s31;
	s31 =	sadd.s32 $0xFFFFFFFE, s12;
	[sflag:s29] =	ssyncset.done $0x0  }
0xe3: {  	s0 =	sshll.u32 s9, $0x8;
	s23 =	sand.u32 $0x3, s31;
	[sflag:s29] =	ssyncadd.s32 $0xFFFFC000  }
0xe4: {  	[tilespmem:s22], [sflag:$0x9] =	stream.indirect.gather [hbm4b:s6+s18], $0x80, s0, s18, $0xb8;
	[tilespmem:$0x1D400] =	vst v63  }
.Ltmp1:
0xe5: {  	s9 =	sadd.s32 $0x1, s23;
	(pc) =	sbr.rel @p1 .LBB2_4-.Ltmp1, $4  }
0xe6: {  	_ =	swait.ge [sflag:s9], $0x80  }
0xe7: {  	s15 =	sadd.s32 $0x2, s15;
	s21 =	smin.u32 s12, $0x4D;
	[sflag:s9] =	ssyncset.done $0x0  }
0xe8: {  	s31 =	sadd.s32 s7, s21;
	s24 =	sadd.s32 $0x5, s23;
	[sflag:s9] =	ssyncadd.s32 $0xFFFFFF80  }
0xe9: {  	s11 =	sadd.s32 $0x200, s11;
	s21 =	sshll.u32 s31, $0x4;
	_ =	swait.ge [sflag:s24], $0x80  }
0xea: {  	[sflag:s24] =	ssyncset.done $0x0  }
0xeb: {  	[sflag:s24] =	ssyncadd.s32 $0xFFFFFF80  }
0xec: {  	_ =	swait.ge [sflag:s30], $0x4000  }
0xed: {  	s8 =	smin.u32 s13, $0x49;
	[sflag:s30] =	ssyncset.done $0x0;
	s0 =	rddreg [dreg:$0x3]  }
0xee: {  	s2 =	sshll.u32 s23, $0x8;
	[sflag:s30] =	ssyncadd.s32 $0xFFFFC000;
	s0 =	sadd.s32 s8, s0  }
0xef: {  	[tilespmem:s25], [sflag:$0xA] =	stream.indirect.gather [hbm4b:s6+s18], $0x80, s2, s18, $0xb8;
	[tilespmem:$0x1D400] =	vst v63  }
0xf0: {  	s31 =	sshll.u32 s14, $0x8;
	s0 =	sshll.u32 s0, $0x4  }
0xf1: {  	s13 =	sand.u32 $0x3, s12;
	s24 =	sor.u32 $0x1, s14;
	s9 =	sadd.s32 s4, s0  }
0xf2: {  	[tilespmem:s31], [sflag:s24] =	stream.linear.gather [hbm4b:s9+s3], $0x80, $0x38;
	[tilespmem:$0x1D400] =	vst v63  }
0xf3: {  	s14 =	sor.u32 $0x5, s14;
	s8 =	sor.u32 $0x80, s31;
	s0 =	sadd.s32 s5, s0  }
0xf4: {  	[tilespmem:s8], [sflag:s14] =	stream.linear.gather [hbm4b:s0+s3], $0x80, $0x38;
	[tilespmem:$0x1D400] =	vst v63  }
0xf5: {  	s15 =	sshll.u32 s13, $0x8;
	s23 =	sadd.s32 $0x1, s13;
	s24 =	sadd.s32 s4, s21  }
0xf6: {  	[tilespmem:s15], [sflag:s23] =	stream.linear.gather [hbm4b:s24+s3], $0x80, $0x38;
	[tilespmem:$0x1D400] =	vst v63  }
0xf7: {  	s2 =	sadd.s32 $0x5, s13;
	s31 =	sadd.s32 s5, s21;
	s0 =	sor.u32 $0x80, s15  }
0xf8: {  	[tilespmem:s0], [sflag:s2] =	stream.linear.gather [hbm4b:s31+s3], $0x80, $0x38;
	[tilespmem:$0x1D400] =	vst v63  }
0xf9: {  	_ =	swait.ge [sflag:s26], $0x4000  }
0xfa: {  	s9 =	sand.u32 $0x200, s11;
	[sflag:s26] =	ssyncset.done $0x0  }
0xfb: {  	s12 =	sor.u32 $0x80, s9;
	s2 =	sadd.s32 $0xFFFFFFFB, s20;
	[sflag:s26] =	ssyncadd.s32 $0xFFFFC000  }
0xfc: {  	[spmem:s1] =	stream.indirect.scatter.add.f32 [tilespmem:s22], [sflag:$0xB], $0x80, s12, s18, $0xb8;
	[tilespmem:$0x1D400] =	vst v63  }
0xfd: {  	s8 =	sand.u32 $0x2, s2;
	_ =	swait.ge [sflag:s28], $0x4000  }
0xfe: {  	s13 =	sxor.u32 $0x2, s8;
	[sflag:s28] =	ssyncset.done $0x0  }
0xff: {  	s0 =	sor.u32 $0x180, s9;
	s14 =	sor.u32 $0x1, s13;
	[sflag:s28] =	ssyncadd.s32 $0xFFFFC000  }
0x100: {  	[spmem:s1] =	stream.indirect.scatter.add.f32 [tilespmem:s25], [sflag:$0xC], $0x80, s0, s18, $0xb8;
	[tilespmem:$0x1D400] =	vst v63  }
0x101: {  	_ =	swait.ge [sflag:s14], $0x80  }
0x102: {  	[sflag:s14] =	ssyncset.done $0x0  }
0x103: {  	s15 =	sor.u32 $0x5, s13;
	[sflag:s14] =	ssyncadd.s32 $0xFFFFFF80  }
0x104: {  	_ =	swait.ge [sflag:s15], $0x80  }
0x105: {  	[sflag:s15] =	ssyncset.done $0x0  }
0x106: {  	[sflag:s15] =	ssyncadd.s32 $0xFFFFFF80  }
0x107: {  	s21 =	sadd.s32 $0xFFFFFFFE, s20;
	_ =	swait.ge [sflag:s29], $0x4000  }
0x108: {  	s0 =	sand.u32 $0x3, s21;
	[sflag:s29] =	ssyncset.done $0x0  }
0x109: {  	s9 =	sshll.u32 s13, $0x8;
	s23 =	sadd.s32 $0x1, s0;
	[sflag:s29] =	ssyncadd.s32 $0xFFFFC000  }
0x10a: {  	[tilespmem:s22], [sflag:$0x9] =	stream.indirect.gather [hbm4b:s6+s18], $0x80, s9, s18, $0xb8;
	[tilespmem:$0x1D400] =	vst v63  }
0x10b: {  	_ =	swait.ge [sflag:s23], $0x80  }
0x10c: {  	[sflag:s23] =	ssyncset.done $0x0  }
0x10d: {  	s24 =	sadd.s32 $0x5, s0;
	[sflag:s23] =	ssyncadd.s32 $0xFFFFFF80  }
0x10e: {  	_ =	swait.ge [sflag:s24], $0x80  }
0x10f: {  	[sflag:s24] =	ssyncset.done $0x0  }
0x110: {  	[sflag:s24] =	ssyncadd.s32 $0xFFFFFF80  }
0x111: {  	s2 =	smin.u32 s2, $0x49;
	s13 =	sshll.u32 s8, $0x8;
	_ =	swait.ge [sflag:s30], $0x4000  }
0x112: {  	s12 =	sor.u32 $0x1, s8;
	[sflag:s30] =	ssyncset.done $0x0;
	s31 =	rddreg [dreg:$0x3]  }
0x113: {  	s0 =	sshll.u32 s0, $0x8;
	[sflag:s30] =	ssyncadd.s32 $0xFFFFC000;
	s9 =	sadd.s32 s2, s31  }
0x114: {  	[tilespmem:s25], [sflag:$0xA] =	stream.indirect.gather [hbm4b:s6+s18], $0x80, s0, s18, $0xb8;
	[tilespmem:$0x1D400] =	vst v63  }
0x115: {  	s8 =	sor.u32 $0x5, s8;
	s15 =	smin.u32 s20, $0x4D;
	s0 =	sshll.u32 s9, $0x4  }
0x116: {  	s21 =	sand.u32 $0x3, s20;
	s2 =	sadd.s32 s7, s15;
	s14 =	sadd.s32 s4, s0  }
0x117: {  	[tilespmem:s13], [sflag:s12] =	stream.linear.gather [hbm4b:s14+s3], $0x80, $0x38;
	[tilespmem:$0x1D400] =	vst v63  }
0x118: {  	s2 =	sshll.u32 s2, $0x4;
	s9 =	sor.u32 $0x80, s13;
	s0 =	sadd.s32 s5, s0  }
0x119: {  	[tilespmem:s9], [sflag:s8] =	stream.linear.gather [hbm4b:s0+s3], $0x80, $0x38;
	[tilespmem:$0x1D400] =	vst v63  }
0x11a: {  	s23 =	sshll.u32 s21, $0x8;
	s24 =	sadd.s32 $0x1, s21;
	s31 =	sadd.s32 s4, s2  }
0x11b: {  	[tilespmem:s23], [sflag:s24] =	stream.linear.gather [hbm4b:s31+s3], $0x80, $0x38;
	[tilespmem:$0x1D400] =	vst v63  }
0x11c: {  	s2 =	sadd.s32 s5, s2;
	s12 =	sadd.s32 $0x5, s21;
	s0 =	sor.u32 $0x80, s23  }
0x11d: {  	[tilespmem:s0], [sflag:s12] =	stream.linear.gather [hbm4b:s2+s3], $0x80, $0x38;
	[tilespmem:$0x1D400] =	vst v63  }
0x11e: {  	s13 =	sadd.s32 $0x200, s11;
	_ =	swait.ge [sflag:s26], $0x4000  }
0x11f: {  	s0 =	sand.u32 $0x200, s13;
	[sflag:s26] =	ssyncset.done $0x0  }
0x120: {  	s14 =	sadd.s32 $0xFFFFFFFB, s19;
	s15 =	sor.u32 $0x80, s0;
	[sflag:s26] =	ssyncadd.s32 $0xFFFFC000  }
0x121: {  	[spmem:s1] =	stream.indirect.scatter.add.f32 [tilespmem:s22], [sflag:$0xB], $0x80, s15, s18, $0xb8;
	[tilespmem:$0x1D400] =	vst v63  }
0x122: {  	s8 =	sand.u32 $0x2, s14;
	_ =	swait.ge [sflag:s28], $0x4000  }
0x123: {  	s20 =	sxor.u32 $0x2, s8;
	[sflag:s28] =	ssyncset.done $0x0  }
0x124: {  	s21 =	sor.u32 $0x1, s20;
	s0 =	sor.u32 $0x180, s0;
	[sflag:s28] =	ssyncadd.s32 $0xFFFFC000  }
0x125: {  	[spmem:s1] =	stream.indirect.scatter.add.f32 [tilespmem:s25], [sflag:$0xC], $0x80, s0, s18, $0xb8;
	[tilespmem:$0x1D400] =	vst v63  }
0x126: {  	_ =	swait.ge [sflag:s21], $0x80  }
0x127: {  	[sflag:s21] =	ssyncset.done $0x0  }
0x128: {  	s23 =	sor.u32 $0x5, s20;
	[sflag:s21] =	ssyncadd.s32 $0xFFFFFF80  }
0x129: {  	_ =	swait.ge [sflag:s23], $0x80  }
0x12a: {  	[sflag:s23] =	ssyncset.done $0x0  }
0x12b: {  	[sflag:s23] =	ssyncadd.s32 $0xFFFFFF80  }
0x12c: {  	s24 =	sadd.s32 $0xFFFFFFFE, s19;
	_ =	swait.ge [sflag:s29], $0x4000  }
0x12d: {  	s0 =	sand.u32 $0x3, s24;
	[sflag:s29] =	ssyncset.done $0x0  }
0x12e: {  	s9 =	sshll.u32 s20, $0x8;
	s31 =	sadd.s32 $0x1, s0;
	[sflag:s29] =	ssyncadd.s32 $0xFFFFC000  }
0x12f: {  	[tilespmem:s22], [sflag:$0x9] =	stream.indirect.gather [hbm4b:s6+s18], $0x80, s9, s18, $0xb8;
	[tilespmem:$0x1D400] =	vst v63  }
0x130: {  	_ =	swait.ge [sflag:s31], $0x80  }
0x131: {  	[sflag:s31] =	ssyncset.done $0x0  }
0x132: {  	s12 =	sadd.s32 $0x5, s0;
	[sflag:s31] =	ssyncadd.s32 $0xFFFFFF80  }
0x133: {  	_ =	swait.ge [sflag:s12], $0x80  }
0x134: {  	[sflag:s12] =	ssyncset.done $0x0  }
0x135: {  	[sflag:s12] =	ssyncadd.s32 $0xFFFFFF80  }
0x136: {  	s20 =	sshll.u32 s8, $0x8;
	s2 =	smin.u32 s14, $0x49;
	_ =	swait.ge [sflag:s30], $0x4000  }
0x137: {  	s15 =	sor.u32 $0x1, s8;
	[sflag:s30] =	ssyncset.done $0x0;
	s13 =	rddreg [dreg:$0x3]  }
0x138: {  	s0 =	sshll.u32 s0, $0x8;
	[sflag:s30] =	ssyncadd.s32 $0xFFFFC000;
	s14 =	sadd.s32 s2, s13  }
0x139: {  	[tilespmem:s25], [sflag:$0xA] =	stream.indirect.gather [hbm4b:s6+s18], $0x80, s0, s18, $0xb8;
	[tilespmem:$0x1D400] =	vst v63  }
0x13a: {  	s8 =	sor.u32 $0x5, s8;
	s23 =	smin.u32 s19, $0x4D;
	s0 =	sshll.u32 s14, $0x4  }
0x13b: {  	s24 =	sand.u32 $0x3, s19;
	s2 =	sadd.s32 s7, s23;
	s21 =	sadd.s32 s4, s0  }
0x13c: {  	[tilespmem:s20], [sflag:s15] =	stream.linear.gather [hbm4b:s21+s3], $0x80, $0x38;
	[tilespmem:$0x1D400] =	vst v63  }
0x13d: {  	s9 =	sor.u32 $0x80, s20;
	s2 =	sshll.u32 s2, $0x4;
	s0 =	sadd.s32 s5, s0  }
0x13e: {  	[tilespmem:s9], [sflag:s8] =	stream.linear.gather [hbm4b:s0+s3], $0x80, $0x38;
	[tilespmem:$0x1D400] =	vst v63  }
0x13f: {  	s31 =	sshll.u32 s24, $0x8;
	s12 =	sadd.s32 s4, s2;
	s9 =	sadd.s32 $0x1, s24  }
0x140: {  	[tilespmem:s31], [sflag:s9] =	stream.linear.gather [hbm4b:s12+s3], $0x80, $0x38;
	[tilespmem:$0x1D400] =	vst v63  }
0x141: {  	s13 =	sadd.s32 $0x5, s24;
	s2 =	sadd.s32 s5, s2;
	s0 =	sor.u32 $0x80, s31  }
0x142: {  	[tilespmem:s0], [sflag:s13] =	stream.linear.gather [hbm4b:s2+s3], $0x80, $0x38;
	[tilespmem:$0x1D400] =	vst v63  }
0x143: {  	_ =	swait.ge [sflag:s26], $0x4000  }
0x144: {  	[sflag:s26] =	ssyncset.done $0x0  }
0x145: {  	[sflag:s26] =	ssyncadd.s32 $0xFFFFC000  }
0x146: {  	[spmem:s1] =	stream.indirect.scatter.add.f32 [tilespmem:s22], [sflag:$0xB], $0x80, s18, s18, $0xb8;
	[tilespmem:$0x1D400] =	vst v63  }
0x147: {  	_ =	swait.ge [sflag:s28], $0x4000  }
0x148: {  	[sflag:s28] =	ssyncset.done $0x0  }
0x149: {  	s13 =	simm.s32 $0x180;
	[sflag:s28] =	ssyncadd.s32 $0xFFFFC000  }
0x14a: {  	[spmem:s1] =	stream.indirect.scatter.add.f32 [tilespmem:s25], [sflag:$0xC], $0x80, s13, s18, $0xb8;
	[tilespmem:$0x1D400] =	vst v63  }
0x14b: {  	_ =	swait.ge [sflag:s29], $0x4000  }
0x14c: {  	[sflag:s29] =	ssyncset.done $0x0  }
0x14d: {  	[sflag:s29] =	ssyncadd.s32 $0xFFFFC000  }
0x14e: {  	_ =	swait.ge [sflag:s30], $0x4000  }
0x14f: {  	[sflag:s30] =	ssyncset.done $0x0  }
0x150: {  	s14 =	simm.s32 $0x3;
	[sflag:s30] =	ssyncadd.s32 $0xFFFFC000  }
0x151: {  	_ =	swait.ge [sflag:s14], $0x80  }
0x152: {  	[sflag:s14] =	ssyncset.done $0x0  }
0x153: {  	s15 =	simm.s32 $0x7;
	[sflag:s14] =	ssyncadd.s32 $0xFFFFFF80  }
0x154: {  	_ =	swait.ge [sflag:s15], $0x80  }
0x155: {  	[sflag:s15] =	ssyncset.done $0x0  }
0x156: {  	s19 =	simm.s32 $0x4;
	[sflag:s15] =	ssyncadd.s32 $0xFFFFFF80  }
0x157: {  	_ =	swait.ge [sflag:s19], $0x80  }
0x158: {  	[sflag:s19] =	ssyncset.done $0x0  }
0x159: {  	s20 =	simm.s32 $0x8;
	[sflag:s19] =	ssyncadd.s32 $0xFFFFFF80  }
0x15a: {  	_ =	swait.ge [sflag:s20], $0x80  }
0x15b: {  	[sflag:s20] =	ssyncset.done $0x0  }
0x15c: {  	s0 =	simm.s32 @!p0 $0x0;
	s2 =	rddreg [dreg:$0xd];
	[sflag:s20] =	ssyncadd.s32 $0xFFFFFF80  }
0x15d: {  	[tilespmem:s0], [sflag:$0xD] =	stream.linear.gather @!p0 [hbm4b:s2+s0], $0x80, $0x38;
	[tilespmem:$0x1D400] =	vst v63  }
0x15e: {  	s2 =	simm.s32 @!p0 $0xD  }
0x15f: {  	_ =	swait.ge @!p0 [sflag:s2], $0x80  }
0x160: {  	[sflag:s2] =	ssyncset.done @!p0 $0x0  }
0x161: {  	s8 =	simm.s32 @!p0 $0x80;
	s9 =	rddreg [dreg:$0xe];
	[sflag:s2] =	ssyncadd.s32 @!p0 $0xFFFFFF80  }
0x162: {  	[tilespmem:s8], [sflag:$0xD] =	stream.linear.gather @!p0 [hbm4b:s9+s0], $0x80, $0x38;
	[tilespmem:$0x1D400] =	vst v63  }
0x163: {  	_ =	swait.ge @!p0 [sflag:s2], $0x80  }
0x164: {  	[sflag:s2] =	ssyncset.done @!p0 $0x0  }
0x165: {  	[sflag:s2] =	ssyncadd.s32 @!p0 $0xFFFFFF80;
	s2 =	simm.s32 @!p0 $0x400  }
0x166: {  	[tilespmem:s2], [sflag:$0x9] =	stream.indirect.gather @!p0 [hbm4b:s6+s8], $0x80, s0, s8, $0xb8;
	[tilespmem:$0x1D400] =	vst v63  }
0x167: {  	s0 =	simm.s32 @!p0 $0x9  }
0x168: {  	_ =	swait.ge @!p0 [sflag:s0], $0x4000  }
0x169: {  	[sflag:s0] =	ssyncset.done @!p0 $0x0  }
0x16a: {  	[sflag:s0] =	ssyncadd.s32 @!p0 $0xFFFFC000;
	s0 =	simm.s32 @!p0 $0xB  }
0x16b: {  	[spmem:s1] =	stream.indirect.scatter.add.f32 @!p0 [tilespmem:s2], [sflag:$0xB], $0x80, s8, s8, $0xb8;
	[tilespmem:$0x1D400] =	vst v63  }
0x16c: {  	_ =	swait.ge @!p0 [sflag:s0], $0x4000  }
0x16d: {  	[sflag:s0] =	ssyncset.done @!p0 $0x0  }
0x16e: {  	[sflag:s0] =	ssyncadd.s32 @!p0 $0xFFFFC000  }
0x16f: {  	s21 =	stileid.u32;
	[bflag:$0x0] =	sbarrier.arrive $0xFFFF  }
0x170: {  	s0 =	sshll.u32 s21, $0x6;
	s8 =	rddreg [dreg:$0x4]  }
0x171: {  	s0 =	sor.u32 $0x1C0D, s0;
	s24 =	rddreg [dreg:$0xf];
	s23 =	sshrl.u32 s8, $0x3  }
0x172: {  	[hbm:s24], [sflag:s0] =	dma.local [spmem:s23], $0x2800  }
0x173: {  	_ =	swait.ge [sflag:s17], $0x2800  }
0x174: {  	s10 =	sadd.s32 $0x1, s10;
	s31 =	rddreg [dreg:$0x10]  }
0x175: {  	p1 =	sne.s32 s10, s31  }
.Ltmp2:
0x176: {  	_ = 	snop;
	(pc) =	sbr.rel @p1 .LBB2_1-.Ltmp2, $3  }
0x177: {  	_ =	sdelay $0x1  }
0x178: {  	[sflag:s17] =	ssyncset.done $0x0  }
0x179: {  	[sflag:s17] =	ssyncadd.s32 $0xFFFFD800  }
0x17a: {  	_ =	sfence.sel $0x180000  }
0x17b: {  	[bflag:$0x0] =	sbarrier.arrive $0xFFFF  }
0x17c: {  	_ =	strace $0x9000004A  }
0x17d: {  	s0 =	stileid.u32;
	[bflag:$0x2] =	sbarrier.arrive $0xFFFF  }
0x17e: {  	p0 =	sne.s32 s0, $0x0;
	s0 =	rddreg [dreg:$0x2]  }
0x17f: {  	s0 =	sadd.s32 @!p0 $0x100000, s0  }
0x180: {  	[sflag:s0] =	ssyncadd.tile.s32 @!p0 $0x1;
	_ =	shalt  }
.Lfunc_end2:
_tile_overlayer_lowered:
.L_overlay_start_2:
0x181: {  	(tag) =	ssettag $0x2  }
0x182: {  	s0 =	rddreg [dreg:$0x0];
	s2 =	stileid.u32  }
0x183: {  	s1 =	rddreg [dreg:$0x1];
	p0 =	sne.s32 s2, $0x0  }
0x184: {  	s3 =	rddreg [dreg:$0x2];
	[bflag:$0x3] =	sbarrier.arrive $0xFFFF;
	s2 =	simm.s32 @!p0 $0x1C0D  }
0x185: {  	[timem:s3], [sflag:s2] =	dma.local @!p0 [hbm:s0], s1  }
0x186: {  	s0 =	simm.s32 @!p0 $0xD  }
0x187: {  	_ =	swait.ge @!p0 [sflag:s0], s1  }
0x188: {  	s1 =	ssub.s32 @!p0 $0x0, s1;
	[sflag:s0] =	ssyncset.done @!p0 $0x0  }
0x189: {  	[sflag:s0] =	ssyncadd.s32 @!p0 s1  }
0x18a: {  	[bflag:$0x3] =	sbarrier.arrive $0xFFFF  }
0x18b: {  	_ =	shalt  }

</sc_bundles>
